<compile_context>
chip_gen: v7x
topology: tpu7x:2x2x1
jax: 0.10.2.dev20260603
libtpu: 0.0.44.dev20260713+nightly
codegen_flags: <defaults>
</compile_context>

<pallas_src>
import functools

import jax
import jax.numpy as jnp
from jax import lax
from jax.experimental import pallas as pl
from jax.experimental.pallas import tpu as pltpu
from jax.experimental.pallas import tpu_sc as plsc

NC, NS = 2, 16
NW = NC * NS
NB, NSQ = 16384, 50
D = 64
GB = 128
NTB = NB // GB
NGRP = NSQ * NTB
GPW = NGRP // NW
NBUF = 2

_MESH = plsc.VectorSubcoreMesh(
    core_axis_name="c", subcore_axis_name="s", num_cores=NC, num_subcores=NS
)


TPITCH = GB + 1


@functools.partial(
    pl.kernel,
    out_type=jax.ShapeDtypeStruct((NSQ, D // 8, NTB, 8, GB), jnp.float32),
    mesh=_MESH,
    scratch_types=[
        pltpu.VMEM((3, NB), jnp.int32),
        pltpu.VMEM((NBUF, GB, 128), jnp.float32),
        pltpu.VMEM((NBUF, D, TPITCH), jnp.float32),
        pltpu.SemaphoreType.DMA,
        pltpu.SemaphoreType.DMA,
        pltpu.SemaphoreType.DMA,
        pltpu.SemaphoreType.DMA,
    ],
    compiler_params=pltpu.CompilerParams(
        use_tc_tiling_on_sc=False, needs_layout_passes=False),
)
def _embed_gather(table_hbm, idxt_hbm, out_hbm, idx_v, rows_v, till_v,
                  g0, g1, o0, o1):
    gsem = (g0, g1)
    osem = (o0, o1)
    wid = lax.axis_index("s") * NC + lax.axis_index("c")
    g_base = wid * GPW
    s_base = g_base // NTB
    s_clamp = jnp.minimum(s_base, NSQ - 3)
    pltpu.sync_copy(idxt_hbm.at[pl.ds(s_clamp, 3)], idx_v)

    iota16 = lax.iota(jnp.int32, 16)
    j_c = [16 * k + iota16 for k in range(D // 16)]

    def fire_gather(g, b):
        s = g // NTB
        tb = g % NTB
        pltpu.async_copy(
            table_hbm.at[idx_v.at[s - s_clamp, pl.ds(tb * GB, GB)]],
            rows_v.at[b],
            gsem[b],
        )

    def drain_gather(b):
        pltpu.make_async_copy(
            table_hbm.at[pl.ds(0, GB)], rows_v.at[b], gsem[b]
        ).wait()

    def transpose(b):
        def tok(i, carry):
            for u in range(4):
                bi = i * 4 + u
                bis = jnp.full((16,), 0, jnp.int32) + bi
                for k in range(D // 16):
                    vals = rows_v[b, bi, pl.ds(16 * k, 16)]
                    plsc.store_scatter(till_v.at[b], [j_c[k], bis], vals)
            return carry

        lax.fori_loop(0, GB // 4, tok, 0)

    def fire_out(g, b):
        s = g // NTB
        tb = g % NTB
        for tj in range(D // 8):
            pltpu.async_copy(
                till_v.at[b, pl.ds(8 * tj, 8), pl.ds(0, GB)],
                out_hbm.at[s, tj, tb],
                osem[b],
            )

    def drain_out(b):
        for tj in range(D // 8):
            pltpu.make_async_copy(
                table_hbm.at[pl.ds(0, 8)],
                till_v.at[b, pl.ds(8 * tj, 8), pl.ds(0, GB)],
                osem[b],
            ).wait()

    for b in range(NBUF):
        fire_gather(g_base + b, b)

    def body(p, carry):
        for b in range(NBUF):
            g = g_base + p * NBUF + b
            drain_gather(b)

            @pl.when(p > 0)
            def _():
                drain_out(b)

            transpose(b)
            fire_out(g, b)

            g_next = g + NBUF

            @pl.when(g_next < g_base + GPW)
            def _():
                fire_gather(g_next, b)

        return carry

    lax.fori_loop(0, GPW // NBUF, body, 0)
    for b in range(NBUF):
        drain_out(b)


def kernel(x, weight):
    wpad = jnp.pad(weight, ((0, 0), (0, 128 - D)))
    o5 = _embed_gather(wpad, x.T)
    return o5.transpose(2, 4, 0, 1, 3).reshape(NB, NSQ, D)

# --- scband reference (transcript-rebuilt; emitter-appended) ---
"""Pipeline reference for scband-vocab-parallel-embedding-67044439491194 (READ-ONLY COPY).

The authoritative reference and input builder live on the scoring server;
editing this copy changes nothing except your own understanding.
"""

import jax, jax.numpy as jnp
import numpy as np

NUM_EMBEDDINGS = 1000000
EMBEDDING_DIM = 64

def setup_inputs(seed: int = 0) -> dict:
    key = jax.random.key(seed)
    k1, k2 = jax.random.split(key)
    x = jax.random.randint(k1, (16384, 50), 0, NUM_EMBEDDINGS, dtype=jnp.int64 if jax.config.jax_enable_x64 else jnp.int32)
    weight = jax.random.normal(k2, (NUM_EMBEDDINGS, EMBEDDING_DIM), dtype=jnp.float32) * 0.02
    return {"x": x, "weight": weight}

def reference(x, weight):
    # tp_size == 1 path: plain embedding lookup y = F.embedding(x, weight)
    y = jnp.take(weight, x, axis=0)
    return y

if __name__ == "__main__":
    import jax
    _d = setup_inputs()
    print(jax.jit(kernel)(*tuple(_d.values())))

</pallas_src>

<mosaic_0001>
#map = affine_map<(d0, d1) -> (0, 0)>
#map1 = affine_map<(d0, d1) -> (0, 0, 0, 0, 0)>
module attributes {stable_mosaic.version = 14 : i64} {
  func.func @_embed_gather(%arg0: i32, %arg1: i32, %arg2: memref<1000000x128xf32, #tpu.memory_space<hbm>>, %arg3: memref<50x16384xi32, #tpu.memory_space<hbm>>, %arg4: memref<50x8x128x8x128xf32, #tpu.memory_space<hbm>>, %arg5: memref<3x16384xi32, #tpu.memory_space<vmem>>, %arg6: memref<2x128x128xf32, #tpu.memory_space<vmem>>, %arg7: memref<2x64x129xf32, #tpu.memory_space<vmem>>, %arg8: memref<!tpu.dma_semaphore, #tpu.memory_space<semaphore_mem>>, %arg9: memref<!tpu.dma_semaphore, #tpu.memory_space<semaphore_mem>>, %arg10: memref<!tpu.dma_semaphore, #tpu.memory_space<semaphore_mem>>, %arg11: memref<!tpu.dma_semaphore, #tpu.memory_space<semaphore_mem>>) attributes {dimension_semantics = [#tpu.dimension_semantics<core_parallel>, #tpu.dimension_semantics<subcore_parallel>], iteration_bounds = array<i64: 2, 16>, scalar_prefetch = 0 : i64, scratch_operands = 7 : i64, tpu.core_type = #tpu.core_type<sc_vector_subcore>, window_params = [{transform_indices = #map}, {transform_indices = #map}, {transform_indices = #map1}]} {
    %mul3A = arith.constant 2 : i32
    %mul3A_0 = arith.muli %arg1, %mul3A : i32
    %add3A = arith.addi %mul3A_0, %arg0 : i32
    %mul3A_1 = arith.constant 200 : i32
    %mul3A_2 = arith.muli %add3A, %mul3A_1 : i32
    %jit3A = arith.constant 128 : i32
    %div3A = arith.divsi %mul3A_2, %jit3A : i32
    %sign3A = arith.constant 0 : i32
    %sign3A_3 = arith.cmpi sgt, %mul3A_2, %sign3A : i32
    %sign3A_4 = arith.extui %sign3A_3 : i1 to i32
    %sign3A_5 = arith.constant 0 : i32
    %sign3A_6 = arith.cmpi slt, %mul3A_2, %sign3A_5 : i32
    %sign3A_7 = arith.extui %sign3A_6 : i1 to i32
    %sign3A_8 = arith.subi %sign3A_4, %sign3A_7 : i32
    %sign3A_9 = arith.constant 0 : i32
    %sign3A_10 = arith.cmpi sgt, %jit3A, %sign3A_9 : i32
    %sign3A_11 = arith.extui %sign3A_10 : i1 to i32
    %sign3A_12 = arith.constant 0 : i32
    %sign3A_13 = arith.cmpi slt, %jit3A, %sign3A_12 : i32
    %sign3A_14 = arith.extui %sign3A_13 : i1 to i32
    %sign3A_15 = arith.subi %sign3A_11, %sign3A_14 : i32
    %ne3A = arith.cmpi ne, %sign3A_8, %sign3A_15 : i32
    %rem3A = arith.remsi %mul3A_2, %jit3A : i32
    %ne3A_16 = arith.constant 0 : i32
    %ne3A_17 = arith.cmpi ne, %rem3A, %ne3A_16 : i32
    %and3A = arith.andi %ne3A, %ne3A_17 : i1
    %sub3A = arith.constant 1 : i32
    %sub3A_18 = arith.subi %div3A, %sub3A : i32
    %select_n3A = arith.select %and3A, %sub3A_18, %div3A : i32
    %min3A = arith.constant 47 : i32
    %min3A_19 = arith.minsi %select_n3A, %min3A : i32
    "tpu.region"() ({
      %run_scoped3A = tpu.sem_alloc : memref<!tpu.dma_semaphore, #tpu.memory_space<semaphore_mem>>
      %dma_start3A_383 = arith.constant 0 : i32
      %dma_start3A_384 = tpu.memref_slice %arg3[%min3A_19, %dma_start3A_383] : memref<50x16384xi32, #tpu.memory_space<hbm>> -> memref<3x16384xi32, #tpu.memory_space<hbm>>
      %dma_start3A_385 = arith.constant 0 : i32
      %dma_start3A_386 = tpu.memref_slice %arg3[%min3A_19, %dma_start3A_385] : memref<50x16384xi32, #tpu.memory_space<hbm>> -> memref<3x16384xi32, #tpu.memory_space<hbm>>
      tpu.enqueue_dma source(%dma_start3A_386 : memref<3x16384xi32, #tpu.memory_space<hbm>>) target(%arg5 : memref<3x16384xi32, #tpu.memory_space<vmem>>) target_semaphore(%run_scoped3A : memref<!tpu.dma_semaphore, #tpu.memory_space<semaphore_mem>>)
      %dma_wait3A_387 = arith.constant 0 : i32
      %dma_wait3A_388 = tpu.memref_slice %arg3[%min3A_19, %dma_wait3A_387] : memref<50x16384xi32, #tpu.memory_space<hbm>> -> memref<3x16384xi32, #tpu.memory_space<hbm>>
      %dma_wait3A_389 = arith.constant 0 : i32
      %dma_wait3A_390 = tpu.memref_slice %arg3[%min3A_19, %dma_wait3A_389] : memref<50x16384xi32, #tpu.memory_space<hbm>> -> memref<3x16384xi32, #tpu.memory_space<hbm>>
      tpu.wait_dma2 semaphore(%run_scoped3A : memref<!tpu.dma_semaphore, #tpu.memory_space<semaphore_mem>>) src(%dma_wait3A_390 : memref<3x16384xi32, #tpu.memory_space<hbm>>) dst(%arg5 : memref<3x16384xi32, #tpu.memory_space<vmem>>)
      tpu.yield
    }) : () -> ()
    %iota3A = tpu.iota {dimensions = array<i32: 0>} : vector<16xi32>
    %add3A_20 = arith.constant 0 : i32
    %add3A_21 = vector.broadcast %add3A_20 : i32 to vector<16xi32>
    %add3A_22 = arith.addi %add3A_21, %iota3A : vector<16xi32>
    %add3A_23 = arith.constant 16 : i32
    %add3A_24 = vector.broadcast %add3A_23 : i32 to vector<16xi32>
    %add3A_25 = arith.addi %add3A_24, %iota3A : vector<16xi32>
    %add3A_26 = arith.constant 32 : i32
    %add3A_27 = vector.broadcast %add3A_26 : i32 to vector<16xi32>
    %add3A_28 = arith.addi %add3A_27, %iota3A : vector<16xi32>
    %add3A_29 = arith.constant 48 : i32
    %add3A_30 = vector.broadcast %add3A_29 : i32 to vector<16xi32>
    %add3A_31 = arith.addi %add3A_30, %iota3A : vector<16xi32>
    %add3A_32 = arith.constant 0 : i32
    %add3A_33 = arith.addi %mul3A_2, %add3A_32 : i32
    %jit3A_34 = arith.constant 128 : i32
    %div3A_35 = arith.divsi %add3A_33, %jit3A_34 : i32
    %sign3A_36 = arith.constant 0 : i32
    %sign3A_37 = arith.cmpi sgt, %add3A_33, %sign3A_36 : i32
    %sign3A_38 = arith.extui %sign3A_37 : i1 to i32
    %sign3A_39 = arith.constant 0 : i32
    %sign3A_40 = arith.cmpi slt, %add3A_33, %sign3A_39 : i32
    %sign3A_41 = arith.extui %sign3A_40 : i1 to i32
    %sign3A_42 = arith.subi %sign3A_38, %sign3A_41 : i32
    %sign3A_43 = arith.constant 0 : i32
    %sign3A_44 = arith.cmpi sgt, %jit3A_34, %sign3A_43 : i32
    %sign3A_45 = arith.extui %sign3A_44 : i1 to i32
    %sign3A_46 = arith.constant 0 : i32
    %sign3A_47 = arith.cmpi slt, %jit3A_34, %sign3A_46 : i32
    %sign3A_48 = arith.extui %sign3A_47 : i1 to i32
    %sign3A_49 = arith.subi %sign3A_45, %sign3A_48 : i32
    %ne3A_50 = arith.cmpi ne, %sign3A_42, %sign3A_49 : i32
    %rem3A_51 = arith.remsi %add3A_33, %jit3A_34 : i32
    %ne3A_52 = arith.constant 0 : i32
    %ne3A_53 = arith.cmpi ne, %rem3A_51, %ne3A_52 : i32
    %and3A_54 = arith.andi %ne3A_50, %ne3A_53 : i1
    %sub3A_55 = arith.constant 1 : i32
    %sub3A_56 = arith.subi %div3A_35, %sub3A_55 : i32
    %select_n3A_57 = arith.select %and3A_54, %sub3A_56, %div3A_35 : i32
    %jit3A_58 = arith.constant 128 : i32
    %eq3A = arith.constant 0 : i32
    %eq3A_59 = arith.cmpi eq, %jit3A_58, %eq3A : i32
    %jit3A_60 = arith.constant 1 : i32
    %select_n3A_61 = arith.select %eq3A_59, %jit3A_60, %jit3A_58 : i32
    %rem3A_62 = arith.remsi %add3A_33, %select_n3A_61 : i32
    %ne3A_63 = arith.constant 0 : i32
    %ne3A_64 = arith.cmpi ne, %rem3A_62, %ne3A_63 : i32
    %lt3A = arith.constant 0 : i32
    %lt3A_65 = arith.cmpi slt, %rem3A_62, %lt3A : i32
    %lt3A_66 = arith.constant 0 : i32
    %lt3A_67 = arith.cmpi slt, %select_n3A_61, %lt3A_66 : i32
    %ne3A_68 = arith.xori %lt3A_65, %lt3A_67 : i1
    %and3A_69 = arith.andi %ne3A_68, %ne3A_64 : i1
    %add3A_70 = arith.addi %rem3A_62, %select_n3A_61 : i32
    %select_n3A_71 = arith.select %and3A_69, %add3A_70, %rem3A_62 : i32
    %sub3A_72 = arith.subi %select_n3A_57, %min3A_19 : i32
    %mul3A_73 = arith.constant 128 : i32
    %mul3A_74 = arith.muli %select_n3A_71, %mul3A_73 : i32
    %dma_start3A = arith.constant 0 : i32
    %dma_start3A_75 = arith.constant 0 : i32
    %dma_start3A_76 = arith.constant 0 : i32
    %dma_start3A_77 = tpu.memref_slice %arg6[%dma_start3A, %dma_start3A_75, %dma_start3A_76] : memref<2x128x128xf32, #tpu.memory_space<vmem>> -> memref<1x128x128xf32, #tpu.memory_space<vmem>>
    %dma_start3A_78 = tpu.memref_squeeze %dma_start3A_77 : memref<1x128x128xf32, #tpu.memory_space<vmem>> -> memref<128x128xf32, #tpu.memory_space<vmem>>
    %dma_start3A_79 = tpu.memref_slice %arg5[%sub3A_72, %mul3A_74] : memref<3x16384xi32, #tpu.memory_space<vmem>> -> memref<1x128xi32, #tpu.memory_space<vmem>>
    %dma_start3A_80 = tpu.memref_squeeze %dma_start3A_79 : memref<1x128xi32, #tpu.memory_space<vmem>> -> memref<128xi32, #tpu.memory_space<vmem>>
    %dma_start3A_81 = arith.constant 0 : i32
    %dma_start3A_82 = arith.constant 0 : i32
    %dma_start3A_83 = tpu.memref_slice %arg2[%dma_start3A_81, %dma_start3A_82] : memref<1000000x128xf32, #tpu.memory_space<hbm>> -> memref<1000000x128xf32, #tpu.memory_space<hbm>>
    tpu.enqueue_indirect_dma source(%dma_start3A_83 : memref<1000000x128xf32, #tpu.memory_space<hbm>>) target(%dma_start3A_78 : memref<128x128xf32, #tpu.memory_space<vmem>>) offsets(%dma_start3A_80 : memref<128xi32, #tpu.memory_space<vmem>>) semaphore(%arg8 : memref<!tpu.dma_semaphore, #tpu.memory_space<semaphore_mem>>)
    %add3A_84 = arith.constant 1 : i32
    %add3A_85 = arith.addi %mul3A_2, %add3A_84 : i32
    %jit3A_86 = arith.constant 128 : i32
    %div3A_87 = arith.divsi %add3A_85, %jit3A_86 : i32
    %sign3A_88 = arith.constant 0 : i32
    %sign3A_89 = arith.cmpi sgt, %add3A_85, %sign3A_88 : i32
    %sign3A_90 = arith.extui %sign3A_89 : i1 to i32
    %sign3A_91 = arith.constant 0 : i32
    %sign3A_92 = arith.cmpi slt, %add3A_85, %sign3A_91 : i32
    %sign3A_93 = arith.extui %sign3A_92 : i1 to i32
    %sign3A_94 = arith.subi %sign3A_90, %sign3A_93 : i32
    %sign3A_95 = arith.constant 0 : i32
    %sign3A_96 = arith.cmpi sgt, %jit3A_86, %sign3A_95 : i32
    %sign3A_97 = arith.extui %sign3A_96 : i1 to i32
    %sign3A_98 = arith.constant 0 : i32
    %sign3A_99 = arith.cmpi slt, %jit3A_86, %sign3A_98 : i32
    %sign3A_100 = arith.extui %sign3A_99 : i1 to i32
    %sign3A_101 = arith.subi %sign3A_97, %sign3A_100 : i32
    %ne3A_102 = arith.cmpi ne, %sign3A_94, %sign3A_101 : i32
    %rem3A_103 = arith.remsi %add3A_85, %jit3A_86 : i32
    %ne3A_104 = arith.constant 0 : i32
    %ne3A_105 = arith.cmpi ne, %rem3A_103, %ne3A_104 : i32
    %and3A_106 = arith.andi %ne3A_102, %ne3A_105 : i1
    %sub3A_107 = arith.constant 1 : i32
    %sub3A_108 = arith.subi %div3A_87, %sub3A_107 : i32
    %select_n3A_109 = arith.select %and3A_106, %sub3A_108, %div3A_87 : i32
    %jit3A_110 = arith.constant 128 : i32
    %eq3A_111 = arith.constant 0 : i32
    %eq3A_112 = arith.cmpi eq, %jit3A_110, %eq3A_111 : i32
    %jit3A_113 = arith.constant 1 : i32
    %select_n3A_114 = arith.select %eq3A_112, %jit3A_113, %jit3A_110 : i32
    %rem3A_115 = arith.remsi %add3A_85, %select_n3A_114 : i32
    %ne3A_116 = arith.constant 0 : i32
    %ne3A_117 = arith.cmpi ne, %rem3A_115, %ne3A_116 : i32
    %lt3A_118 = arith.constant 0 : i32
    %lt3A_119 = arith.cmpi slt, %rem3A_115, %lt3A_118 : i32
    %lt3A_120 = arith.constant 0 : i32
    %lt3A_121 = arith.cmpi slt, %select_n3A_114, %lt3A_120 : i32
    %ne3A_122 = arith.xori %lt3A_119, %lt3A_121 : i1
    %and3A_123 = arith.andi %ne3A_122, %ne3A_117 : i1
    %add3A_124 = arith.addi %rem3A_115, %select_n3A_114 : i32
    %select_n3A_125 = arith.select %and3A_123, %add3A_124, %rem3A_115 : i32
    %sub3A_126 = arith.subi %select_n3A_109, %min3A_19 : i32
    %mul3A_127 = arith.constant 128 : i32
    %mul3A_128 = arith.muli %select_n3A_125, %mul3A_127 : i32
    %dma_start3A_129 = arith.constant 1 : i32
    %dma_start3A_130 = arith.constant 0 : i32
    %dma_start3A_131 = arith.constant 0 : i32
    %dma_start3A_132 = tpu.memref_slice %arg6[%dma_start3A_129, %dma_start3A_130, %dma_start3A_131] : memref<2x128x128xf32, #tpu.memory_space<vmem>> -> memref<1x128x128xf32, #tpu.memory_space<vmem>>
    %dma_start3A_133 = tpu.memref_squeeze %dma_start3A_132 : memref<1x128x128xf32, #tpu.memory_space<vmem>> -> memref<128x128xf32, #tpu.memory_space<vmem>>
    %dma_start3A_134 = tpu.memref_slice %arg5[%sub3A_126, %mul3A_128] : memref<3x16384xi32, #tpu.memory_space<vmem>> -> memref<1x128xi32, #tpu.memory_space<vmem>>
    %dma_start3A_135 = tpu.memref_squeeze %dma_start3A_134 : memref<1x128xi32, #tpu.memory_space<vmem>> -> memref<128xi32, #tpu.memory_space<vmem>>
    %dma_start3A_136 = arith.constant 0 : i32
    %dma_start3A_137 = arith.constant 0 : i32
    %dma_start3A_138 = tpu.memref_slice %arg2[%dma_start3A_136, %dma_start3A_137] : memref<1000000x128xf32, #tpu.memory_space<hbm>> -> memref<1000000x128xf32, #tpu.memory_space<hbm>>
    tpu.enqueue_indirect_dma source(%dma_start3A_138 : memref<1000000x128xf32, #tpu.memory_space<hbm>>) target(%dma_start3A_133 : memref<128x128xf32, #tpu.memory_space<vmem>>) offsets(%dma_start3A_135 : memref<128xi32, #tpu.memory_space<vmem>>) semaphore(%arg9 : memref<!tpu.dma_semaphore, #tpu.memory_space<semaphore_mem>>)
    %scan3A = arith.constant 0 : i32
    %scan3A_139 = arith.constant 0 : i32
    %scan3A_140 = arith.constant 100 : i32
    %scan3A_141 = arith.addi %scan3A_139, %scan3A_140 : i32
    %scan3A_142 = arith.constant 1 : i32
    scf.for %scan3A_383 = %scan3A_139 to %scan3A_141 step %scan3A_142  : i32 {
      %mul3A_384 = arith.constant 2 : i32
      %mul3A_385 = arith.muli %scan3A_383, %mul3A_384 : i32
      %add3A_386 = arith.addi %mul3A_2, %mul3A_385 : i32
      %add3A_387 = arith.constant 0 : i32
      %add3A_388 = arith.addi %add3A_386, %add3A_387 : i32
      %dma_wait3A_389 = arith.constant 0 : i32
      %dma_wait3A_390 = arith.constant 0 : i32
      %dma_wait3A_391 = arith.constant 0 : i32
      %dma_wait3A_392 = tpu.memref_slice %arg6[%dma_wait3A_389, %dma_wait3A_390, %dma_wait3A_391] : memref<2x128x128xf32, #tpu.memory_space<vmem>> -> memref<1x128x128xf32, #tpu.memory_space<vmem>>
      %dma_wait3A_393 = tpu.memref_squeeze %dma_wait3A_392 : memref<1x128x128xf32, #tpu.memory_space<vmem>> -> memref<128x128xf32, #tpu.memory_space<vmem>>
      %dma_wait3A_394 = arith.constant 0 : i32
      %dma_wait3A_395 = arith.constant 0 : i32
      %dma_wait3A_396 = tpu.memref_slice %arg2[%dma_wait3A_394, %dma_wait3A_395] : memref<1000000x128xf32, #tpu.memory_space<hbm>> -> memref<128x128xf32, #tpu.memory_space<hbm>>
      %dma_wait3A_397 = arith.constant 0 : i32
      %dma_wait3A_398 = arith.constant 0 : i32
      %dma_wait3A_399 = tpu.memref_slice %arg6[%dma_wait3A_389, %dma_wait3A_397, %dma_wait3A_398] : memref<2x128x128xf32, #tpu.memory_space<vmem>> -> memref<1x128x128xf32, #tpu.memory_space<vmem>>
      %dma_wait3A_400 = tpu.memref_squeeze %dma_wait3A_399 : memref<1x128x128xf32, #tpu.memory_space<vmem>> -> memref<128x128xf32, #tpu.memory_space<vmem>>
      %dma_wait3A_401 = arith.constant 0 : i32
      %dma_wait3A_402 = arith.constant 0 : i32
      %dma_wait3A_403 = tpu.memref_slice %arg2[%dma_wait3A_401, %dma_wait3A_402] : memref<1000000x128xf32, #tpu.memory_space<hbm>> -> memref<128x128xf32, #tpu.memory_space<hbm>>
      tpu.wait_dma2 semaphore(%arg8 : memref<!tpu.dma_semaphore, #tpu.memory_space<semaphore_mem>>) src(%dma_wait3A_403 : memref<128x128xf32, #tpu.memory_space<hbm>>) dst(%dma_wait3A_400 : memref<128x128xf32, #tpu.memory_space<vmem>>)
      %gt3A = arith.constant 0 : i32
      %gt3A_404 = arith.cmpi sgt, %scan3A_383, %gt3A : i32
      %convert_element_type3A = arith.extui %gt3A_404 : i1 to i32
      %cond3A = arith.constant 0 : i32
      %cond3A_405 = arith.cmpi ne, %convert_element_type3A, %cond3A : i32
      scf.if %cond3A_405 {
        %dma_wait3A_827 = arith.constant 0 : i32
        %dma_wait3A_828 = arith.constant 0 : i32
        %dma_wait3A_829 = arith.constant 0 : i32
        %dma_wait3A_830 = tpu.memref_slice %arg7[%dma_wait3A_827, %dma_wait3A_828, %dma_wait3A_829] : memref<2x64x129xf32, #tpu.memory_space<vmem>> -> memref<1x8x128xf32, #tpu.memory_space<vmem>>
        %dma_wait3A_831 = tpu.memref_squeeze %dma_wait3A_830 : memref<1x8x128xf32, #tpu.memory_space<vmem>> -> memref<8x128xf32, #tpu.memory_space<vmem>>
        %dma_wait3A_832 = arith.constant 0 : i32
        %dma_wait3A_833 = arith.constant 0 : i32
        %dma_wait3A_834 = tpu.memref_slice %arg2[%dma_wait3A_832, %dma_wait3A_833] : memref<1000000x128xf32, #tpu.memory_space<hbm>> -> memref<8x128xf32, #tpu.memory_space<hbm>>
        %dma_wait3A_835 = arith.constant 0 : i32
        %dma_wait3A_836 = arith.constant 0 : i32
        %dma_wait3A_837 = tpu.memref_slice %arg7[%dma_wait3A_827, %dma_wait3A_835, %dma_wait3A_836] : memref<2x64x129xf32, #tpu.memory_space<vmem>> -> memref<1x8x128xf32, #tpu.memory_space<vmem>>
        %dma_wait3A_838 = tpu.memref_squeeze %dma_wait3A_837 : memref<1x8x128xf32, #tpu.memory_space<vmem>> -> memref<8x128xf32, #tpu.memory_space<vmem>>
        %dma_wait3A_839 = arith.constant 0 : i32
        %dma_wait3A_840 = arith.constant 0 : i32
        %dma_wait3A_841 = tpu.memref_slice %arg2[%dma_wait3A_839, %dma_wait3A_840] : memref<1000000x128xf32, #tpu.memory_space<hbm>> -> memref<8x128xf32, #tpu.memory_space<hbm>>
        tpu.wait_dma2 semaphore(%arg10 : memref<!tpu.dma_semaphore, #tpu.memory_space<semaphore_mem>>) src(%dma_wait3A_841 : memref<8x128xf32, #tpu.memory_space<hbm>>) dst(%dma_wait3A_838 : memref<8x128xf32, #tpu.memory_space<vmem>>)
        %dma_wait3A_842 = arith.constant 0 : i32
        %dma_wait3A_843 = arith.constant 8 : i32
        %dma_wait3A_844 = arith.constant 0 : i32
        %dma_wait3A_845 = tpu.memref_slice %arg7[%dma_wait3A_842, %dma_wait3A_843, %dma_wait3A_844] : memref<2x64x129xf32, #tpu.memory_space<vmem>> -> memref<1x8x128xf32, #tpu.memory_space<vmem>>
        %dma_wait3A_846 = tpu.memref_squeeze %dma_wait3A_845 : memref<1x8x128xf32, #tpu.memory_space<vmem>> -> memref<8x128xf32, #tpu.memory_space<vmem>>
        %dma_wait3A_847 = arith.constant 0 : i32
        %dma_wait3A_848 = arith.constant 0 : i32
        %dma_wait3A_849 = tpu.memref_slice %arg2[%dma_wait3A_847, %dma_wait3A_848] : memref<1000000x128xf32, #tpu.memory_space<hbm>> -> memref<8x128xf32, #tpu.memory_space<hbm>>
        %dma_wait3A_850 = arith.constant 8 : i32
        %dma_wait3A_851 = arith.constant 0 : i32
        %dma_wait3A_852 = tpu.memref_slice %arg7[%dma_wait3A_842, %dma_wait3A_850, %dma_wait3A_851] : memref<2x64x129xf32, #tpu.memory_space<vmem>> -> memref<1x8x128xf32, #tpu.memory_space<vmem>>
        %dma_wait3A_853 = tpu.memref_squeeze %dma_wait3A_852 : memref<1x8x128xf32, #tpu.memory_space<vmem>> -> memref<8x128xf32, #tpu.memory_space<vmem>>
        %dma_wait3A_854 = arith.constant 0 : i32
        %dma_wait3A_855 = arith.constant 0 : i32
        %dma_wait3A_856 = tpu.memref_slice %arg2[%dma_wait3A_854, %dma_wait3A_855] : memref<1000000x128xf32, #tpu.memory_space<hbm>> -> memref<8x128xf32, #tpu.memory_space<hbm>>
        tpu.wait_dma2 semaphore(%arg10 : memref<!tpu.dma_semaphore, #tpu.memory_space<semaphore_mem>>) src(%dma_wait3A_856 : memref<8x128xf32, #tpu.memory_space<hbm>>) dst(%dma_wait3A_853 : memref<8x128xf32, #tpu.memory_space<vmem>>)
        %dma_wait3A_857 = arith.constant 0 : i32
        %dma_wait3A_858 = arith.constant 16 : i32
        %dma_wait3A_859 = arith.constant 0 : i32
        %dma_wait3A_860 = tpu.memref_slice %arg7[%dma_wait3A_857, %dma_wait3A_858, %dma_wait3A_859] : memref<2x64x129xf32, #tpu.memory_space<vmem>> -> memref<1x8x128xf32, #tpu.memory_space<vmem>>
        %dma_wait3A_861 = tpu.memref_squeeze %dma_wait3A_860 : memref<1x8x128xf32, #tpu.memory_space<vmem>> -> memref<8x128xf32, #tpu.memory_space<vmem>>
        %dma_wait3A_862 = arith.constant 0 : i32
        %dma_wait3A_863 = arith.constant 0 : i32
        %dma_wait3A_864 = tpu.memref_slice %arg2[%dma_wait3A_862, %dma_wait3A_863] : memref<1000000x128xf32, #tpu.memory_space<hbm>> -> memref<8x128xf32, #tpu.memory_space<hbm>>
        %dma_wait3A_865 = arith.constant 16 : i32
        %dma_wait3A_866 = arith.constant 0 : i32
        %dma_wait3A_867 = tpu.memref_slice %arg7[%dma_wait3A_857, %dma_wait3A_865, %dma_wait3A_866] : memref<2x64x129xf32, #tpu.memory_space<vmem>> -> memref<1x8x128xf32, #tpu.memory_space<vmem>>
        %dma_wait3A_868 = tpu.memref_squeeze %dma_wait3A_867 : memref<1x8x128xf32, #tpu.memory_space<vmem>> -> memref<8x128xf32, #tpu.memory_space<vmem>>
        %dma_wait3A_869 = arith.constant 0 : i32
        %dma_wait3A_870 = arith.constant 0 : i32
        %dma_wait3A_871 = tpu.memref_slice %arg2[%dma_wait3A_869, %dma_wait3A_870] : memref<1000000x128xf32, #tpu.memory_space<hbm>> -> memref<8x128xf32, #tpu.memory_space<hbm>>
        tpu.wait_dma2 semaphore(%arg10 : memref<!tpu.dma_semaphore, #tpu.memory_space<semaphore_mem>>) src(%dma_wait3A_871 : memref<8x128xf32, #tpu.memory_space<hbm>>) dst(%dma_wait3A_868 : memref<8x128xf32, #tpu.memory_space<vmem>>)
        %dma_wait3A_872 = arith.constant 0 : i32
        %dma_wait3A_873 = arith.constant 24 : i32
        %dma_wait3A_874 = arith.constant 0 : i32
        %dma_wait3A_875 = tpu.memref_slice %arg7[%dma_wait3A_872, %dma_wait3A_873, %dma_wait3A_874] : memref<2x64x129xf32, #tpu.memory_space<vmem>> -> memref<1x8x128xf32, #tpu.memory_space<vmem>>
        %dma_wait3A_876 = tpu.memref_squeeze %dma_wait3A_875 : memref<1x8x128xf32, #tpu.memory_space<vmem>> -> memref<8x128xf32, #tpu.memory_space<vmem>>
        %dma_wait3A_877 = arith.constant 0 : i32
        %dma_wait3A_878 = arith.constant 0 : i32
        %dma_wait3A_879 = tpu.memref_slice %arg2[%dma_wait3A_877, %dma_wait3A_878] : memref<1000000x128xf32, #tpu.memory_space<hbm>> -> memref<8x128xf32, #tpu.memory_space<hbm>>
        %dma_wait3A_880 = arith.constant 24 : i32
        %dma_wait3A_881 = arith.constant 0 : i32
        %dma_wait3A_882 = tpu.memref_slice %arg7[%dma_wait3A_872, %dma_wait3A_880, %dma_wait3A_881] : memref<2x64x129xf32, #tpu.memory_space<vmem>> -> memref<1x8x128xf32, #tpu.memory_space<vmem>>
        %dma_wait3A_883 = tpu.memref_squeeze %dma_wait3A_882 : memref<1x8x128xf32, #tpu.memory_space<vmem>> -> memref<8x128xf32, #tpu.memory_space<vmem>>
        %dma_wait3A_884 = arith.constant 0 : i32
        %dma_wait3A_885 = arith.constant 0 : i32
        %dma_wait3A_886 = tpu.memref_slice %arg2[%dma_wait3A_884, %dma_wait3A_885] : memref<1000000x128xf32, #tpu.memory_space<hbm>> -> memref<8x128xf32, #tpu.memory_space<hbm>>
        tpu.wait_dma2 semaphore(%arg10 : memref<!tpu.dma_semaphore, #tpu.memory_space<semaphore_mem>>) src(%dma_wait3A_886 : memref<8x128xf32, #tpu.memory_space<hbm>>) dst(%dma_wait3A_883 : memref<8x128xf32, #tpu.memory_space<vmem>>)
        %dma_wait3A_887 = arith.constant 0 : i32
        %dma_wait3A_888 = arith.constant 32 : i32
        %dma_wait3A_889 = arith.constant 0 : i32
        %dma_wait3A_890 = tpu.memref_slice %arg7[%dma_wait3A_887, %dma_wait3A_888, %dma_wait3A_889] : memref<2x64x129xf32, #tpu.memory_space<vmem>> -> memref<1x8x128xf32, #tpu.memory_space<vmem>>
        %dma_wait3A_891 = tpu.memref_squeeze %dma_wait3A_890 : memref<1x8x128xf32, #tpu.memory_space<vmem>> -> memref<8x128xf32, #tpu.memory_space<vmem>>
        %dma_wait3A_892 = arith.constant 0 : i32
        %dma_wait3A_893 = arith.constant 0 : i32
        %dma_wait3A_894 = tpu.memref_slice %arg2[%dma_wait3A_892, %dma_wait3A_893] : memref<1000000x128xf32, #tpu.memory_space<hbm>> -> memref<8x128xf32, #tpu.memory_space<hbm>>
        %dma_wait3A_895 = arith.constant 32 : i32
        %dma_wait3A_896 = arith.constant 0 : i32
        %dma_wait3A_897 = tpu.memref_slice %arg7[%dma_wait3A_887, %dma_wait3A_895, %dma_wait3A_896] : memref<2x64x129xf32, #tpu.memory_space<vmem>> -> memref<1x8x128xf32, #tpu.memory_space<vmem>>
        %dma_wait3A_898 = tpu.memref_squeeze %dma_wait3A_897 : memref<1x8x128xf32, #tpu.memory_space<vmem>> -> memref<8x128xf32, #tpu.memory_space<vmem>>
        %dma_wait3A_899 = arith.constant 0 : i32
        %dma_wait3A_900 = arith.constant 0 : i32
        %dma_wait3A_901 = tpu.memref_slice %arg2[%dma_wait3A_899, %dma_wait3A_900] : memref<1000000x128xf32, #tpu.memory_space<hbm>> -> memref<8x128xf32, #tpu.memory_space<hbm>>
        tpu.wait_dma2 semaphore(%arg10 : memref<!tpu.dma_semaphore, #tpu.memory_space<semaphore_mem>>) src(%dma_wait3A_901 : memref<8x128xf32, #tpu.memory_space<hbm>>) dst(%dma_wait3A_898 : memref<8x128xf32, #tpu.memory_space<vmem>>)
        %dma_wait3A_902 = arith.constant 0 : i32
        %dma_wait3A_903 = arith.constant 40 : i32
        %dma_wait3A_904 = arith.constant 0 : i32
        %dma_wait3A_905 = tpu.memref_slice %arg7[%dma_wait3A_902, %dma_wait3A_903, %dma_wait3A_904] : memref<2x64x129xf32, #tpu.memory_space<vmem>> -> memref<1x8x128xf32, #tpu.memory_space<vmem>>
        %dma_wait3A_906 = tpu.memref_squeeze %dma_wait3A_905 : memref<1x8x128xf32, #tpu.memory_space<vmem>> -> memref<8x128xf32, #tpu.memory_space<vmem>>
        %dma_wait3A_907 = arith.constant 0 : i32
        %dma_wait3A_908 = arith.constant 0 : i32
        %dma_wait3A_909 = tpu.memref_slice %arg2[%dma_wait3A_907, %dma_wait3A_908] : memref<1000000x128xf32, #tpu.memory_space<hbm>> -> memref<8x128xf32, #tpu.memory_space<hbm>>
        %dma_wait3A_910 = arith.constant 40 : i32
        %dma_wait3A_911 = arith.constant 0 : i32
        %dma_wait3A_912 = tpu.memref_slice %arg7[%dma_wait3A_902, %dma_wait3A_910, %dma_wait3A_911] : memref<2x64x129xf32, #tpu.memory_space<vmem>> -> memref<1x8x128xf32, #tpu.memory_space<vmem>>
        %dma_wait3A_913 = tpu.memref_squeeze %dma_wait3A_912 : memref<1x8x128xf32, #tpu.memory_space<vmem>> -> memref<8x128xf32, #tpu.memory_space<vmem>>
        %dma_wait3A_914 = arith.constant 0 : i32
        %dma_wait3A_915 = arith.constant 0 : i32
        %dma_wait3A_916 = tpu.memref_slice %arg2[%dma_wait3A_914, %dma_wait3A_915] : memref<1000000x128xf32, #tpu.memory_space<hbm>> -> memref<8x128xf32, #tpu.memory_space<hbm>>
        tpu.wait_dma2 semaphore(%arg10 : memref<!tpu.dma_semaphore, #tpu.memory_space<semaphore_mem>>) src(%dma_wait3A_916 : memref<8x128xf32, #tpu.memory_space<hbm>>) dst(%dma_wait3A_913 : memref<8x128xf32, #tpu.memory_space<vmem>>)
        %dma_wait3A_917 = arith.constant 0 : i32
        %dma_wait3A_918 = arith.constant 48 : i32
        %dma_wait3A_919 = arith.constant 0 : i32
        %dma_wait3A_920 = tpu.memref_slice %arg7[%dma_wait3A_917, %dma_wait3A_918, %dma_wait3A_919] : memref<2x64x129xf32, #tpu.memory_space<vmem>> -> memref<1x8x128xf32, #tpu.memory_space<vmem>>
        %dma_wait3A_921 = tpu.memref_squeeze %dma_wait3A_920 : memref<1x8x128xf32, #tpu.memory_space<vmem>> -> memref<8x128xf32, #tpu.memory_space<vmem>>
        %dma_wait3A_922 = arith.constant 0 : i32
        %dma_wait3A_923 = arith.constant 0 : i32
        %dma_wait3A_924 = tpu.memref_slice %arg2[%dma_wait3A_922, %dma_wait3A_923] : memref<1000000x128xf32, #tpu.memory_space<hbm>> -> memref<8x128xf32, #tpu.memory_space<hbm>>
        %dma_wait3A_925 = arith.constant 48 : i32
        %dma_wait3A_926 = arith.constant 0 : i32
        %dma_wait3A_927 = tpu.memref_slice %arg7[%dma_wait3A_917, %dma_wait3A_925, %dma_wait3A_926] : memref<2x64x129xf32, #tpu.memory_space<vmem>> -> memref<1x8x128xf32, #tpu.memory_space<vmem>>
        %dma_wait3A_928 = tpu.memref_squeeze %dma_wait3A_927 : memref<1x8x128xf32, #tpu.memory_space<vmem>> -> memref<8x128xf32, #tpu.memory_space<vmem>>
        %dma_wait3A_929 = arith.constant 0 : i32
        %dma_wait3A_930 = arith.constant 0 : i32
        %dma_wait3A_931 = tpu.memref_slice %arg2[%dma_wait3A_929, %dma_wait3A_930] : memref<1000000x128xf32, #tpu.memory_space<hbm>> -> memref<8x128xf32, #tpu.memory_space<hbm>>
        tpu.wait_dma2 semaphore(%arg10 : memref<!tpu.dma_semaphore, #tpu.memory_space<semaphore_mem>>) src(%dma_wait3A_931 : memref<8x128xf32, #tpu.memory_space<hbm>>) dst(%dma_wait3A_928 : memref<8x128xf32, #tpu.memory_space<vmem>>)
        %dma_wait3A_932 = arith.constant 0 : i32
        %dma_wait3A_933 = arith.constant 56 : i32
        %dma_wait3A_934 = arith.constant 0 : i32
        %dma_wait3A_935 = tpu.memref_slice %arg7[%dma_wait3A_932, %dma_wait3A_933, %dma_wait3A_934] : memref<2x64x129xf32, #tpu.memory_space<vmem>> -> memref<1x8x128xf32, #tpu.memory_space<vmem>>
        %dma_wait3A_936 = tpu.memref_squeeze %dma_wait3A_935 : memref<1x8x128xf32, #tpu.memory_space<vmem>> -> memref<8x128xf32, #tpu.memory_space<vmem>>
        %dma_wait3A_937 = arith.constant 0 : i32
        %dma_wait3A_938 = arith.constant 0 : i32
        %dma_wait3A_939 = tpu.memref_slice %arg2[%dma_wait3A_937, %dma_wait3A_938] : memref<1000000x128xf32, #tpu.memory_space<hbm>> -> memref<8x128xf32, #tpu.memory_space<hbm>>
        %dma_wait3A_940 = arith.constant 56 : i32
        %dma_wait3A_941 = arith.constant 0 : i32
        %dma_wait3A_942 = tpu.memref_slice %arg7[%dma_wait3A_932, %dma_wait3A_940, %dma_wait3A_941] : memref<2x64x129xf32, #tpu.memory_space<vmem>> -> memref<1x8x128xf32, #tpu.memory_space<vmem>>
        %dma_wait3A_943 = tpu.memref_squeeze %dma_wait3A_942 : memref<1x8x128xf32, #tpu.memory_space<vmem>> -> memref<8x128xf32, #tpu.memory_space<vmem>>
        %dma_wait3A_944 = arith.constant 0 : i32
        %dma_wait3A_945 = arith.constant 0 : i32
        %dma_wait3A_946 = tpu.memref_slice %arg2[%dma_wait3A_944, %dma_wait3A_945] : memref<1000000x128xf32, #tpu.memory_space<hbm>> -> memref<8x128xf32, #tpu.memory_space<hbm>>
        tpu.wait_dma2 semaphore(%arg10 : memref<!tpu.dma_semaphore, #tpu.memory_space<semaphore_mem>>) src(%dma_wait3A_946 : memref<8x128xf32, #tpu.memory_space<hbm>>) dst(%dma_wait3A_943 : memref<8x128xf32, #tpu.memory_space<vmem>>)
      } else {
      }
      %scan3A_406 = arith.constant 0 : i32
      %scan3A_407 = arith.constant 0 : i32
      %scan3A_408 = arith.constant 32 : i32
      %scan3A_409 = arith.addi %scan3A_407, %scan3A_408 : i32
      %scan3A_410 = arith.constant 1 : i32
      scf.for %scan3A_827 = %scan3A_407 to %scan3A_409 step %scan3A_410  : i32 {
        %mul3A_828 = arith.constant 4 : i32
        %mul3A_829 = arith.muli %scan3A_827, %mul3A_828 : i32
        %add3A_830 = arith.constant 0 : i32
        %add3A_831 = arith.addi %mul3A_829, %add3A_830 : i32
        %broadcast_in_dim3A = arith.constant 0 : i32
        %broadcast_in_dim3A_832 = vector.broadcast %broadcast_in_dim3A : i32 to vector<16xi32>
        %add3A_833 = vector.broadcast %add3A_831 : i32 to vector<16xi32>
        %add3A_834 = arith.addi %broadcast_in_dim3A_832, %add3A_833 : vector<16xi32>
        %get3A = arith.constant 0 : i32
        %get3A_835 = arith.index_cast %get3A : i32 to index
        %get3A_836 = arith.index_cast %add3A_831 : i32 to index
        %get3A_837 = arith.constant 0 : index
        %get3A_838 = tpu.vector_load %arg6[%get3A_835, %get3A_836, %get3A_837] {strides = array<i32>} : memref<2x128x128xf32, #tpu.memory_space<vmem>>, vector<16xf32>,
        %scatter3A = arith.constant 0 : i32
        %scatter3A_839 = arith.constant 0 : i32
        %scatter3A_840 = arith.constant 0 : i32
        %scatter3A_841 = tpu.memref_slice %arg7[%scatter3A, %scatter3A_839, %scatter3A_840] : memref<2x64x129xf32, #tpu.memory_space<vmem>> -> memref<1x64x129xf32, #tpu.memory_space<vmem>>
        %scatter3A_842 = tpu.memref_squeeze %scatter3A_841 : memref<1x64x129xf32, #tpu.memory_space<vmem>> -> memref<64x129xf32, #tpu.memory_space<vmem>>
        tpu.vector_store_idx %scatter3A_842[%add3A_22, %add3A_834], %get3A_838 : memref<64x129xf32, #tpu.memory_space<vmem>>[vector<16xi32>, vector<16xi32>], vector<16xf32>,
        %get3A_843 = arith.constant 0 : i32
        %get3A_844 = arith.index_cast %get3A_843 : i32 to index
        %get3A_845 = arith.index_cast %add3A_831 : i32 to index
        %get3A_846 = arith.constant 16 : index
        %get3A_847 = tpu.vector_load %arg6[%get3A_844, %get3A_845, %get3A_846] {strides = array<i32>} : memref<2x128x128xf32, #tpu.memory_space<vmem>>, vector<16xf32>,
        %scatter3A_848 = arith.constant 0 : i32
        %scatter3A_849 = arith.constant 0 : i32
        %scatter3A_850 = arith.constant 0 : i32
        %scatter3A_851 = tpu.memref_slice %arg7[%scatter3A_848, %scatter3A_849, %scatter3A_850] : memref<2x64x129xf32, #tpu.memory_space<vmem>> -> memref<1x64x129xf32, #tpu.memory_space<vmem>>
        %scatter3A_852 = tpu.memref_squeeze %scatter3A_851 : memref<1x64x129xf32, #tpu.memory_space<vmem>> -> memref<64x129xf32, #tpu.memory_space<vmem>>
        tpu.vector_store_idx %scatter3A_852[%add3A_25, %add3A_834], %get3A_847 : memref<64x129xf32, #tpu.memory_space<vmem>>[vector<16xi32>, vector<16xi32>], vector<16xf32>,
        %get3A_853 = arith.constant 0 : i32
        %get3A_854 = arith.index_cast %get3A_853 : i32 to index
        %get3A_855 = arith.index_cast %add3A_831 : i32 to index
        %get3A_856 = arith.constant 32 : index
        %get3A_857 = tpu.vector_load %arg6[%get3A_854, %get3A_855, %get3A_856] {strides = array<i32>} : memref<2x128x128xf32, #tpu.memory_space<vmem>>, vector<16xf32>,
        %scatter3A_858 = arith.constant 0 : i32
        %scatter3A_859 = arith.constant 0 : i32
        %scatter3A_860 = arith.constant 0 : i32
        %scatter3A_861 = tpu.memref_slice %arg7[%scatter3A_858, %scatter3A_859, %scatter3A_860] : memref<2x64x129xf32, #tpu.memory_space<vmem>> -> memref<1x64x129xf32, #tpu.memory_space<vmem>>
        %scatter3A_862 = tpu.memref_squeeze %scatter3A_861 : memref<1x64x129xf32, #tpu.memory_space<vmem>> -> memref<64x129xf32, #tpu.memory_space<vmem>>
        tpu.vector_store_idx %scatter3A_862[%add3A_28, %add3A_834], %get3A_857 : memref<64x129xf32, #tpu.memory_space<vmem>>[vector<16xi32>, vector<16xi32>], vector<16xf32>,
        %get3A_863 = arith.constant 0 : i32
        %get3A_864 = arith.index_cast %get3A_863 : i32 to index
        %get3A_865 = arith.index_cast %add3A_831 : i32 to index
        %get3A_866 = arith.constant 48 : index
        %get3A_867 = tpu.vector_load %arg6[%get3A_864, %get3A_865, %get3A_866] {strides = array<i32>} : memref<2x128x128xf32, #tpu.memory_space<vmem>>, vector<16xf32>,
        %scatter3A_868 = arith.constant 0 : i32
        %scatter3A_869 = arith.constant 0 : i32
        %scatter3A_870 = arith.constant 0 : i32
        %scatter3A_871 = tpu.memref_slice %arg7[%scatter3A_868, %scatter3A_869, %scatter3A_870] : memref<2x64x129xf32, #tpu.memory_space<vmem>> -> memref<1x64x129xf32, #tpu.memory_space<vmem>>
        %scatter3A_872 = tpu.memref_squeeze %scatter3A_871 : memref<1x64x129xf32, #tpu.memory_space<vmem>> -> memref<64x129xf32, #tpu.memory_space<vmem>>
        tpu.vector_store_idx %scatter3A_872[%add3A_31, %add3A_834], %get3A_867 : memref<64x129xf32, #tpu.memory_space<vmem>>[vector<16xi32>, vector<16xi32>], vector<16xf32>,
        %mul3A_873 = arith.constant 4 : i32
        %mul3A_874 = arith.muli %scan3A_827, %mul3A_873 : i32
        %add3A_875 = arith.constant 1 : i32
        %add3A_876 = arith.addi %mul3A_874, %add3A_875 : i32
        %broadcast_in_dim3A_877 = arith.constant 0 : i32
        %broadcast_in_dim3A_878 = vector.broadcast %broadcast_in_dim3A_877 : i32 to vector<16xi32>
        %add3A_879 = vector.broadcast %add3A_876 : i32 to vector<16xi32>
        %add3A_880 = arith.addi %broadcast_in_dim3A_878, %add3A_879 : vector<16xi32>
        %get3A_881 = arith.constant 0 : i32
        %get3A_882 = arith.index_cast %get3A_881 : i32 to index
        %get3A_883 = arith.index_cast %add3A_876 : i32 to index
        %get3A_884 = arith.constant 0 : index
        %get3A_885 = tpu.vector_load %arg6[%get3A_882, %get3A_883, %get3A_884] {strides = array<i32>} : memref<2x128x128xf32, #tpu.memory_space<vmem>>, vector<16xf32>,
        %scatter3A_886 = arith.constant 0 : i32
        %scatter3A_887 = arith.constant 0 : i32
        %scatter3A_888 = arith.constant 0 : i32
        %scatter3A_889 = tpu.memref_slice %arg7[%scatter3A_886, %scatter3A_887, %scatter3A_888] : memref<2x64x129xf32, #tpu.memory_space<vmem>> -> memref<1x64x129xf32, #tpu.memory_space<vmem>>
        %scatter3A_890 = tpu.memref_squeeze %scatter3A_889 : memref<1x64x129xf32, #tpu.memory_space<vmem>> -> memref<64x129xf32, #tpu.memory_space<vmem>>
        tpu.vector_store_idx %scatter3A_890[%add3A_22, %add3A_880], %get3A_885 : memref<64x129xf32, #tpu.memory_space<vmem>>[vector<16xi32>, vector<16xi32>], vector<16xf32>,
        %get3A_891 = arith.constant 0 : i32
        %get3A_892 = arith.index_cast %get3A_891 : i32 to index
        %get3A_893 = arith.index_cast %add3A_876 : i32 to index
        %get3A_894 = arith.constant 16 : index
        %get3A_895 = tpu.vector_load %arg6[%get3A_892, %get3A_893, %get3A_894] {strides = array<i32>} : memref<2x128x128xf32, #tpu.memory_space<vmem>>, vector<16xf32>,
        %scatter3A_896 = arith.constant 0 : i32
        %scatter3A_897 = arith.constant 0 : i32
        %scatter3A_898 = arith.constant 0 : i32
        %scatter3A_899 = tpu.memref_slice %arg7[%scatter3A_896, %scatter3A_897, %scatter3A_898] : memref<2x64x129xf32, #tpu.memory_space<vmem>> -> memref<1x64x129xf32, #tpu.memory_space<vmem>>
        %scatter3A_900 = tpu.memref_squeeze %scatter3A_899 : memref<1x64x129xf32, #tpu.memory_space<vmem>> -> memref<64x129xf32, #tpu.memory_space<vmem>>
        tpu.vector_store_idx %scatter3A_900[%add3A_25, %add3A_880], %get3A_895 : memref<64x129xf32, #tpu.memory_space<vmem>>[vector<16xi32>, vector<16xi32>], vector<16xf32>,
        %get3A_901 = arith.constant 0 : i32
        %get3A_902 = arith.index_cast %get3A_901 : i32 to index
        %get3A_903 = arith.index_cast %add3A_876 : i32 to index
        %get3A_904 = arith.constant 32 : index
        %get3A_905 = tpu.vector_load %arg6[%get3A_902, %get3A_903, %get3A_904] {strides = array<i32>} : memref<2x128x128xf32, #tpu.memory_space<vmem>>, vector<16xf32>,
        %scatter3A_906 = arith.constant 0 : i32
        %scatter3A_907 = arith.constant 0 : i32
        %scatter3A_908 = arith.constant 0 : i32
        %scatter3A_909 = tpu.memref_slice %arg7[%scatter3A_906, %scatter3A_907, %scatter3A_908] : memref<2x64x129xf32, #tpu.memory_space<vmem>> -> memref<1x64x129xf32, #tpu.memory_space<vmem>>
        %scatter3A_910 = tpu.memref_squeeze %scatter3A_909 : memref<1x64x129xf32, #tpu.memory_space<vmem>> -> memref<64x129xf32, #tpu.memory_space<vmem>>
        tpu.vector_store_idx %scatter3A_910[%add3A_28, %add3A_880], %get3A_905 : memref<64x129xf32, #tpu.memory_space<vmem>>[vector<16xi32>, vector<16xi32>], vector<16xf32>,
        %get3A_911 = arith.constant 0 : i32
        %get3A_912 = arith.index_cast %get3A_911 : i32 to index
        %get3A_913 = arith.index_cast %add3A_876 : i32 to index
        %get3A_914 = arith.constant 48 : index
        %get3A_915 = tpu.vector_load %arg6[%get3A_912, %get3A_913, %get3A_914] {strides = array<i32>} : memref<2x128x128xf32, #tpu.memory_space<vmem>>, vector<16xf32>,
        %scatter3A_916 = arith.constant 0 : i32
        %scatter3A_917 = arith.constant 0 : i32
        %scatter3A_918 = arith.constant 0 : i32
        %scatter3A_919 = tpu.memref_slice %arg7[%scatter3A_916, %scatter3A_917, %scatter3A_918] : memref<2x64x129xf32, #tpu.memory_space<vmem>> -> memref<1x64x129xf32, #tpu.memory_space<vmem>>
        %scatter3A_920 = tpu.memref_squeeze %scatter3A_919 : memref<1x64x129xf32, #tpu.memory_space<vmem>> -> memref<64x129xf32, #tpu.memory_space<vmem>>
        tpu.vector_store_idx %scatter3A_920[%add3A_31, %add3A_880], %get3A_915 : memref<64x129xf32, #tpu.memory_space<vmem>>[vector<16xi32>, vector<16xi32>], vector<16xf32>,
        %mul3A_921 = arith.constant 4 : i32
        %mul3A_922 = arith.muli %scan3A_827, %mul3A_921 : i32
        %add3A_923 = arith.constant 2 : i32
        %add3A_924 = arith.addi %mul3A_922, %add3A_923 : i32
        %broadcast_in_dim3A_925 = arith.constant 0 : i32
        %broadcast_in_dim3A_926 = vector.broadcast %broadcast_in_dim3A_925 : i32 to vector<16xi32>
        %add3A_927 = vector.broadcast %add3A_924 : i32 to vector<16xi32>
        %add3A_928 = arith.addi %broadcast_in_dim3A_926, %add3A_927 : vector<16xi32>
        %get3A_929 = arith.constant 0 : i32
        %get3A_930 = arith.index_cast %get3A_929 : i32 to index
        %get3A_931 = arith.index_cast %add3A_924 : i32 to index
        %get3A_932 = arith.constant 0 : index
        %get3A_933 = tpu.vector_load %arg6[%get3A_930, %get3A_931, %get3A_932] {strides = array<i32>} : memref<2x128x128xf32, #tpu.memory_space<vmem>>, vector<16xf32>,
        %scatter3A_934 = arith.constant 0 : i32
        %scatter3A_935 = arith.constant 0 : i32
        %scatter3A_936 = arith.constant 0 : i32
        %scatter3A_937 = tpu.memref_slice %arg7[%scatter3A_934, %scatter3A_935, %scatter3A_936] : memref<2x64x129xf32, #tpu.memory_space<vmem>> -> memref<1x64x129xf32, #tpu.memory_space<vmem>>
        %scatter3A_938 = tpu.memref_squeeze %scatter3A_937 : memref<1x64x129xf32, #tpu.memory_space<vmem>> -> memref<64x129xf32, #tpu.memory_space<vmem>>
        tpu.vector_store_idx %scatter3A_938[%add3A_22, %add3A_928], %get3A_933 : memref<64x129xf32, #tpu.memory_space<vmem>>[vector<16xi32>, vector<16xi32>], vector<16xf32>,
        %get3A_939 = arith.constant 0 : i32
        %get3A_940 = arith.index_cast %get3A_939 : i32 to index
        %get3A_941 = arith.index_cast %add3A_924 : i32 to index
        %get3A_942 = arith.constant 16 : index
        %get3A_943 = tpu.vector_load %arg6[%get3A_940, %get3A_941, %get3A_942] {strides = array<i32>} : memref<2x128x128xf32, #tpu.memory_space<vmem>>, vector<16xf32>,
        %scatter3A_944 = arith.constant 0 : i32
        %scatter3A_945 = arith.constant 0 : i32
        %scatter3A_946 = arith.constant 0 : i32
        %scatter3A_947 = tpu.memref_slice %arg7[%scatter3A_944, %scatter3A_945, %scatter3A_946] : memref<2x64x129xf32, #tpu.memory_space<vmem>> -> memref<1x64x129xf32, #tpu.memory_space<vmem>>
        %scatter3A_948 = tpu.memref_squeeze %scatter3A_947 : memref<1x64x129xf32, #tpu.memory_space<vmem>> -> memref<64x129xf32, #tpu.memory_space<vmem>>
        tpu.vector_store_idx %scatter3A_948[%add3A_25, %add3A_928], %get3A_943 : memref<64x129xf32, #tpu.memory_space<vmem>>[vector<16xi32>, vector<16xi32>], vector<16xf32>,
        %get3A_949 = arith.constant 0 : i32
        %get3A_950 = arith.index_cast %get3A_949 : i32 to index
        %get3A_951 = arith.index_cast %add3A_924 : i32 to index
        %get3A_952 = arith.constant 32 : index
        %get3A_953 = tpu.vector_load %arg6[%get3A_950, %get3A_951, %get3A_952] {strides = array<i32>} : memref<2x128x128xf32, #tpu.memory_space<vmem>>, vector<16xf32>,
        %scatter3A_954 = arith.constant 0 : i32
        %scatter3A_955 = arith.constant 0 : i32
        %scatter3A_956 = arith.constant 0 : i32
        %scatter3A_957 = tpu.memref_slice %arg7[%scatter3A_954, %scatter3A_955, %scatter3A_956] : memref<2x64x129xf32, #tpu.memory_space<vmem>> -> memref<1x64x129xf32, #tpu.memory_space<vmem>>
        %scatter3A_958 = tpu.memref_squeeze %scatter3A_957 : memref<1x64x129xf32, #tpu.memory_space<vmem>> -> memref<64x129xf32, #tpu.memory_space<vmem>>
        tpu.vector_store_idx %scatter3A_958[%add3A_28, %add3A_928], %get3A_953 : memref<64x129xf32, #tpu.memory_space<vmem>>[vector<16xi32>, vector<16xi32>], vector<16xf32>,
        %get3A_959 = arith.constant 0 : i32
        %get3A_960 = arith.index_cast %get3A_959 : i32 to index
        %get3A_961 = arith.index_cast %add3A_924 : i32 to index
        %get3A_962 = arith.constant 48 : index
        %get3A_963 = tpu.vector_load %arg6[%get3A_960, %get3A_961, %get3A_962] {strides = array<i32>} : memref<2x128x128xf32, #tpu.memory_space<vmem>>, vector<16xf32>,
        %scatter3A_964 = arith.constant 0 : i32
        %scatter3A_965 = arith.constant 0 : i32
        %scatter3A_966 = arith.constant 0 : i32
        %scatter3A_967 = tpu.memref_slice %arg7[%scatter3A_964, %scatter3A_965, %scatter3A_966] : memref<2x64x129xf32, #tpu.memory_space<vmem>> -> memref<1x64x129xf32, #tpu.memory_space<vmem>>
        %scatter3A_968 = tpu.memref_squeeze %scatter3A_967 : memref<1x64x129xf32, #tpu.memory_space<vmem>> -> memref<64x129xf32, #tpu.memory_space<vmem>>
        tpu.vector_store_idx %scatter3A_968[%add3A_31, %add3A_928], %get3A_963 : memref<64x129xf32, #tpu.memory_space<vmem>>[vector<16xi32>, vector<16xi32>], vector<16xf32>,
        %mul3A_969 = arith.constant 4 : i32
        %mul3A_970 = arith.muli %scan3A_827, %mul3A_969 : i32
        %add3A_971 = arith.constant 3 : i32
        %add3A_972 = arith.addi %mul3A_970, %add3A_971 : i32
        %broadcast_in_dim3A_973 = arith.constant 0 : i32
        %broadcast_in_dim3A_974 = vector.broadcast %broadcast_in_dim3A_973 : i32 to vector<16xi32>
        %add3A_975 = vector.broadcast %add3A_972 : i32 to vector<16xi32>
        %add3A_976 = arith.addi %broadcast_in_dim3A_974, %add3A_975 : vector<16xi32>
        %get3A_977 = arith.constant 0 : i32
        %get3A_978 = arith.index_cast %get3A_977 : i32 to index
        %get3A_979 = arith.index_cast %add3A_972 : i32 to index
        %get3A_980 = arith.constant 0 : index
        %get3A_981 = tpu.vector_load %arg6[%get3A_978, %get3A_979, %get3A_980] {strides = array<i32>} : memref<2x128x128xf32, #tpu.memory_space<vmem>>, vector<16xf32>,
        %scatter3A_982 = arith.constant 0 : i32
        %scatter3A_983 = arith.constant 0 : i32
        %scatter3A_984 = arith.constant 0 : i32
        %scatter3A_985 = tpu.memref_slice %arg7[%scatter3A_982, %scatter3A_983, %scatter3A_984] : memref<2x64x129xf32, #tpu.memory_space<vmem>> -> memref<1x64x129xf32, #tpu.memory_space<vmem>>
        %scatter3A_986 = tpu.memref_squeeze %scatter3A_985 : memref<1x64x129xf32, #tpu.memory_space<vmem>> -> memref<64x129xf32, #tpu.memory_space<vmem>>
        tpu.vector_store_idx %scatter3A_986[%add3A_22, %add3A_976], %get3A_981 : memref<64x129xf32, #tpu.memory_space<vmem>>[vector<16xi32>, vector<16xi32>], vector<16xf32>,
        %get3A_987 = arith.constant 0 : i32
        %get3A_988 = arith.index_cast %get3A_987 : i32 to index
        %get3A_989 = arith.index_cast %add3A_972 : i32 to index
        %get3A_990 = arith.constant 16 : index
        %get3A_991 = tpu.vector_load %arg6[%get3A_988, %get3A_989, %get3A_990] {strides = array<i32>} : memref<2x128x128xf32, #tpu.memory_space<vmem>>, vector<16xf32>,
        %scatter3A_992 = arith.constant 0 : i32
        %scatter3A_993 = arith.constant 0 : i32
        %scatter3A_994 = arith.constant 0 : i32
        %scatter3A_995 = tpu.memref_slice %arg7[%scatter3A_992, %scatter3A_993, %scatter3A_994] : memref<2x64x129xf32, #tpu.memory_space<vmem>> -> memref<1x64x129xf32, #tpu.memory_space<vmem>>
        %scatter3A_996 = tpu.memref_squeeze %scatter3A_995 : memref<1x64x129xf32, #tpu.memory_space<vmem>> -> memref<64x129xf32, #tpu.memory_space<vmem>>
        tpu.vector_store_idx %scatter3A_996[%add3A_25, %add3A_976], %get3A_991 : memref<64x129xf32, #tpu.memory_space<vmem>>[vector<16xi32>, vector<16xi32>], vector<16xf32>,
        %get3A_997 = arith.constant 0 : i32
        %get3A_998 = arith.index_cast %get3A_997 : i32 to index
        %get3A_999 = arith.index_cast %add3A_972 : i32 to index
        %get3A_1000 = arith.constant 32 : index
        %get3A_1001 = tpu.vector_load %arg6[%get3A_998, %get3A_999, %get3A_1000] {strides = array<i32>} : memref<2x128x128xf32, #tpu.memory_space<vmem>>, vector<16xf32>,
        %scatter3A_1002 = arith.constant 0 : i32
        %scatter3A_1003 = arith.constant 0 : i32
        %scatter3A_1004 = arith.constant 0 : i32
        %scatter3A_1005 = tpu.memref_slice %arg7[%scatter3A_1002, %scatter3A_1003, %scatter3A_1004] : memref<2x64x129xf32, #tpu.memory_space<vmem>> -> memref<1x64x129xf32, #tpu.memory_space<vmem>>
        %scatter3A_1006 = tpu.memref_squeeze %scatter3A_1005 : memref<1x64x129xf32, #tpu.memory_space<vmem>> -> memref<64x129xf32, #tpu.memory_space<vmem>>
        tpu.vector_store_idx %scatter3A_1006[%add3A_28, %add3A_976], %get3A_1001 : memref<64x129xf32, #tpu.memory_space<vmem>>[vector<16xi32>, vector<16xi32>], vector<16xf32>,
        %get3A_1007 = arith.constant 0 : i32
        %get3A_1008 = arith.index_cast %get3A_1007 : i32 to index
        %get3A_1009 = arith.index_cast %add3A_972 : i32 to index
        %get3A_1010 = arith.constant 48 : index
        %get3A_1011 = tpu.vector_load %arg6[%get3A_1008, %get3A_1009, %get3A_1010] {strides = array<i32>} : memref<2x128x128xf32, #tpu.memory_space<vmem>>, vector<16xf32>,
        %scatter3A_1012 = arith.constant 0 : i32
        %scatter3A_1013 = arith.constant 0 : i32
        %scatter3A_1014 = arith.constant 0 : i32
        %scatter3A_1015 = tpu.memref_slice %arg7[%scatter3A_1012, %scatter3A_1013, %scatter3A_1014] : memref<2x64x129xf32, #tpu.memory_space<vmem>> -> memref<1x64x129xf32, #tpu.memory_space<vmem>>
        %scatter3A_1016 = tpu.memref_squeeze %scatter3A_1015 : memref<1x64x129xf32, #tpu.memory_space<vmem>> -> memref<64x129xf32, #tpu.memory_space<vmem>>
        tpu.vector_store_idx %scatter3A_1016[%add3A_31, %add3A_976], %get3A_1011 : memref<64x129xf32, #tpu.memory_space<vmem>>[vector<16xi32>, vector<16xi32>], vector<16xf32>,
      }
      %scan3A_411 = arith.constant 32 : i32
      %jit3A_412 = arith.constant 128 : i32
      %div3A_413 = arith.divsi %add3A_388, %jit3A_412 : i32
      %sign3A_414 = arith.constant 0 : i32
      %sign3A_415 = arith.cmpi sgt, %add3A_388, %sign3A_414 : i32
      %sign3A_416 = arith.extui %sign3A_415 : i1 to i32
      %sign3A_417 = arith.constant 0 : i32
      %sign3A_418 = arith.cmpi slt, %add3A_388, %sign3A_417 : i32
      %sign3A_419 = arith.extui %sign3A_418 : i1 to i32
      %sign3A_420 = arith.subi %sign3A_416, %sign3A_419 : i32
      %sign3A_421 = arith.constant 0 : i32
      %sign3A_422 = arith.cmpi sgt, %jit3A_412, %sign3A_421 : i32
      %sign3A_423 = arith.extui %sign3A_422 : i1 to i32
      %sign3A_424 = arith.constant 0 : i32
      %sign3A_425 = arith.cmpi slt, %jit3A_412, %sign3A_424 : i32
      %sign3A_426 = arith.extui %sign3A_425 : i1 to i32
      %sign3A_427 = arith.subi %sign3A_423, %sign3A_426 : i32
      %ne3A_428 = arith.cmpi ne, %sign3A_420, %sign3A_427 : i32
      %rem3A_429 = arith.remsi %add3A_388, %jit3A_412 : i32
      %ne3A_430 = arith.constant 0 : i32
      %ne3A_431 = arith.cmpi ne, %rem3A_429, %ne3A_430 : i32
      %and3A_432 = arith.andi %ne3A_428, %ne3A_431 : i1
      %sub3A_433 = arith.constant 1 : i32
      %sub3A_434 = arith.subi %div3A_413, %sub3A_433 : i32
      %select_n3A_435 = arith.select %and3A_432, %sub3A_434, %div3A_413 : i32
      %jit3A_436 = arith.constant 128 : i32
      %eq3A_437 = arith.constant 0 : i32
      %eq3A_438 = arith.cmpi eq, %jit3A_436, %eq3A_437 : i32
      %jit3A_439 = arith.constant 1 : i32
      %select_n3A_440 = arith.select %eq3A_438, %jit3A_439, %jit3A_436 : i32
      %rem3A_441 = arith.remsi %add3A_388, %select_n3A_440 : i32
      %ne3A_442 = arith.constant 0 : i32
      %ne3A_443 = arith.cmpi ne, %rem3A_441, %ne3A_442 : i32
      %lt3A_444 = arith.constant 0 : i32
      %lt3A_445 = arith.cmpi slt, %rem3A_441, %lt3A_444 : i32
      %lt3A_446 = arith.constant 0 : i32
      %lt3A_447 = arith.cmpi slt, %select_n3A_440, %lt3A_446 : i32
      %ne3A_448 = arith.xori %lt3A_445, %lt3A_447 : i1
      %and3A_449 = arith.andi %ne3A_448, %ne3A_443 : i1
      %add3A_450 = arith.addi %rem3A_441, %select_n3A_440 : i32
      %select_n3A_451 = arith.select %and3A_449, %add3A_450, %rem3A_441 : i32
      %dma_start3A_452 = arith.constant 0 : i32
      %dma_start3A_453 = arith.constant 0 : i32
      %dma_start3A_454 = arith.constant 0 : i32
      %dma_start3A_455 = arith.constant 0 : i32
      %dma_start3A_456 = tpu.memref_slice %arg7[%dma_start3A_452, %dma_start3A_454, %dma_start3A_455] : memref<2x64x129xf32, #tpu.memory_space<vmem>> -> memref<1x8x128xf32, #tpu.memory_space<vmem>>
      %dma_start3A_457 = tpu.memref_squeeze %dma_start3A_456 : memref<1x8x128xf32, #tpu.memory_space<vmem>> -> memref<8x128xf32, #tpu.memory_space<vmem>>
      %dma_start3A_458 = arith.constant 0 : i32
      %dma_start3A_459 = arith.constant 0 : i32
      %dma_start3A_460 = tpu.memref_slice %arg4[%select_n3A_435, %dma_start3A_453, %select_n3A_451, %dma_start3A_458, %dma_start3A_459] : memref<50x8x128x8x128xf32, #tpu.memory_space<hbm>> -> memref<1x1x1x8x128xf32, #tpu.memory_space<hbm>>
      %dma_start3A_461 = tpu.memref_squeeze %dma_start3A_460 : memref<1x1x1x8x128xf32, #tpu.memory_space<hbm>> -> memref<8x128xf32, #tpu.memory_space<hbm>>
      %dma_start3A_462 = arith.constant 0 : i32
      %dma_start3A_463 = arith.constant 0 : i32
      %dma_start3A_464 = tpu.memref_slice %arg4[%select_n3A_435, %dma_start3A_453, %select_n3A_451, %dma_start3A_462, %dma_start3A_463] : memref<50x8x128x8x128xf32, #tpu.memory_space<hbm>> -> memref<1x1x1x8x128xf32, #tpu.memory_space<hbm>>
      %dma_start3A_465 = tpu.memref_squeeze %dma_start3A_464 : memref<1x1x1x8x128xf32, #tpu.memory_space<hbm>> -> memref<8x128xf32, #tpu.memory_space<hbm>>
      %dma_start3A_466 = arith.constant 0 : i32
      %dma_start3A_467 = arith.constant 0 : i32
      %dma_start3A_468 = tpu.memref_slice %arg7[%dma_start3A_452, %dma_start3A_466, %dma_start3A_467] : memref<2x64x129xf32, #tpu.memory_space<vmem>> -> memref<1x8x128xf32, #tpu.memory_space<vmem>>
      %dma_start3A_469 = tpu.memref_squeeze %dma_start3A_468 : memref<1x8x128xf32, #tpu.memory_space<vmem>> -> memref<8x128xf32, #tpu.memory_space<vmem>>
      tpu.enqueue_dma source(%dma_start3A_469 : memref<8x128xf32, #tpu.memory_space<vmem>>) target(%dma_start3A_465 : memref<8x128xf32, #tpu.memory_space<hbm>>) target_semaphore(%arg10 : memref<!tpu.dma_semaphore, #tpu.memory_space<semaphore_mem>>)
      %dma_start3A_470 = arith.constant 0 : i32
      %dma_start3A_471 = arith.constant 1 : i32
      %dma_start3A_472 = arith.constant 8 : i32
      %dma_start3A_473 = arith.constant 0 : i32
      %dma_start3A_474 = tpu.memref_slice %arg7[%dma_start3A_470, %dma_start3A_472, %dma_start3A_473] : memref<2x64x129xf32, #tpu.memory_space<vmem>> -> memref<1x8x128xf32, #tpu.memory_space<vmem>>
      %dma_start3A_475 = tpu.memref_squeeze %dma_start3A_474 : memref<1x8x128xf32, #tpu.memory_space<vmem>> -> memref<8x128xf32, #tpu.memory_space<vmem>>
      %dma_start3A_476 = arith.constant 0 : i32
      %dma_start3A_477 = arith.constant 0 : i32
      %dma_start3A_478 = tpu.memref_slice %arg4[%select_n3A_435, %dma_start3A_471, %select_n3A_451, %dma_start3A_476, %dma_start3A_477] : memref<50x8x128x8x128xf32, #tpu.memory_space<hbm>> -> memref<1x1x1x8x128xf32, #tpu.memory_space<hbm>>
      %dma_start3A_479 = tpu.memref_squeeze %dma_start3A_478 : memref<1x1x1x8x128xf32, #tpu.memory_space<hbm>> -> memref<8x128xf32, #tpu.memory_space<hbm>>
      %dma_start3A_480 = arith.constant 0 : i32
      %dma_start3A_481 = arith.constant 0 : i32
      %dma_start3A_482 = tpu.memref_slice %arg4[%select_n3A_435, %dma_start3A_471, %select_n3A_451, %dma_start3A_480, %dma_start3A_481] : memref<50x8x128x8x128xf32, #tpu.memory_space<hbm>> -> memref<1x1x1x8x128xf32, #tpu.memory_space<hbm>>
      %dma_start3A_483 = tpu.memref_squeeze %dma_start3A_482 : memref<1x1x1x8x128xf32, #tpu.memory_space<hbm>> -> memref<8x128xf32, #tpu.memory_space<hbm>>
      %dma_start3A_484 = arith.constant 8 : i32
      %dma_start3A_485 = arith.constant 0 : i32
      %dma_start3A_486 = tpu.memref_slice %arg7[%dma_start3A_470, %dma_start3A_484, %dma_start3A_485] : memref<2x64x129xf32, #tpu.memory_space<vmem>> -> memref<1x8x128xf32, #tpu.memory_space<vmem>>
      %dma_start3A_487 = tpu.memref_squeeze %dma_start3A_486 : memref<1x8x128xf32, #tpu.memory_space<vmem>> -> memref<8x128xf32, #tpu.memory_space<vmem>>
      tpu.enqueue_dma source(%dma_start3A_487 : memref<8x128xf32, #tpu.memory_space<vmem>>) target(%dma_start3A_483 : memref<8x128xf32, #tpu.memory_space<hbm>>) target_semaphore(%arg10 : memref<!tpu.dma_semaphore, #tpu.memory_space<semaphore_mem>>)
      %dma_start3A_488 = arith.constant 0 : i32
      %dma_start3A_489 = arith.constant 2 : i32
      %dma_start3A_490 = arith.constant 16 : i32
      %dma_start3A_491 = arith.constant 0 : i32
      %dma_start3A_492 = tpu.memref_slice %arg7[%dma_start3A_488, %dma_start3A_490, %dma_start3A_491] : memref<2x64x129xf32, #tpu.memory_space<vmem>> -> memref<1x8x128xf32, #tpu.memory_space<vmem>>
      %dma_start3A_493 = tpu.memref_squeeze %dma_start3A_492 : memref<1x8x128xf32, #tpu.memory_space<vmem>> -> memref<8x128xf32, #tpu.memory_space<vmem>>
      %dma_start3A_494 = arith.constant 0 : i32
      %dma_start3A_495 = arith.constant 0 : i32
      %dma_start3A_496 = tpu.memref_slice %arg4[%select_n3A_435, %dma_start3A_489, %select_n3A_451, %dma_start3A_494, %dma_start3A_495] : memref<50x8x128x8x128xf32, #tpu.memory_space<hbm>> -> memref<1x1x1x8x128xf32, #tpu.memory_space<hbm>>
      %dma_start3A_497 = tpu.memref_squeeze %dma_start3A_496 : memref<1x1x1x8x128xf32, #tpu.memory_space<hbm>> -> memref<8x128xf32, #tpu.memory_space<hbm>>
      %dma_start3A_498 = arith.constant 0 : i32
      %dma_start3A_499 = arith.constant 0 : i32
      %dma_start3A_500 = tpu.memref_slice %arg4[%select_n3A_435, %dma_start3A_489, %select_n3A_451, %dma_start3A_498, %dma_start3A_499] : memref<50x8x128x8x128xf32, #tpu.memory_space<hbm>> -> memref<1x1x1x8x128xf32, #tpu.memory_space<hbm>>
      %dma_start3A_501 = tpu.memref_squeeze %dma_start3A_500 : memref<1x1x1x8x128xf32, #tpu.memory_space<hbm>> -> memref<8x128xf32, #tpu.memory_space<hbm>>
      %dma_start3A_502 = arith.constant 16 : i32
      %dma_start3A_503 = arith.constant 0 : i32
      %dma_start3A_504 = tpu.memref_slice %arg7[%dma_start3A_488, %dma_start3A_502, %dma_start3A_503] : memref<2x64x129xf32, #tpu.memory_space<vmem>> -> memref<1x8x128xf32, #tpu.memory_space<vmem>>
      %dma_start3A_505 = tpu.memref_squeeze %dma_start3A_504 : memref<1x8x128xf32, #tpu.memory_space<vmem>> -> memref<8x128xf32, #tpu.memory_space<vmem>>
      tpu.enqueue_dma source(%dma_start3A_505 : memref<8x128xf32, #tpu.memory_space<vmem>>) target(%dma_start3A_501 : memref<8x128xf32, #tpu.memory_space<hbm>>) target_semaphore(%arg10 : memref<!tpu.dma_semaphore, #tpu.memory_space<semaphore_mem>>)
      %dma_start3A_506 = arith.constant 0 : i32
      %dma_start3A_507 = arith.constant 3 : i32
      %dma_start3A_508 = arith.constant 24 : i32
      %dma_start3A_509 = arith.constant 0 : i32
      %dma_start3A_510 = tpu.memref_slice %arg7[%dma_start3A_506, %dma_start3A_508, %dma_start3A_509] : memref<2x64x129xf32, #tpu.memory_space<vmem>> -> memref<1x8x128xf32, #tpu.memory_space<vmem>>
      %dma_start3A_511 = tpu.memref_squeeze %dma_start3A_510 : memref<1x8x128xf32, #tpu.memory_space<vmem>> -> memref<8x128xf32, #tpu.memory_space<vmem>>
      %dma_start3A_512 = arith.constant 0 : i32
      %dma_start3A_513 = arith.constant 0 : i32
      %dma_start3A_514 = tpu.memref_slice %arg4[%select_n3A_435, %dma_start3A_507, %select_n3A_451, %dma_start3A_512, %dma_start3A_513] : memref<50x8x128x8x128xf32, #tpu.memory_space<hbm>> -> memref<1x1x1x8x128xf32, #tpu.memory_space<hbm>>
      %dma_start3A_515 = tpu.memref_squeeze %dma_start3A_514 : memref<1x1x1x8x128xf32, #tpu.memory_space<hbm>> -> memref<8x128xf32, #tpu.memory_space<hbm>>
      %dma_start3A_516 = arith.constant 0 : i32
      %dma_start3A_517 = arith.constant 0 : i32
      %dma_start3A_518 = tpu.memref_slice %arg4[%select_n3A_435, %dma_start3A_507, %select_n3A_451, %dma_start3A_516, %dma_start3A_517] : memref<50x8x128x8x128xf32, #tpu.memory_space<hbm>> -> memref<1x1x1x8x128xf32, #tpu.memory_space<hbm>>
      %dma_start3A_519 = tpu.memref_squeeze %dma_start3A_518 : memref<1x1x1x8x128xf32, #tpu.memory_space<hbm>> -> memref<8x128xf32, #tpu.memory_space<hbm>>
      %dma_start3A_520 = arith.constant 24 : i32
      %dma_start3A_521 = arith.constant 0 : i32
      %dma_start3A_522 = tpu.memref_slice %arg7[%dma_start3A_506, %dma_start3A_520, %dma_start3A_521] : memref<2x64x129xf32, #tpu.memory_space<vmem>> -> memref<1x8x128xf32, #tpu.memory_space<vmem>>
      %dma_start3A_523 = tpu.memref_squeeze %dma_start3A_522 : memref<1x8x128xf32, #tpu.memory_space<vmem>> -> memref<8x128xf32, #tpu.memory_space<vmem>>
      tpu.enqueue_dma source(%dma_start3A_523 : memref<8x128xf32, #tpu.memory_space<vmem>>) target(%dma_start3A_519 : memref<8x128xf32, #tpu.memory_space<hbm>>) target_semaphore(%arg10 : memref<!tpu.dma_semaphore, #tpu.memory_space<semaphore_mem>>)
      %dma_start3A_524 = arith.constant 0 : i32
      %dma_start3A_525 = arith.constant 4 : i32
      %dma_start3A_526 = arith.constant 32 : i32
      %dma_start3A_527 = arith.constant 0 : i32
      %dma_start3A_528 = tpu.memref_slice %arg7[%dma_start3A_524, %dma_start3A_526, %dma_start3A_527] : memref<2x64x129xf32, #tpu.memory_space<vmem>> -> memref<1x8x128xf32, #tpu.memory_space<vmem>>
      %dma_start3A_529 = tpu.memref_squeeze %dma_start3A_528 : memref<1x8x128xf32, #tpu.memory_space<vmem>> -> memref<8x128xf32, #tpu.memory_space<vmem>>
      %dma_start3A_530 = arith.constant 0 : i32
      %dma_start3A_531 = arith.constant 0 : i32
      %dma_start3A_532 = tpu.memref_slice %arg4[%select_n3A_435, %dma_start3A_525, %select_n3A_451, %dma_start3A_530, %dma_start3A_531] : memref<50x8x128x8x128xf32, #tpu.memory_space<hbm>> -> memref<1x1x1x8x128xf32, #tpu.memory_space<hbm>>
      %dma_start3A_533 = tpu.memref_squeeze %dma_start3A_532 : memref<1x1x1x8x128xf32, #tpu.memory_space<hbm>> -> memref<8x128xf32, #tpu.memory_space<hbm>>
      %dma_start3A_534 = arith.constant 0 : i32
      %dma_start3A_535 = arith.constant 0 : i32
      %dma_start3A_536 = tpu.memref_slice %arg4[%select_n3A_435, %dma_start3A_525, %select_n3A_451, %dma_start3A_534, %dma_start3A_535] : memref<50x8x128x8x128xf32, #tpu.memory_space<hbm>> -> memref<1x1x1x8x128xf32, #tpu.memory_space<hbm>>
      %dma_start3A_537 = tpu.memref_squeeze %dma_start3A_536 : memref<1x1x1x8x128xf32, #tpu.memory_space<hbm>> -> memref<8x128xf32, #tpu.memory_space<hbm>>
      %dma_start3A_538 = arith.constant 32 : i32
      %dma_start3A_539 = arith.constant 0 : i32
      %dma_start3A_540 = tpu.memref_slice %arg7[%dma_start3A_524, %dma_start3A_538, %dma_start3A_539] : memref<2x64x129xf32, #tpu.memory_space<vmem>> -> memref<1x8x128xf32, #tpu.memory_space<vmem>>
      %dma_start3A_541 = tpu.memref_squeeze %dma_start3A_540 : memref<1x8x128xf32, #tpu.memory_space<vmem>> -> memref<8x128xf32, #tpu.memory_space<vmem>>
      tpu.enqueue_dma source(%dma_start3A_541 : memref<8x128xf32, #tpu.memory_space<vmem>>) target(%dma_start3A_537 : memref<8x128xf32, #tpu.memory_space<hbm>>) target_semaphore(%arg10 : memref<!tpu.dma_semaphore, #tpu.memory_space<semaphore_mem>>)
      %dma_start3A_542 = arith.constant 0 : i32
      %dma_start3A_543 = arith.constant 5 : i32
      %dma_start3A_544 = arith.constant 40 : i32
      %dma_start3A_545 = arith.constant 0 : i32
      %dma_start3A_546 = tpu.memref_slice %arg7[%dma_start3A_542, %dma_start3A_544, %dma_start3A_545] : memref<2x64x129xf32, #tpu.memory_space<vmem>> -> memref<1x8x128xf32, #tpu.memory_space<vmem>>
      %dma_start3A_547 = tpu.memref_squeeze %dma_start3A_546 : memref<1x8x128xf32, #tpu.memory_space<vmem>> -> memref<8x128xf32, #tpu.memory_space<vmem>>
      %dma_start3A_548 = arith.constant 0 : i32
      %dma_start3A_549 = arith.constant 0 : i32
      %dma_start3A_550 = tpu.memref_slice %arg4[%select_n3A_435, %dma_start3A_543, %select_n3A_451, %dma_start3A_548, %dma_start3A_549] : memref<50x8x128x8x128xf32, #tpu.memory_space<hbm>> -> memref<1x1x1x8x128xf32, #tpu.memory_space<hbm>>
      %dma_start3A_551 = tpu.memref_squeeze %dma_start3A_550 : memref<1x1x1x8x128xf32, #tpu.memory_space<hbm>> -> memref<8x128xf32, #tpu.memory_space<hbm>>
      %dma_start3A_552 = arith.constant 0 : i32
      %dma_start3A_553 = arith.constant 0 : i32
      %dma_start3A_554 = tpu.memref_slice %arg4[%select_n3A_435, %dma_start3A_543, %select_n3A_451, %dma_start3A_552, %dma_start3A_553] : memref<50x8x128x8x128xf32, #tpu.memory_space<hbm>> -> memref<1x1x1x8x128xf32, #tpu.memory_space<hbm>>
      %dma_start3A_555 = tpu.memref_squeeze %dma_start3A_554 : memref<1x1x1x8x128xf32, #tpu.memory_space<hbm>> -> memref<8x128xf32, #tpu.memory_space<hbm>>
      %dma_start3A_556 = arith.constant 40 : i32
      %dma_start3A_557 = arith.constant 0 : i32
      %dma_start3A_558 = tpu.memref_slice %arg7[%dma_start3A_542, %dma_start3A_556, %dma_start3A_557] : memref<2x64x129xf32, #tpu.memory_space<vmem>> -> memref<1x8x128xf32, #tpu.memory_space<vmem>>
      %dma_start3A_559 = tpu.memref_squeeze %dma_start3A_558 : memref<1x8x128xf32, #tpu.memory_space<vmem>> -> memref<8x128xf32, #tpu.memory_space<vmem>>
      tpu.enqueue_dma source(%dma_start3A_559 : memref<8x128xf32, #tpu.memory_space<vmem>>) target(%dma_start3A_555 : memref<8x128xf32, #tpu.memory_space<hbm>>) target_semaphore(%arg10 : memref<!tpu.dma_semaphore, #tpu.memory_space<semaphore_mem>>)
      %dma_start3A_560 = arith.constant 0 : i32
      %dma_start3A_561 = arith.constant 6 : i32
      %dma_start3A_562 = arith.constant 48 : i32
      %dma_start3A_563 = arith.constant 0 : i32
      %dma_start3A_564 = tpu.memref_slice %arg7[%dma_start3A_560, %dma_start3A_562, %dma_start3A_563] : memref<2x64x129xf32, #tpu.memory_space<vmem>> -> memref<1x8x128xf32, #tpu.memory_space<vmem>>
      %dma_start3A_565 = tpu.memref_squeeze %dma_start3A_564 : memref<1x8x128xf32, #tpu.memory_space<vmem>> -> memref<8x128xf32, #tpu.memory_space<vmem>>
      %dma_start3A_566 = arith.constant 0 : i32
      %dma_start3A_567 = arith.constant 0 : i32
      %dma_start3A_568 = tpu.memref_slice %arg4[%select_n3A_435, %dma_start3A_561, %select_n3A_451, %dma_start3A_566, %dma_start3A_567] : memref<50x8x128x8x128xf32, #tpu.memory_space<hbm>> -> memref<1x1x1x8x128xf32, #tpu.memory_space<hbm>>
      %dma_start3A_569 = tpu.memref_squeeze %dma_start3A_568 : memref<1x1x1x8x128xf32, #tpu.memory_space<hbm>> -> memref<8x128xf32, #tpu.memory_space<hbm>>
      %dma_start3A_570 = arith.constant 0 : i32
      %dma_start3A_571 = arith.constant 0 : i32
      %dma_start3A_572 = tpu.memref_slice %arg4[%select_n3A_435, %dma_start3A_561, %select_n3A_451, %dma_start3A_570, %dma_start3A_571] : memref<50x8x128x8x128xf32, #tpu.memory_space<hbm>> -> memref<1x1x1x8x128xf32, #tpu.memory_space<hbm>>
      %dma_start3A_573 = tpu.memref_squeeze %dma_start3A_572 : memref<1x1x1x8x128xf32, #tpu.memory_space<hbm>> -> memref<8x128xf32, #tpu.memory_space<hbm>>
      %dma_start3A_574 = arith.constant 48 : i32
      %dma_start3A_575 = arith.constant 0 : i32
      %dma_start3A_576 = tpu.memref_slice %arg7[%dma_start3A_560, %dma_start3A_574, %dma_start3A_575] : memref<2x64x129xf32, #tpu.memory_space<vmem>> -> memref<1x8x128xf32, #tpu.memory_space<vmem>>
      %dma_start3A_577 = tpu.memref_squeeze %dma_start3A_576 : memref<1x8x128xf32, #tpu.memory_space<vmem>> -> memref<8x128xf32, #tpu.memory_space<vmem>>
      tpu.enqueue_dma source(%dma_start3A_577 : memref<8x128xf32, #tpu.memory_space<vmem>>) target(%dma_start3A_573 : memref<8x128xf32, #tpu.memory_space<hbm>>) target_semaphore(%arg10 : memref<!tpu.dma_semaphore, #tpu.memory_space<semaphore_mem>>)
      %dma_start3A_578 = arith.constant 0 : i32
      %dma_start3A_579 = arith.constant 7 : i32
      %dma_start3A_580 = arith.constant 56 : i32
      %dma_start3A_581 = arith.constant 0 : i32
      %dma_start3A_582 = tpu.memref_slice %arg7[%dma_start3A_578, %dma_start3A_580, %dma_start3A_581] : memref<2x64x129xf32, #tpu.memory_space<vmem>> -> memref<1x8x128xf32, #tpu.memory_space<vmem>>
      %dma_start3A_583 = tpu.memref_squeeze %dma_start3A_582 : memref<1x8x128xf32, #tpu.memory_space<vmem>> -> memref<8x128xf32, #tpu.memory_space<vmem>>
      %dma_start3A_584 = arith.constant 0 : i32
      %dma_start3A_585 = arith.constant 0 : i32
      %dma_start3A_586 = tpu.memref_slice %arg4[%select_n3A_435, %dma_start3A_579, %select_n3A_451, %dma_start3A_584, %dma_start3A_585] : memref<50x8x128x8x128xf32, #tpu.memory_space<hbm>> -> memref<1x1x1x8x128xf32, #tpu.memory_space<hbm>>
      %dma_start3A_587 = tpu.memref_squeeze %dma_start3A_586 : memref<1x1x1x8x128xf32, #tpu.memory_space<hbm>> -> memref<8x128xf32, #tpu.memory_space<hbm>>
      %dma_start3A_588 = arith.constant 0 : i32
      %dma_start3A_589 = arith.constant 0 : i32
      %dma_start3A_590 = tpu.memref_slice %arg4[%select_n3A_435, %dma_start3A_579, %select_n3A_451, %dma_start3A_588, %dma_start3A_589] : memref<50x8x128x8x128xf32, #tpu.memory_space<hbm>> -> memref<1x1x1x8x128xf32, #tpu.memory_space<hbm>>
      %dma_start3A_591 = tpu.memref_squeeze %dma_start3A_590 : memref<1x1x1x8x128xf32, #tpu.memory_space<hbm>> -> memref<8x128xf32, #tpu.memory_space<hbm>>
      %dma_start3A_592 = arith.constant 56 : i32
      %dma_start3A_593 = arith.constant 0 : i32
      %dma_start3A_594 = tpu.memref_slice %arg7[%dma_start3A_578, %dma_start3A_592, %dma_start3A_593] : memref<2x64x129xf32, #tpu.memory_space<vmem>> -> memref<1x8x128xf32, #tpu.memory_space<vmem>>
      %dma_start3A_595 = tpu.memref_squeeze %dma_start3A_594 : memref<1x8x128xf32, #tpu.memory_space<vmem>> -> memref<8x128xf32, #tpu.memory_space<vmem>>
      tpu.enqueue_dma source(%dma_start3A_595 : memref<8x128xf32, #tpu.memory_space<vmem>>) target(%dma_start3A_591 : memref<8x128xf32, #tpu.memory_space<hbm>>) target_semaphore(%arg10 : memref<!tpu.dma_semaphore, #tpu.memory_space<semaphore_mem>>)
      %add3A_596 = arith.constant 2 : i32
      %add3A_597 = arith.addi %add3A_388, %add3A_596 : i32
      %add3A_598 = arith.constant 200 : i32
      %add3A_599 = arith.addi %mul3A_2, %add3A_598 : i32
      %lt3A_600 = arith.cmpi slt, %add3A_597, %add3A_599 : i32
      %convert_element_type3A_601 = arith.extui %lt3A_600 : i1 to i32
      %cond3A_602 = arith.constant 0 : i32
      %cond3A_603 = arith.cmpi ne, %convert_element_type3A_601, %cond3A_602 : i32
      scf.if %cond3A_603 {
        %jit3A_827 = arith.constant 128 : i32
        %div3A_828 = arith.divsi %add3A_597, %jit3A_827 : i32
        %sign3A_829 = arith.constant 0 : i32
        %sign3A_830 = arith.cmpi sgt, %add3A_597, %sign3A_829 : i32
        %sign3A_831 = arith.extui %sign3A_830 : i1 to i32
        %sign3A_832 = arith.constant 0 : i32
        %sign3A_833 = arith.cmpi slt, %add3A_597, %sign3A_832 : i32
        %sign3A_834 = arith.extui %sign3A_833 : i1 to i32
        %sign3A_835 = arith.subi %sign3A_831, %sign3A_834 : i32
        %sign3A_836 = arith.constant 0 : i32
        %sign3A_837 = arith.cmpi sgt, %jit3A_827, %sign3A_836 : i32
        %sign3A_838 = arith.extui %sign3A_837 : i1 to i32
        %sign3A_839 = arith.constant 0 : i32
        %sign3A_840 = arith.cmpi slt, %jit3A_827, %sign3A_839 : i32
        %sign3A_841 = arith.extui %sign3A_840 : i1 to i32
        %sign3A_842 = arith.subi %sign3A_838, %sign3A_841 : i32
        %ne3A_843 = arith.cmpi ne, %sign3A_835, %sign3A_842 : i32
        %rem3A_844 = arith.remsi %add3A_597, %jit3A_827 : i32
        %ne3A_845 = arith.constant 0 : i32
        %ne3A_846 = arith.cmpi ne, %rem3A_844, %ne3A_845 : i32
        %and3A_847 = arith.andi %ne3A_843, %ne3A_846 : i1
        %sub3A_848 = arith.constant 1 : i32
        %sub3A_849 = arith.subi %div3A_828, %sub3A_848 : i32
        %select_n3A_850 = arith.select %and3A_847, %sub3A_849, %div3A_828 : i32
        %jit3A_851 = arith.constant 128 : i32
        %eq3A_852 = arith.constant 0 : i32
        %eq3A_853 = arith.cmpi eq, %jit3A_851, %eq3A_852 : i32
        %jit3A_854 = arith.constant 1 : i32
        %select_n3A_855 = arith.select %eq3A_853, %jit3A_854, %jit3A_851 : i32
        %rem3A_856 = arith.remsi %add3A_597, %select_n3A_855 : i32
        %ne3A_857 = arith.constant 0 : i32
        %ne3A_858 = arith.cmpi ne, %rem3A_856, %ne3A_857 : i32
        %lt3A_859 = arith.constant 0 : i32
        %lt3A_860 = arith.cmpi slt, %rem3A_856, %lt3A_859 : i32
        %lt3A_861 = arith.constant 0 : i32
        %lt3A_862 = arith.cmpi slt, %select_n3A_855, %lt3A_861 : i32
        %ne3A_863 = arith.xori %lt3A_860, %lt3A_862 : i1
        %and3A_864 = arith.andi %ne3A_863, %ne3A_858 : i1
        %add3A_865 = arith.addi %rem3A_856, %select_n3A_855 : i32
        %select_n3A_866 = arith.select %and3A_864, %add3A_865, %rem3A_856 : i32
        %sub3A_867 = arith.subi %select_n3A_850, %min3A_19 : i32
        %mul3A_868 = arith.constant 128 : i32
        %mul3A_869 = arith.muli %select_n3A_866, %mul3A_868 : i32
        %dma_start3A_870 = arith.constant 0 : i32
        %dma_start3A_871 = arith.constant 0 : i32
        %dma_start3A_872 = arith.constant 0 : i32
        %dma_start3A_873 = tpu.memref_slice %arg6[%dma_start3A_870, %dma_start3A_871, %dma_start3A_872] : memref<2x128x128xf32, #tpu.memory_space<vmem>> -> memref<1x128x128xf32, #tpu.memory_space<vmem>>
        %dma_start3A_874 = tpu.memref_squeeze %dma_start3A_873 : memref<1x128x128xf32, #tpu.memory_space<vmem>> -> memref<128x128xf32, #tpu.memory_space<vmem>>
        %dma_start3A_875 = tpu.memref_slice %arg5[%sub3A_867, %mul3A_869] : memref<3x16384xi32, #tpu.memory_space<vmem>> -> memref<1x128xi32, #tpu.memory_space<vmem>>
        %dma_start3A_876 = tpu.memref_squeeze %dma_start3A_875 : memref<1x128xi32, #tpu.memory_space<vmem>> -> memref<128xi32, #tpu.memory_space<vmem>>
        %dma_start3A_877 = arith.constant 0 : i32
        %dma_start3A_878 = arith.constant 0 : i32
        %dma_start3A_879 = tpu.memref_slice %arg2[%dma_start3A_877, %dma_start3A_878] : memref<1000000x128xf32, #tpu.memory_space<hbm>> -> memref<1000000x128xf32, #tpu.memory_space<hbm>>
        tpu.enqueue_indirect_dma source(%dma_start3A_879 : memref<1000000x128xf32, #tpu.memory_space<hbm>>) target(%dma_start3A_874 : memref<128x128xf32, #tpu.memory_space<vmem>>) offsets(%dma_start3A_876 : memref<128xi32, #tpu.memory_space<vmem>>) semaphore(%arg8 : memref<!tpu.dma_semaphore, #tpu.memory_space<semaphore_mem>>)
      } else {
      }
      %mul3A_604 = arith.constant 2 : i32
      %mul3A_605 = arith.muli %scan3A_383, %mul3A_604 : i32
      %add3A_606 = arith.addi %mul3A_2, %mul3A_605 : i32
      %add3A_607 = arith.constant 1 : i32
      %add3A_608 = arith.addi %add3A_606, %add3A_607 : i32
      %dma_wait3A_609 = arith.constant 1 : i32
      %dma_wait3A_610 = arith.constant 0 : i32
      %dma_wait3A_611 = arith.constant 0 : i32
      %dma_wait3A_612 = tpu.memref_slice %arg6[%dma_wait3A_609, %dma_wait3A_610, %dma_wait3A_611] : memref<2x128x128xf32, #tpu.memory_space<vmem>> -> memref<1x128x128xf32, #tpu.memory_space<vmem>>
      %dma_wait3A_613 = tpu.memref_squeeze %dma_wait3A_612 : memref<1x128x128xf32, #tpu.memory_space<vmem>> -> memref<128x128xf32, #tpu.memory_space<vmem>>
      %dma_wait3A_614 = arith.constant 0 : i32
      %dma_wait3A_615 = arith.constant 0 : i32
      %dma_wait3A_616 = tpu.memref_slice %arg2[%dma_wait3A_614, %dma_wait3A_615] : memref<1000000x128xf32, #tpu.memory_space<hbm>> -> memref<128x128xf32, #tpu.memory_space<hbm>>
      %dma_wait3A_617 = arith.constant 0 : i32
      %dma_wait3A_618 = arith.constant 0 : i32
      %dma_wait3A_619 = tpu.memref_slice %arg6[%dma_wait3A_609, %dma_wait3A_617, %dma_wait3A_618] : memref<2x128x128xf32, #tpu.memory_space<vmem>> -> memref<1x128x128xf32, #tpu.memory_space<vmem>>
      %dma_wait3A_620 = tpu.memref_squeeze %dma_wait3A_619 : memref<1x128x128xf32, #tpu.memory_space<vmem>> -> memref<128x128xf32, #tpu.memory_space<vmem>>
      %dma_wait3A_621 = arith.constant 0 : i32
      %dma_wait3A_622 = arith.constant 0 : i32
      %dma_wait3A_623 = tpu.memref_slice %arg2[%dma_wait3A_621, %dma_wait3A_622] : memref<1000000x128xf32, #tpu.memory_space<hbm>> -> memref<128x128xf32, #tpu.memory_space<hbm>>
      tpu.wait_dma2 semaphore(%arg9 : memref<!tpu.dma_semaphore, #tpu.memory_space<semaphore_mem>>) src(%dma_wait3A_623 : memref<128x128xf32, #tpu.memory_space<hbm>>) dst(%dma_wait3A_620 : memref<128x128xf32, #tpu.memory_space<vmem>>)
      %gt3A_624 = arith.constant 0 : i32
      %gt3A_625 = arith.cmpi sgt, %scan3A_383, %gt3A_624 : i32
      %convert_element_type3A_626 = arith.extui %gt3A_625 : i1 to i32
      %cond3A_627 = arith.constant 0 : i32
      %cond3A_628 = arith.cmpi ne, %convert_element_type3A_626, %cond3A_627 : i32
      scf.if %cond3A_628 {
        %dma_wait3A_827 = arith.constant 1 : i32
        %dma_wait3A_828 = arith.constant 0 : i32
        %dma_wait3A_829 = arith.constant 0 : i32
        %dma_wait3A_830 = tpu.memref_slice %arg7[%dma_wait3A_827, %dma_wait3A_828, %dma_wait3A_829] : memref<2x64x129xf32, #tpu.memory_space<vmem>> -> memref<1x8x128xf32, #tpu.memory_space<vmem>>
        %dma_wait3A_831 = tpu.memref_squeeze %dma_wait3A_830 : memref<1x8x128xf32, #tpu.memory_space<vmem>> -> memref<8x128xf32, #tpu.memory_space<vmem>>
        %dma_wait3A_832 = arith.constant 0 : i32
        %dma_wait3A_833 = arith.constant 0 : i32
        %dma_wait3A_834 = tpu.memref_slice %arg2[%dma_wait3A_832, %dma_wait3A_833] : memref<1000000x128xf32, #tpu.memory_space<hbm>> -> memref<8x128xf32, #tpu.memory_space<hbm>>
        %dma_wait3A_835 = arith.constant 0 : i32
        %dma_wait3A_836 = arith.constant 0 : i32
        %dma_wait3A_837 = tpu.memref_slice %arg7[%dma_wait3A_827, %dma_wait3A_835, %dma_wait3A_836] : memref<2x64x129xf32, #tpu.memory_space<vmem>> -> memref<1x8x128xf32, #tpu.memory_space<vmem>>
        %dma_wait3A_838 = tpu.memref_squeeze %dma_wait3A_837 : memref<1x8x128xf32, #tpu.memory_space<vmem>> -> memref<8x128xf32, #tpu.memory_space<vmem>>
        %dma_wait3A_839 = arith.constant 0 : i32
        %dma_wait3A_840 = arith.constant 0 : i32
        %dma_wait3A_841 = tpu.memref_slice %arg2[%dma_wait3A_839, %dma_wait3A_840] : memref<1000000x128xf32, #tpu.memory_space<hbm>> -> memref<8x128xf32, #tpu.memory_space<hbm>>
        tpu.wait_dma2 semaphore(%arg11 : memref<!tpu.dma_semaphore, #tpu.memory_space<semaphore_mem>>) src(%dma_wait3A_841 : memref<8x128xf32, #tpu.memory_space<hbm>>) dst(%dma_wait3A_838 : memref<8x128xf32, #tpu.memory_space<vmem>>)
        %dma_wait3A_842 = arith.constant 1 : i32
        %dma_wait3A_843 = arith.constant 8 : i32
        %dma_wait3A_844 = arith.constant 0 : i32
        %dma_wait3A_845 = tpu.memref_slice %arg7[%dma_wait3A_842, %dma_wait3A_843, %dma_wait3A_844] : memref<2x64x129xf32, #tpu.memory_space<vmem>> -> memref<1x8x128xf32, #tpu.memory_space<vmem>>
        %dma_wait3A_846 = tpu.memref_squeeze %dma_wait3A_845 : memref<1x8x128xf32, #tpu.memory_space<vmem>> -> memref<8x128xf32, #tpu.memory_space<vmem>>
        %dma_wait3A_847 = arith.constant 0 : i32
        %dma_wait3A_848 = arith.constant 0 : i32
        %dma_wait3A_849 = tpu.memref_slice %arg2[%dma_wait3A_847, %dma_wait3A_848] : memref<1000000x128xf32, #tpu.memory_space<hbm>> -> memref<8x128xf32, #tpu.memory_space<hbm>>
        %dma_wait3A_850 = arith.constant 8 : i32
        %dma_wait3A_851 = arith.constant 0 : i32
        %dma_wait3A_852 = tpu.memref_slice %arg7[%dma_wait3A_842, %dma_wait3A_850, %dma_wait3A_851] : memref<2x64x129xf32, #tpu.memory_space<vmem>> -> memref<1x8x128xf32, #tpu.memory_space<vmem>>
        %dma_wait3A_853 = tpu.memref_squeeze %dma_wait3A_852 : memref<1x8x128xf32, #tpu.memory_space<vmem>> -> memref<8x128xf32, #tpu.memory_space<vmem>>
        %dma_wait3A_854 = arith.constant 0 : i32
        %dma_wait3A_855 = arith.constant 0 : i32
        %dma_wait3A_856 = tpu.memref_slice %arg2[%dma_wait3A_854, %dma_wait3A_855] : memref<1000000x128xf32, #tpu.memory_space<hbm>> -> memref<8x128xf32, #tpu.memory_space<hbm>>
        tpu.wait_dma2 semaphore(%arg11 : memref<!tpu.dma_semaphore, #tpu.memory_space<semaphore_mem>>) src(%dma_wait3A_856 : memref<8x128xf32, #tpu.memory_space<hbm>>) dst(%dma_wait3A_853 : memref<8x128xf32, #tpu.memory_space<vmem>>)
        %dma_wait3A_857 = arith.constant 1 : i32
        %dma_wait3A_858 = arith.constant 16 : i32
        %dma_wait3A_859 = arith.constant 0 : i32
        %dma_wait3A_860 = tpu.memref_slice %arg7[%dma_wait3A_857, %dma_wait3A_858, %dma_wait3A_859] : memref<2x64x129xf32, #tpu.memory_space<vmem>> -> memref<1x8x128xf32, #tpu.memory_space<vmem>>
        %dma_wait3A_861 = tpu.memref_squeeze %dma_wait3A_860 : memref<1x8x128xf32, #tpu.memory_space<vmem>> -> memref<8x128xf32, #tpu.memory_space<vmem>>
        %dma_wait3A_862 = arith.constant 0 : i32
        %dma_wait3A_863 = arith.constant 0 : i32
        %dma_wait3A_864 = tpu.memref_slice %arg2[%dma_wait3A_862, %dma_wait3A_863] : memref<1000000x128xf32, #tpu.memory_space<hbm>> -> memref<8x128xf32, #tpu.memory_space<hbm>>
        %dma_wait3A_865 = arith.constant 16 : i32
        %dma_wait3A_866 = arith.constant 0 : i32
        %dma_wait3A_867 = tpu.memref_slice %arg7[%dma_wait3A_857, %dma_wait3A_865, %dma_wait3A_866] : memref<2x64x129xf32, #tpu.memory_space<vmem>> -> memref<1x8x128xf32, #tpu.memory_space<vmem>>
        %dma_wait3A_868 = tpu.memref_squeeze %dma_wait3A_867 : memref<1x8x128xf32, #tpu.memory_space<vmem>> -> memref<8x128xf32, #tpu.memory_space<vmem>>
        %dma_wait3A_869 = arith.constant 0 : i32
        %dma_wait3A_870 = arith.constant 0 : i32
        %dma_wait3A_871 = tpu.memref_slice %arg2[%dma_wait3A_869, %dma_wait3A_870] : memref<1000000x128xf32, #tpu.memory_space<hbm>> -> memref<8x128xf32, #tpu.memory_space<hbm>>
        tpu.wait_dma2 semaphore(%arg11 : memref<!tpu.dma_semaphore, #tpu.memory_space<semaphore_mem>>) src(%dma_wait3A_871 : memref<8x128xf32, #tpu.memory_space<hbm>>) dst(%dma_wait3A_868 : memref<8x128xf32, #tpu.memory_space<vmem>>)
        %dma_wait3A_872 = arith.constant 1 : i32
        %dma_wait3A_873 = arith.constant 24 : i32
        %dma_wait3A_874 = arith.constant 0 : i32
        %dma_wait3A_875 = tpu.memref_slice %arg7[%dma_wait3A_872, %dma_wait3A_873, %dma_wait3A_874] : memref<2x64x129xf32, #tpu.memory_space<vmem>> -> memref<1x8x128xf32, #tpu.memory_space<vmem>>
        %dma_wait3A_876 = tpu.memref_squeeze %dma_wait3A_875 : memref<1x8x128xf32, #tpu.memory_space<vmem>> -> memref<8x128xf32, #tpu.memory_space<vmem>>
        %dma_wait3A_877 = arith.constant 0 : i32
        %dma_wait3A_878 = arith.constant 0 : i32
        %dma_wait3A_879 = tpu.memref_slice %arg2[%dma_wait3A_877, %dma_wait3A_878] : memref<1000000x128xf32, #tpu.memory_space<hbm>> -> memref<8x128xf32, #tpu.memory_space<hbm>>
        %dma_wait3A_880 = arith.constant 24 : i32
        %dma_wait3A_881 = arith.constant 0 : i32
        %dma_wait3A_882 = tpu.memref_slice %arg7[%dma_wait3A_872, %dma_wait3A_880, %dma_wait3A_881] : memref<2x64x129xf32, #tpu.memory_space<vmem>> -> memref<1x8x128xf32, #tpu.memory_space<vmem>>
        %dma_wait3A_883 = tpu.memref_squeeze %dma_wait3A_882 : memref<1x8x128xf32, #tpu.memory_space<vmem>> -> memref<8x128xf32, #tpu.memory_space<vmem>>
        %dma_wait3A_884 = arith.constant 0 : i32
        %dma_wait3A_885 = arith.constant 0 : i32
        %dma_wait3A_886 = tpu.memref_slice %arg2[%dma_wait3A_884, %dma_wait3A_885] : memref<1000000x128xf32, #tpu.memory_space<hbm>> -> memref<8x128xf32, #tpu.memory_space<hbm>>
        tpu.wait_dma2 semaphore(%arg11 : memref<!tpu.dma_semaphore, #tpu.memory_space<semaphore_mem>>) src(%dma_wait3A_886 : memref<8x128xf32, #tpu.memory_space<hbm>>) dst(%dma_wait3A_883 : memref<8x128xf32, #tpu.memory_space<vmem>>)
        %dma_wait3A_887 = arith.constant 1 : i32
        %dma_wait3A_888 = arith.constant 32 : i32
        %dma_wait3A_889 = arith.constant 0 : i32
        %dma_wait3A_890 = tpu.memref_slice %arg7[%dma_wait3A_887, %dma_wait3A_888, %dma_wait3A_889] : memref<2x64x129xf32, #tpu.memory_space<vmem>> -> memref<1x8x128xf32, #tpu.memory_space<vmem>>
        %dma_wait3A_891 = tpu.memref_squeeze %dma_wait3A_890 : memref<1x8x128xf32, #tpu.memory_space<vmem>> -> memref<8x128xf32, #tpu.memory_space<vmem>>
        %dma_wait3A_892 = arith.constant 0 : i32
        %dma_wait3A_893 = arith.constant 0 : i32
        %dma_wait3A_894 = tpu.memref_slice %arg2[%dma_wait3A_892, %dma_wait3A_893] : memref<1000000x128xf32, #tpu.memory_space<hbm>> -> memref<8x128xf32, #tpu.memory_space<hbm>>
        %dma_wait3A_895 = arith.constant 32 : i32
        %dma_wait3A_896 = arith.constant 0 : i32
        %dma_wait3A_897 = tpu.memref_slice %arg7[%dma_wait3A_887, %dma_wait3A_895, %dma_wait3A_896] : memref<2x64x129xf32, #tpu.memory_space<vmem>> -> memref<1x8x128xf32, #tpu.memory_space<vmem>>
        %dma_wait3A_898 = tpu.memref_squeeze %dma_wait3A_897 : memref<1x8x128xf32, #tpu.memory_space<vmem>> -> memref<8x128xf32, #tpu.memory_space<vmem>>
        %dma_wait3A_899 = arith.constant 0 : i32
        %dma_wait3A_900 = arith.constant 0 : i32
        %dma_wait3A_901 = tpu.memref_slice %arg2[%dma_wait3A_899, %dma_wait3A_900] : memref<1000000x128xf32, #tpu.memory_space<hbm>> -> memref<8x128xf32, #tpu.memory_space<hbm>>
        tpu.wait_dma2 semaphore(%arg11 : memref<!tpu.dma_semaphore, #tpu.memory_space<semaphore_mem>>) src(%dma_wait3A_901 : memref<8x128xf32, #tpu.memory_space<hbm>>) dst(%dma_wait3A_898 : memref<8x128xf32, #tpu.memory_space<vmem>>)
        %dma_wait3A_902 = arith.constant 1 : i32
        %dma_wait3A_903 = arith.constant 40 : i32
        %dma_wait3A_904 = arith.constant 0 : i32
        %dma_wait3A_905 = tpu.memref_slice %arg7[%dma_wait3A_902, %dma_wait3A_903, %dma_wait3A_904] : memref<2x64x129xf32, #tpu.memory_space<vmem>> -> memref<1x8x128xf32, #tpu.memory_space<vmem>>
        %dma_wait3A_906 = tpu.memref_squeeze %dma_wait3A_905 : memref<1x8x128xf32, #tpu.memory_space<vmem>> -> memref<8x128xf32, #tpu.memory_space<vmem>>
        %dma_wait3A_907 = arith.constant 0 : i32
        %dma_wait3A_908 = arith.constant 0 : i32
        %dma_wait3A_909 = tpu.memref_slice %arg2[%dma_wait3A_907, %dma_wait3A_908] : memref<1000000x128xf32, #tpu.memory_space<hbm>> -> memref<8x128xf32, #tpu.memory_space<hbm>>
        %dma_wait3A_910 = arith.constant 40 : i32
        %dma_wait3A_911 = arith.constant 0 : i32
        %dma_wait3A_912 = tpu.memref_slice %arg7[%dma_wait3A_902, %dma_wait3A_910, %dma_wait3A_911] : memref<2x64x129xf32, #tpu.memory_space<vmem>> -> memref<1x8x128xf32, #tpu.memory_space<vmem>>
        %dma_wait3A_913 = tpu.memref_squeeze %dma_wait3A_912 : memref<1x8x128xf32, #tpu.memory_space<vmem>> -> memref<8x128xf32, #tpu.memory_space<vmem>>
        %dma_wait3A_914 = arith.constant 0 : i32
        %dma_wait3A_915 = arith.constant 0 : i32
        %dma_wait3A_916 = tpu.memref_slice %arg2[%dma_wait3A_914, %dma_wait3A_915] : memref<1000000x128xf32, #tpu.memory_space<hbm>> -> memref<8x128xf32, #tpu.memory_space<hbm>>
        tpu.wait_dma2 semaphore(%arg11 : memref<!tpu.dma_semaphore, #tpu.memory_space<semaphore_mem>>) src(%dma_wait3A_916 : memref<8x128xf32, #tpu.memory_space<hbm>>) dst(%dma_wait3A_913 : memref<8x128xf32, #tpu.memory_space<vmem>>)
        %dma_wait3A_917 = arith.constant 1 : i32
        %dma_wait3A_918 = arith.constant 48 : i32
        %dma_wait3A_919 = arith.constant 0 : i32
        %dma_wait3A_920 = tpu.memref_slice %arg7[%dma_wait3A_917, %dma_wait3A_918, %dma_wait3A_919] : memref<2x64x129xf32, #tpu.memory_space<vmem>> -> memref<1x8x128xf32, #tpu.memory_space<vmem>>
        %dma_wait3A_921 = tpu.memref_squeeze %dma_wait3A_920 : memref<1x8x128xf32, #tpu.memory_space<vmem>> -> memref<8x128xf32, #tpu.memory_space<vmem>>
        %dma_wait3A_922 = arith.constant 0 : i32
        %dma_wait3A_923 = arith.constant 0 : i32
        %dma_wait3A_924 = tpu.memref_slice %arg2[%dma_wait3A_922, %dma_wait3A_923] : memref<1000000x128xf32, #tpu.memory_space<hbm>> -> memref<8x128xf32, #tpu.memory_space<hbm>>
        %dma_wait3A_925 = arith.constant 48 : i32
        %dma_wait3A_926 = arith.constant 0 : i32
        %dma_wait3A_927 = tpu.memref_slice %arg7[%dma_wait3A_917, %dma_wait3A_925, %dma_wait3A_926] : memref<2x64x129xf32, #tpu.memory_space<vmem>> -> memref<1x8x128xf32, #tpu.memory_space<vmem>>
        %dma_wait3A_928 = tpu.memref_squeeze %dma_wait3A_927 : memref<1x8x128xf32, #tpu.memory_space<vmem>> -> memref<8x128xf32, #tpu.memory_space<vmem>>
        %dma_wait3A_929 = arith.constant 0 : i32
        %dma_wait3A_930 = arith.constant 0 : i32
        %dma_wait3A_931 = tpu.memref_slice %arg2[%dma_wait3A_929, %dma_wait3A_930] : memref<1000000x128xf32, #tpu.memory_space<hbm>> -> memref<8x128xf32, #tpu.memory_space<hbm>>
        tpu.wait_dma2 semaphore(%arg11 : memref<!tpu.dma_semaphore, #tpu.memory_space<semaphore_mem>>) src(%dma_wait3A_931 : memref<8x128xf32, #tpu.memory_space<hbm>>) dst(%dma_wait3A_928 : memref<8x128xf32, #tpu.memory_space<vmem>>)
        %dma_wait3A_932 = arith.constant 1 : i32
        %dma_wait3A_933 = arith.constant 56 : i32
        %dma_wait3A_934 = arith.constant 0 : i32
        %dma_wait3A_935 = tpu.memref_slice %arg7[%dma_wait3A_932, %dma_wait3A_933, %dma_wait3A_934] : memref<2x64x129xf32, #tpu.memory_space<vmem>> -> memref<1x8x128xf32, #tpu.memory_space<vmem>>
        %dma_wait3A_936 = tpu.memref_squeeze %dma_wait3A_935 : memref<1x8x128xf32, #tpu.memory_space<vmem>> -> memref<8x128xf32, #tpu.memory_space<vmem>>
        %dma_wait3A_937 = arith.constant 0 : i32
        %dma_wait3A_938 = arith.constant 0 : i32
        %dma_wait3A_939 = tpu.memref_slice %arg2[%dma_wait3A_937, %dma_wait3A_938] : memref<1000000x128xf32, #tpu.memory_space<hbm>> -> memref<8x128xf32, #tpu.memory_space<hbm>>
        %dma_wait3A_940 = arith.constant 56 : i32
        %dma_wait3A_941 = arith.constant 0 : i32
        %dma_wait3A_942 = tpu.memref_slice %arg7[%dma_wait3A_932, %dma_wait3A_940, %dma_wait3A_941] : memref<2x64x129xf32, #tpu.memory_space<vmem>> -> memref<1x8x128xf32, #tpu.memory_space<vmem>>
        %dma_wait3A_943 = tpu.memref_squeeze %dma_wait3A_942 : memref<1x8x128xf32, #tpu.memory_space<vmem>> -> memref<8x128xf32, #tpu.memory_space<vmem>>
        %dma_wait3A_944 = arith.constant 0 : i32
        %dma_wait3A_945 = arith.constant 0 : i32
        %dma_wait3A_946 = tpu.memref_slice %arg2[%dma_wait3A_944, %dma_wait3A_945] : memref<1000000x128xf32, #tpu.memory_space<hbm>> -> memref<8x128xf32, #tpu.memory_space<hbm>>
        tpu.wait_dma2 semaphore(%arg11 : memref<!tpu.dma_semaphore, #tpu.memory_space<semaphore_mem>>) src(%dma_wait3A_946 : memref<8x128xf32, #tpu.memory_space<hbm>>) dst(%dma_wait3A_943 : memref<8x128xf32, #tpu.memory_space<vmem>>)
      } else {
      }
      %scan3A_629 = arith.constant 0 : i32
      %scan3A_630 = arith.constant 0 : i32
      %scan3A_631 = arith.constant 32 : i32
      %scan3A_632 = arith.addi %scan3A_630, %scan3A_631 : i32
      %scan3A_633 = arith.constant 1 : i32
      scf.for %scan3A_827 = %scan3A_630 to %scan3A_632 step %scan3A_633  : i32 {
        %mul3A_828 = arith.constant 4 : i32
        %mul3A_829 = arith.muli %scan3A_827, %mul3A_828 : i32
        %add3A_830 = arith.constant 0 : i32
        %add3A_831 = arith.addi %mul3A_829, %add3A_830 : i32
        %broadcast_in_dim3A = arith.constant 0 : i32
        %broadcast_in_dim3A_832 = vector.broadcast %broadcast_in_dim3A : i32 to vector<16xi32>
        %add3A_833 = vector.broadcast %add3A_831 : i32 to vector<16xi32>
        %add3A_834 = arith.addi %broadcast_in_dim3A_832, %add3A_833 : vector<16xi32>
        %get3A = arith.constant 1 : i32
        %get3A_835 = arith.index_cast %get3A : i32 to index
        %get3A_836 = arith.index_cast %add3A_831 : i32 to index
        %get3A_837 = arith.constant 0 : index
        %get3A_838 = tpu.vector_load %arg6[%get3A_835, %get3A_836, %get3A_837] {strides = array<i32>} : memref<2x128x128xf32, #tpu.memory_space<vmem>>, vector<16xf32>,
        %scatter3A = arith.constant 1 : i32
        %scatter3A_839 = arith.constant 0 : i32
        %scatter3A_840 = arith.constant 0 : i32
        %scatter3A_841 = tpu.memref_slice %arg7[%scatter3A, %scatter3A_839, %scatter3A_840] : memref<2x64x129xf32, #tpu.memory_space<vmem>> -> memref<1x64x129xf32, #tpu.memory_space<vmem>>
        %scatter3A_842 = tpu.memref_squeeze %scatter3A_841 : memref<1x64x129xf32, #tpu.memory_space<vmem>> -> memref<64x129xf32, #tpu.memory_space<vmem>>
        tpu.vector_store_idx %scatter3A_842[%add3A_22, %add3A_834], %get3A_838 : memref<64x129xf32, #tpu.memory_space<vmem>>[vector<16xi32>, vector<16xi32>], vector<16xf32>,
        %get3A_843 = arith.constant 1 : i32
        %get3A_844 = arith.index_cast %get3A_843 : i32 to index
        %get3A_845 = arith.index_cast %add3A_831 : i32 to index
        %get3A_846 = arith.constant 16 : index
        %get3A_847 = tpu.vector_load %arg6[%get3A_844, %get3A_845, %get3A_846] {strides = array<i32>} : memref<2x128x128xf32, #tpu.memory_space<vmem>>, vector<16xf32>,
        %scatter3A_848 = arith.constant 1 : i32
        %scatter3A_849 = arith.constant 0 : i32
        %scatter3A_850 = arith.constant 0 : i32
        %scatter3A_851 = tpu.memref_slice %arg7[%scatter3A_848, %scatter3A_849, %scatter3A_850] : memref<2x64x129xf32, #tpu.memory_space<vmem>> -> memref<1x64x129xf32, #tpu.memory_space<vmem>>
        %scatter3A_852 = tpu.memref_squeeze %scatter3A_851 : memref<1x64x129xf32, #tpu.memory_space<vmem>> -> memref<64x129xf32, #tpu.memory_space<vmem>>
        tpu.vector_store_idx %scatter3A_852[%add3A_25, %add3A_834], %get3A_847 : memref<64x129xf32, #tpu.memory_space<vmem>>[vector<16xi32>, vector<16xi32>], vector<16xf32>,
        %get3A_853 = arith.constant 1 : i32
        %get3A_854 = arith.index_cast %get3A_853 : i32 to index
        %get3A_855 = arith.index_cast %add3A_831 : i32 to index
        %get3A_856 = arith.constant 32 : index
        %get3A_857 = tpu.vector_load %arg6[%get3A_854, %get3A_855, %get3A_856] {strides = array<i32>} : memref<2x128x128xf32, #tpu.memory_space<vmem>>, vector<16xf32>,
        %scatter3A_858 = arith.constant 1 : i32
        %scatter3A_859 = arith.constant 0 : i32
        %scatter3A_860 = arith.constant 0 : i32
        %scatter3A_861 = tpu.memref_slice %arg7[%scatter3A_858, %scatter3A_859, %scatter3A_860] : memref<2x64x129xf32, #tpu.memory_space<vmem>> -> memref<1x64x129xf32, #tpu.memory_space<vmem>>
        %scatter3A_862 = tpu.memref_squeeze %scatter3A_861 : memref<1x64x129xf32, #tpu.memory_space<vmem>> -> memref<64x129xf32, #tpu.memory_space<vmem>>
        tpu.vector_store_idx %scatter3A_862[%add3A_28, %add3A_834], %get3A_857 : memref<64x129xf32, #tpu.memory_space<vmem>>[vector<16xi32>, vector<16xi32>], vector<16xf32>,
        %get3A_863 = arith.constant 1 : i32
        %get3A_864 = arith.index_cast %get3A_863 : i32 to index
        %get3A_865 = arith.index_cast %add3A_831 : i32 to index
        %get3A_866 = arith.constant 48 : index
        %get3A_867 = tpu.vector_load %arg6[%get3A_864, %get3A_865, %get3A_866] {strides = array<i32>} : memref<2x128x128xf32, #tpu.memory_space<vmem>>, vector<16xf32>,
        %scatter3A_868 = arith.constant 1 : i32
        %scatter3A_869 = arith.constant 0 : i32
        %scatter3A_870 = arith.constant 0 : i32
        %scatter3A_871 = tpu.memref_slice %arg7[%scatter3A_868, %scatter3A_869, %scatter3A_870] : memref<2x64x129xf32, #tpu.memory_space<vmem>> -> memref<1x64x129xf32, #tpu.memory_space<vmem>>
        %scatter3A_872 = tpu.memref_squeeze %scatter3A_871 : memref<1x64x129xf32, #tpu.memory_space<vmem>> -> memref<64x129xf32, #tpu.memory_space<vmem>>
        tpu.vector_store_idx %scatter3A_872[%add3A_31, %add3A_834], %get3A_867 : memref<64x129xf32, #tpu.memory_space<vmem>>[vector<16xi32>, vector<16xi32>], vector<16xf32>,
        %mul3A_873 = arith.constant 4 : i32
        %mul3A_874 = arith.muli %scan3A_827, %mul3A_873 : i32
        %add3A_875 = arith.constant 1 : i32
        %add3A_876 = arith.addi %mul3A_874, %add3A_875 : i32
        %broadcast_in_dim3A_877 = arith.constant 0 : i32
        %broadcast_in_dim3A_878 = vector.broadcast %broadcast_in_dim3A_877 : i32 to vector<16xi32>
        %add3A_879 = vector.broadcast %add3A_876 : i32 to vector<16xi32>
        %add3A_880 = arith.addi %broadcast_in_dim3A_878, %add3A_879 : vector<16xi32>
        %get3A_881 = arith.constant 1 : i32
        %get3A_882 = arith.index_cast %get3A_881 : i32 to index
        %get3A_883 = arith.index_cast %add3A_876 : i32 to index
        %get3A_884 = arith.constant 0 : index
        %get3A_885 = tpu.vector_load %arg6[%get3A_882, %get3A_883, %get3A_884] {strides = array<i32>} : memref<2x128x128xf32, #tpu.memory_space<vmem>>, vector<16xf32>,
        %scatter3A_886 = arith.constant 1 : i32
        %scatter3A_887 = arith.constant 0 : i32
        %scatter3A_888 = arith.constant 0 : i32
        %scatter3A_889 = tpu.memref_slice %arg7[%scatter3A_886, %scatter3A_887, %scatter3A_888] : memref<2x64x129xf32, #tpu.memory_space<vmem>> -> memref<1x64x129xf32, #tpu.memory_space<vmem>>
        %scatter3A_890 = tpu.memref_squeeze %scatter3A_889 : memref<1x64x129xf32, #tpu.memory_space<vmem>> -> memref<64x129xf32, #tpu.memory_space<vmem>>
        tpu.vector_store_idx %scatter3A_890[%add3A_22, %add3A_880], %get3A_885 : memref<64x129xf32, #tpu.memory_space<vmem>>[vector<16xi32>, vector<16xi32>], vector<16xf32>,
        %get3A_891 = arith.constant 1 : i32
        %get3A_892 = arith.index_cast %get3A_891 : i32 to index
        %get3A_893 = arith.index_cast %add3A_876 : i32 to index
        %get3A_894 = arith.constant 16 : index
        %get3A_895 = tpu.vector_load %arg6[%get3A_892, %get3A_893, %get3A_894] {strides = array<i32>} : memref<2x128x128xf32, #tpu.memory_space<vmem>>, vector<16xf32>,
        %scatter3A_896 = arith.constant 1 : i32
        %scatter3A_897 = arith.constant 0 : i32
        %scatter3A_898 = arith.constant 0 : i32
        %scatter3A_899 = tpu.memref_slice %arg7[%scatter3A_896, %scatter3A_897, %scatter3A_898] : memref<2x64x129xf32, #tpu.memory_space<vmem>> -> memref<1x64x129xf32, #tpu.memory_space<vmem>>
        %scatter3A_900 = tpu.memref_squeeze %scatter3A_899 : memref<1x64x129xf32, #tpu.memory_space<vmem>> -> memref<64x129xf32, #tpu.memory_space<vmem>>
        tpu.vector_store_idx %scatter3A_900[%add3A_25, %add3A_880], %get3A_895 : memref<64x129xf32, #tpu.memory_space<vmem>>[vector<16xi32>, vector<16xi32>], vector<16xf32>,
        %get3A_901 = arith.constant 1 : i32
        %get3A_902 = arith.index_cast %get3A_901 : i32 to index
        %get3A_903 = arith.index_cast %add3A_876 : i32 to index
        %get3A_904 = arith.constant 32 : index
        %get3A_905 = tpu.vector_load %arg6[%get3A_902, %get3A_903, %get3A_904] {strides = array<i32>} : memref<2x128x128xf32, #tpu.memory_space<vmem>>, vector<16xf32>,
        %scatter3A_906 = arith.constant 1 : i32
        %scatter3A_907 = arith.constant 0 : i32
        %scatter3A_908 = arith.constant 0 : i32
        %scatter3A_909 = tpu.memref_slice %arg7[%scatter3A_906, %scatter3A_907, %scatter3A_908] : memref<2x64x129xf32, #tpu.memory_space<vmem>> -> memref<1x64x129xf32, #tpu.memory_space<vmem>>
        %scatter3A_910 = tpu.memref_squeeze %scatter3A_909 : memref<1x64x129xf32, #tpu.memory_space<vmem>> -> memref<64x129xf32, #tpu.memory_space<vmem>>
        tpu.vector_store_idx %scatter3A_910[%add3A_28, %add3A_880], %get3A_905 : memref<64x129xf32, #tpu.memory_space<vmem>>[vector<16xi32>, vector<16xi32>], vector<16xf32>,
        %get3A_911 = arith.constant 1 : i32
        %get3A_912 = arith.index_cast %get3A_911 : i32 to index
        %get3A_913 = arith.index_cast %add3A_876 : i32 to index
        %get3A_914 = arith.constant 48 : index
        %get3A_915 = tpu.vector_load %arg6[%get3A_912, %get3A_913, %get3A_914] {strides = array<i32>} : memref<2x128x128xf32, #tpu.memory_space<vmem>>, vector<16xf32>,
        %scatter3A_916 = arith.constant 1 : i32
        %scatter3A_917 = arith.constant 0 : i32
        %scatter3A_918 = arith.constant 0 : i32
        %scatter3A_919 = tpu.memref_slice %arg7[%scatter3A_916, %scatter3A_917, %scatter3A_918] : memref<2x64x129xf32, #tpu.memory_space<vmem>> -> memref<1x64x129xf32, #tpu.memory_space<vmem>>
        %scatter3A_920 = tpu.memref_squeeze %scatter3A_919 : memref<1x64x129xf32, #tpu.memory_space<vmem>> -> memref<64x129xf32, #tpu.memory_space<vmem>>
        tpu.vector_store_idx %scatter3A_920[%add3A_31, %add3A_880], %get3A_915 : memref<64x129xf32, #tpu.memory_space<vmem>>[vector<16xi32>, vector<16xi32>], vector<16xf32>,
        %mul3A_921 = arith.constant 4 : i32
        %mul3A_922 = arith.muli %scan3A_827, %mul3A_921 : i32
        %add3A_923 = arith.constant 2 : i32
        %add3A_924 = arith.addi %mul3A_922, %add3A_923 : i32
        %broadcast_in_dim3A_925 = arith.constant 0 : i32
        %broadcast_in_dim3A_926 = vector.broadcast %broadcast_in_dim3A_925 : i32 to vector<16xi32>
        %add3A_927 = vector.broadcast %add3A_924 : i32 to vector<16xi32>
        %add3A_928 = arith.addi %broadcast_in_dim3A_926, %add3A_927 : vector<16xi32>
        %get3A_929 = arith.constant 1 : i32
        %get3A_930 = arith.index_cast %get3A_929 : i32 to index
        %get3A_931 = arith.index_cast %add3A_924 : i32 to index
        %get3A_932 = arith.constant 0 : index
        %get3A_933 = tpu.vector_load %arg6[%get3A_930, %get3A_931, %get3A_932] {strides = array<i32>} : memref<2x128x128xf32, #tpu.memory_space<vmem>>, vector<16xf32>,
        %scatter3A_934 = arith.constant 1 : i32
        %scatter3A_935 = arith.constant 0 : i32
        %scatter3A_936 = arith.constant 0 : i32
        %scatter3A_937 = tpu.memref_slice %arg7[%scatter3A_934, %scatter3A_935, %scatter3A_936] : memref<2x64x129xf32, #tpu.memory_space<vmem>> -> memref<1x64x129xf32, #tpu.memory_space<vmem>>
        %scatter3A_938 = tpu.memref_squeeze %scatter3A_937 : memref<1x64x129xf32, #tpu.memory_space<vmem>> -> memref<64x129xf32, #tpu.memory_space<vmem>>
        tpu.vector_store_idx %scatter3A_938[%add3A_22, %add3A_928], %get3A_933 : memref<64x129xf32, #tpu.memory_space<vmem>>[vector<16xi32>, vector<16xi32>], vector<16xf32>,
        %get3A_939 = arith.constant 1 : i32
        %get3A_940 = arith.index_cast %get3A_939 : i32 to index
        %get3A_941 = arith.index_cast %add3A_924 : i32 to index
        %get3A_942 = arith.constant 16 : index
        %get3A_943 = tpu.vector_load %arg6[%get3A_940, %get3A_941, %get3A_942] {strides = array<i32>} : memref<2x128x128xf32, #tpu.memory_space<vmem>>, vector<16xf32>,
        %scatter3A_944 = arith.constant 1 : i32
        %scatter3A_945 = arith.constant 0 : i32
        %scatter3A_946 = arith.constant 0 : i32
        %scatter3A_947 = tpu.memref_slice %arg7[%scatter3A_944, %scatter3A_945, %scatter3A_946] : memref<2x64x129xf32, #tpu.memory_space<vmem>> -> memref<1x64x129xf32, #tpu.memory_space<vmem>>
        %scatter3A_948 = tpu.memref_squeeze %scatter3A_947 : memref<1x64x129xf32, #tpu.memory_space<vmem>> -> memref<64x129xf32, #tpu.memory_space<vmem>>
        tpu.vector_store_idx %scatter3A_948[%add3A_25, %add3A_928], %get3A_943 : memref<64x129xf32, #tpu.memory_space<vmem>>[vector<16xi32>, vector<16xi32>], vector<16xf32>,
        %get3A_949 = arith.constant 1 : i32
        %get3A_950 = arith.index_cast %get3A_949 : i32 to index
        %get3A_951 = arith.index_cast %add3A_924 : i32 to index
        %get3A_952 = arith.constant 32 : index
        %get3A_953 = tpu.vector_load %arg6[%get3A_950, %get3A_951, %get3A_952] {strides = array<i32>} : memref<2x128x128xf32, #tpu.memory_space<vmem>>, vector<16xf32>,
        %scatter3A_954 = arith.constant 1 : i32
        %scatter3A_955 = arith.constant 0 : i32
        %scatter3A_956 = arith.constant 0 : i32
        %scatter3A_957 = tpu.memref_slice %arg7[%scatter3A_954, %scatter3A_955, %scatter3A_956] : memref<2x64x129xf32, #tpu.memory_space<vmem>> -> memref<1x64x129xf32, #tpu.memory_space<vmem>>
        %scatter3A_958 = tpu.memref_squeeze %scatter3A_957 : memref<1x64x129xf32, #tpu.memory_space<vmem>> -> memref<64x129xf32, #tpu.memory_space<vmem>>
        tpu.vector_store_idx %scatter3A_958[%add3A_28, %add3A_928], %get3A_953 : memref<64x129xf32, #tpu.memory_space<vmem>>[vector<16xi32>, vector<16xi32>], vector<16xf32>,
        %get3A_959 = arith.constant 1 : i32
        %get3A_960 = arith.index_cast %get3A_959 : i32 to index
        %get3A_961 = arith.index_cast %add3A_924 : i32 to index
        %get3A_962 = arith.constant 48 : index
        %get3A_963 = tpu.vector_load %arg6[%get3A_960, %get3A_961, %get3A_962] {strides = array<i32>} : memref<2x128x128xf32, #tpu.memory_space<vmem>>, vector<16xf32>,
        %scatter3A_964 = arith.constant 1 : i32
        %scatter3A_965 = arith.constant 0 : i32
        %scatter3A_966 = arith.constant 0 : i32
        %scatter3A_967 = tpu.memref_slice %arg7[%scatter3A_964, %scatter3A_965, %scatter3A_966] : memref<2x64x129xf32, #tpu.memory_space<vmem>> -> memref<1x64x129xf32, #tpu.memory_space<vmem>>
        %scatter3A_968 = tpu.memref_squeeze %scatter3A_967 : memref<1x64x129xf32, #tpu.memory_space<vmem>> -> memref<64x129xf32, #tpu.memory_space<vmem>>
        tpu.vector_store_idx %scatter3A_968[%add3A_31, %add3A_928], %get3A_963 : memref<64x129xf32, #tpu.memory_space<vmem>>[vector<16xi32>, vector<16xi32>], vector<16xf32>,
        %mul3A_969 = arith.constant 4 : i32
        %mul3A_970 = arith.muli %scan3A_827, %mul3A_969 : i32
        %add3A_971 = arith.constant 3 : i32
        %add3A_972 = arith.addi %mul3A_970, %add3A_971 : i32
        %broadcast_in_dim3A_973 = arith.constant 0 : i32
        %broadcast_in_dim3A_974 = vector.broadcast %broadcast_in_dim3A_973 : i32 to vector<16xi32>
        %add3A_975 = vector.broadcast %add3A_972 : i32 to vector<16xi32>
        %add3A_976 = arith.addi %broadcast_in_dim3A_974, %add3A_975 : vector<16xi32>
        %get3A_977 = arith.constant 1 : i32
        %get3A_978 = arith.index_cast %get3A_977 : i32 to index
        %get3A_979 = arith.index_cast %add3A_972 : i32 to index
        %get3A_980 = arith.constant 0 : index
        %get3A_981 = tpu.vector_load %arg6[%get3A_978, %get3A_979, %get3A_980] {strides = array<i32>} : memref<2x128x128xf32, #tpu.memory_space<vmem>>, vector<16xf32>,
        %scatter3A_982 = arith.constant 1 : i32
        %scatter3A_983 = arith.constant 0 : i32
        %scatter3A_984 = arith.constant 0 : i32
        %scatter3A_985 = tpu.memref_slice %arg7[%scatter3A_982, %scatter3A_983, %scatter3A_984] : memref<2x64x129xf32, #tpu.memory_space<vmem>> -> memref<1x64x129xf32, #tpu.memory_space<vmem>>
        %scatter3A_986 = tpu.memref_squeeze %scatter3A_985 : memref<1x64x129xf32, #tpu.memory_space<vmem>> -> memref<64x129xf32, #tpu.memory_space<vmem>>
        tpu.vector_store_idx %scatter3A_986[%add3A_22, %add3A_976], %get3A_981 : memref<64x129xf32, #tpu.memory_space<vmem>>[vector<16xi32>, vector<16xi32>], vector<16xf32>,
        %get3A_987 = arith.constant 1 : i32
        %get3A_988 = arith.index_cast %get3A_987 : i32 to index
        %get3A_989 = arith.index_cast %add3A_972 : i32 to index
        %get3A_990 = arith.constant 16 : index
        %get3A_991 = tpu.vector_load %arg6[%get3A_988, %get3A_989, %get3A_990] {strides = array<i32>} : memref<2x128x128xf32, #tpu.memory_space<vmem>>, vector<16xf32>,
        %scatter3A_992 = arith.constant 1 : i32
        %scatter3A_993 = arith.constant 0 : i32
        %scatter3A_994 = arith.constant 0 : i32
        %scatter3A_995 = tpu.memref_slice %arg7[%scatter3A_992, %scatter3A_993, %scatter3A_994] : memref<2x64x129xf32, #tpu.memory_space<vmem>> -> memref<1x64x129xf32, #tpu.memory_space<vmem>>
        %scatter3A_996 = tpu.memref_squeeze %scatter3A_995 : memref<1x64x129xf32, #tpu.memory_space<vmem>> -> memref<64x129xf32, #tpu.memory_space<vmem>>
        tpu.vector_store_idx %scatter3A_996[%add3A_25, %add3A_976], %get3A_991 : memref<64x129xf32, #tpu.memory_space<vmem>>[vector<16xi32>, vector<16xi32>], vector<16xf32>,
        %get3A_997 = arith.constant 1 : i32
        %get3A_998 = arith.index_cast %get3A_997 : i32 to index
        %get3A_999 = arith.index_cast %add3A_972 : i32 to index
        %get3A_1000 = arith.constant 32 : index
        %get3A_1001 = tpu.vector_load %arg6[%get3A_998, %get3A_999, %get3A_1000] {strides = array<i32>} : memref<2x128x128xf32, #tpu.memory_space<vmem>>, vector<16xf32>,
        %scatter3A_1002 = arith.constant 1 : i32
        %scatter3A_1003 = arith.constant 0 : i32
        %scatter3A_1004 = arith.constant 0 : i32
        %scatter3A_1005 = tpu.memref_slice %arg7[%scatter3A_1002, %scatter3A_1003, %scatter3A_1004] : memref<2x64x129xf32, #tpu.memory_space<vmem>> -> memref<1x64x129xf32, #tpu.memory_space<vmem>>
        %scatter3A_1006 = tpu.memref_squeeze %scatter3A_1005 : memref<1x64x129xf32, #tpu.memory_space<vmem>> -> memref<64x129xf32, #tpu.memory_space<vmem>>
        tpu.vector_store_idx %scatter3A_1006[%add3A_28, %add3A_976], %get3A_1001 : memref<64x129xf32, #tpu.memory_space<vmem>>[vector<16xi32>, vector<16xi32>], vector<16xf32>,
        %get3A_1007 = arith.constant 1 : i32
        %get3A_1008 = arith.index_cast %get3A_1007 : i32 to index
        %get3A_1009 = arith.index_cast %add3A_972 : i32 to index
        %get3A_1010 = arith.constant 48 : index
        %get3A_1011 = tpu.vector_load %arg6[%get3A_1008, %get3A_1009, %get3A_1010] {strides = array<i32>} : memref<2x128x128xf32, #tpu.memory_space<vmem>>, vector<16xf32>,
        %scatter3A_1012 = arith.constant 1 : i32
        %scatter3A_1013 = arith.constant 0 : i32
        %scatter3A_1014 = arith.constant 0 : i32
        %scatter3A_1015 = tpu.memref_slice %arg7[%scatter3A_1012, %scatter3A_1013, %scatter3A_1014] : memref<2x64x129xf32, #tpu.memory_space<vmem>> -> memref<1x64x129xf32, #tpu.memory_space<vmem>>
        %scatter3A_1016 = tpu.memref_squeeze %scatter3A_1015 : memref<1x64x129xf32, #tpu.memory_space<vmem>> -> memref<64x129xf32, #tpu.memory_space<vmem>>
        tpu.vector_store_idx %scatter3A_1016[%add3A_31, %add3A_976], %get3A_1011 : memref<64x129xf32, #tpu.memory_space<vmem>>[vector<16xi32>, vector<16xi32>], vector<16xf32>,
      }
      %scan3A_634 = arith.constant 32 : i32
      %jit3A_635 = arith.constant 128 : i32
      %div3A_636 = arith.divsi %add3A_608, %jit3A_635 : i32
      %sign3A_637 = arith.constant 0 : i32
      %sign3A_638 = arith.cmpi sgt, %add3A_608, %sign3A_637 : i32
      %sign3A_639 = arith.extui %sign3A_638 : i1 to i32
      %sign3A_640 = arith.constant 0 : i32
      %sign3A_641 = arith.cmpi slt, %add3A_608, %sign3A_640 : i32
      %sign3A_642 = arith.extui %sign3A_641 : i1 to i32
      %sign3A_643 = arith.subi %sign3A_639, %sign3A_642 : i32
      %sign3A_644 = arith.constant 0 : i32
      %sign3A_645 = arith.cmpi sgt, %jit3A_635, %sign3A_644 : i32
      %sign3A_646 = arith.extui %sign3A_645 : i1 to i32
      %sign3A_647 = arith.constant 0 : i32
      %sign3A_648 = arith.cmpi slt, %jit3A_635, %sign3A_647 : i32
      %sign3A_649 = arith.extui %sign3A_648 : i1 to i32
      %sign3A_650 = arith.subi %sign3A_646, %sign3A_649 : i32
      %ne3A_651 = arith.cmpi ne, %sign3A_643, %sign3A_650 : i32
      %rem3A_652 = arith.remsi %add3A_608, %jit3A_635 : i32
      %ne3A_653 = arith.constant 0 : i32
      %ne3A_654 = arith.cmpi ne, %rem3A_652, %ne3A_653 : i32
      %and3A_655 = arith.andi %ne3A_651, %ne3A_654 : i1
      %sub3A_656 = arith.constant 1 : i32
      %sub3A_657 = arith.subi %div3A_636, %sub3A_656 : i32
      %select_n3A_658 = arith.select %and3A_655, %sub3A_657, %div3A_636 : i32
      %jit3A_659 = arith.constant 128 : i32
      %eq3A_660 = arith.constant 0 : i32
      %eq3A_661 = arith.cmpi eq, %jit3A_659, %eq3A_660 : i32
      %jit3A_662 = arith.constant 1 : i32
      %select_n3A_663 = arith.select %eq3A_661, %jit3A_662, %jit3A_659 : i32
      %rem3A_664 = arith.remsi %add3A_608, %select_n3A_663 : i32
      %ne3A_665 = arith.constant 0 : i32
      %ne3A_666 = arith.cmpi ne, %rem3A_664, %ne3A_665 : i32
      %lt3A_667 = arith.constant 0 : i32
      %lt3A_668 = arith.cmpi slt, %rem3A_664, %lt3A_667 : i32
      %lt3A_669 = arith.constant 0 : i32
      %lt3A_670 = arith.cmpi slt, %select_n3A_663, %lt3A_669 : i32
      %ne3A_671 = arith.xori %lt3A_668, %lt3A_670 : i1
      %and3A_672 = arith.andi %ne3A_671, %ne3A_666 : i1
      %add3A_673 = arith.addi %rem3A_664, %select_n3A_663 : i32
      %select_n3A_674 = arith.select %and3A_672, %add3A_673, %rem3A_664 : i32
      %dma_start3A_675 = arith.constant 1 : i32
      %dma_start3A_676 = arith.constant 0 : i32
      %dma_start3A_677 = arith.constant 0 : i32
      %dma_start3A_678 = arith.constant 0 : i32
      %dma_start3A_679 = tpu.memref_slice %arg7[%dma_start3A_675, %dma_start3A_677, %dma_start3A_678] : memref<2x64x129xf32, #tpu.memory_space<vmem>> -> memref<1x8x128xf32, #tpu.memory_space<vmem>>
      %dma_start3A_680 = tpu.memref_squeeze %dma_start3A_679 : memref<1x8x128xf32, #tpu.memory_space<vmem>> -> memref<8x128xf32, #tpu.memory_space<vmem>>
      %dma_start3A_681 = arith.constant 0 : i32
      %dma_start3A_682 = arith.constant 0 : i32
      %dma_start3A_683 = tpu.memref_slice %arg4[%select_n3A_658, %dma_start3A_676, %select_n3A_674, %dma_start3A_681, %dma_start3A_682] : memref<50x8x128x8x128xf32, #tpu.memory_space<hbm>> -> memref<1x1x1x8x128xf32, #tpu.memory_space<hbm>>
      %dma_start3A_684 = tpu.memref_squeeze %dma_start3A_683 : memref<1x1x1x8x128xf32, #tpu.memory_space<hbm>> -> memref<8x128xf32, #tpu.memory_space<hbm>>
      %dma_start3A_685 = arith.constant 0 : i32
      %dma_start3A_686 = arith.constant 0 : i32
      %dma_start3A_687 = tpu.memref_slice %arg4[%select_n3A_658, %dma_start3A_676, %select_n3A_674, %dma_start3A_685, %dma_start3A_686] : memref<50x8x128x8x128xf32, #tpu.memory_space<hbm>> -> memref<1x1x1x8x128xf32, #tpu.memory_space<hbm>>
      %dma_start3A_688 = tpu.memref_squeeze %dma_start3A_687 : memref<1x1x1x8x128xf32, #tpu.memory_space<hbm>> -> memref<8x128xf32, #tpu.memory_space<hbm>>
      %dma_start3A_689 = arith.constant 0 : i32
      %dma_start3A_690 = arith.constant 0 : i32
      %dma_start3A_691 = tpu.memref_slice %arg7[%dma_start3A_675, %dma_start3A_689, %dma_start3A_690] : memref<2x64x129xf32, #tpu.memory_space<vmem>> -> memref<1x8x128xf32, #tpu.memory_space<vmem>>
      %dma_start3A_692 = tpu.memref_squeeze %dma_start3A_691 : memref<1x8x128xf32, #tpu.memory_space<vmem>> -> memref<8x128xf32, #tpu.memory_space<vmem>>
      tpu.enqueue_dma source(%dma_start3A_692 : memref<8x128xf32, #tpu.memory_space<vmem>>) target(%dma_start3A_688 : memref<8x128xf32, #tpu.memory_space<hbm>>) target_semaphore(%arg11 : memref<!tpu.dma_semaphore, #tpu.memory_space<semaphore_mem>>)
      %dma_start3A_693 = arith.constant 1 : i32
      %dma_start3A_694 = arith.constant 1 : i32
      %dma_start3A_695 = arith.constant 8 : i32
      %dma_start3A_696 = arith.constant 0 : i32
      %dma_start3A_697 = tpu.memref_slice %arg7[%dma_start3A_693, %dma_start3A_695, %dma_start3A_696] : memref<2x64x129xf32, #tpu.memory_space<vmem>> -> memref<1x8x128xf32, #tpu.memory_space<vmem>>
      %dma_start3A_698 = tpu.memref_squeeze %dma_start3A_697 : memref<1x8x128xf32, #tpu.memory_space<vmem>> -> memref<8x128xf32, #tpu.memory_space<vmem>>
      %dma_start3A_699 = arith.constant 0 : i32
      %dma_start3A_700 = arith.constant 0 : i32
      %dma_start3A_701 = tpu.memref_slice %arg4[%select_n3A_658, %dma_start3A_694, %select_n3A_674, %dma_start3A_699, %dma_start3A_700] : memref<50x8x128x8x128xf32, #tpu.memory_space<hbm>> -> memref<1x1x1x8x128xf32, #tpu.memory_space<hbm>>
      %dma_start3A_702 = tpu.memref_squeeze %dma_start3A_701 : memref<1x1x1x8x128xf32, #tpu.memory_space<hbm>> -> memref<8x128xf32, #tpu.memory_space<hbm>>
      %dma_start3A_703 = arith.constant 0 : i32
      %dma_start3A_704 = arith.constant 0 : i32
      %dma_start3A_705 = tpu.memref_slice %arg4[%select_n3A_658, %dma_start3A_694, %select_n3A_674, %dma_start3A_703, %dma_start3A_704] : memref<50x8x128x8x128xf32, #tpu.memory_space<hbm>> -> memref<1x1x1x8x128xf32, #tpu.memory_space<hbm>>
      %dma_start3A_706 = tpu.memref_squeeze %dma_start3A_705 : memref<1x1x1x8x128xf32, #tpu.memory_space<hbm>> -> memref<8x128xf32, #tpu.memory_space<hbm>>
      %dma_start3A_707 = arith.constant 8 : i32
      %dma_start3A_708 = arith.constant 0 : i32
      %dma_start3A_709 = tpu.memref_slice %arg7[%dma_start3A_693, %dma_start3A_707, %dma_start3A_708] : memref<2x64x129xf32, #tpu.memory_space<vmem>> -> memref<1x8x128xf32, #tpu.memory_space<vmem>>
      %dma_start3A_710 = tpu.memref_squeeze %dma_start3A_709 : memref<1x8x128xf32, #tpu.memory_space<vmem>> -> memref<8x128xf32, #tpu.memory_space<vmem>>
      tpu.enqueue_dma source(%dma_start3A_710 : memref<8x128xf32, #tpu.memory_space<vmem>>) target(%dma_start3A_706 : memref<8x128xf32, #tpu.memory_space<hbm>>) target_semaphore(%arg11 : memref<!tpu.dma_semaphore, #tpu.memory_space<semaphore_mem>>)
      %dma_start3A_711 = arith.constant 1 : i32
      %dma_start3A_712 = arith.constant 2 : i32
      %dma_start3A_713 = arith.constant 16 : i32
      %dma_start3A_714 = arith.constant 0 : i32
      %dma_start3A_715 = tpu.memref_slice %arg7[%dma_start3A_711, %dma_start3A_713, %dma_start3A_714] : memref<2x64x129xf32, #tpu.memory_space<vmem>> -> memref<1x8x128xf32, #tpu.memory_space<vmem>>
      %dma_start3A_716 = tpu.memref_squeeze %dma_start3A_715 : memref<1x8x128xf32, #tpu.memory_space<vmem>> -> memref<8x128xf32, #tpu.memory_space<vmem>>
      %dma_start3A_717 = arith.constant 0 : i32
      %dma_start3A_718 = arith.constant 0 : i32
      %dma_start3A_719 = tpu.memref_slice %arg4[%select_n3A_658, %dma_start3A_712, %select_n3A_674, %dma_start3A_717, %dma_start3A_718] : memref<50x8x128x8x128xf32, #tpu.memory_space<hbm>> -> memref<1x1x1x8x128xf32, #tpu.memory_space<hbm>>
      %dma_start3A_720 = tpu.memref_squeeze %dma_start3A_719 : memref<1x1x1x8x128xf32, #tpu.memory_space<hbm>> -> memref<8x128xf32, #tpu.memory_space<hbm>>
      %dma_start3A_721 = arith.constant 0 : i32
      %dma_start3A_722 = arith.constant 0 : i32
      %dma_start3A_723 = tpu.memref_slice %arg4[%select_n3A_658, %dma_start3A_712, %select_n3A_674, %dma_start3A_721, %dma_start3A_722] : memref<50x8x128x8x128xf32, #tpu.memory_space<hbm>> -> memref<1x1x1x8x128xf32, #tpu.memory_space<hbm>>
      %dma_start3A_724 = tpu.memref_squeeze %dma_start3A_723 : memref<1x1x1x8x128xf32, #tpu.memory_space<hbm>> -> memref<8x128xf32, #tpu.memory_space<hbm>>
      %dma_start3A_725 = arith.constant 16 : i32
      %dma_start3A_726 = arith.constant 0 : i32
      %dma_start3A_727 = tpu.memref_slice %arg7[%dma_start3A_711, %dma_start3A_725, %dma_start3A_726] : memref<2x64x129xf32, #tpu.memory_space<vmem>> -> memref<1x8x128xf32, #tpu.memory_space<vmem>>
      %dma_start3A_728 = tpu.memref_squeeze %dma_start3A_727 : memref<1x8x128xf32, #tpu.memory_space<vmem>> -> memref<8x128xf32, #tpu.memory_space<vmem>>
      tpu.enqueue_dma source(%dma_start3A_728 : memref<8x128xf32, #tpu.memory_space<vmem>>) target(%dma_start3A_724 : memref<8x128xf32, #tpu.memory_space<hbm>>) target_semaphore(%arg11 : memref<!tpu.dma_semaphore, #tpu.memory_space<semaphore_mem>>)
      %dma_start3A_729 = arith.constant 1 : i32
      %dma_start3A_730 = arith.constant 3 : i32
      %dma_start3A_731 = arith.constant 24 : i32
      %dma_start3A_732 = arith.constant 0 : i32
      %dma_start3A_733 = tpu.memref_slice %arg7[%dma_start3A_729, %dma_start3A_731, %dma_start3A_732] : memref<2x64x129xf32, #tpu.memory_space<vmem>> -> memref<1x8x128xf32, #tpu.memory_space<vmem>>
      %dma_start3A_734 = tpu.memref_squeeze %dma_start3A_733 : memref<1x8x128xf32, #tpu.memory_space<vmem>> -> memref<8x128xf32, #tpu.memory_space<vmem>>
      %dma_start3A_735 = arith.constant 0 : i32
      %dma_start3A_736 = arith.constant 0 : i32
      %dma_start3A_737 = tpu.memref_slice %arg4[%select_n3A_658, %dma_start3A_730, %select_n3A_674, %dma_start3A_735, %dma_start3A_736] : memref<50x8x128x8x128xf32, #tpu.memory_space<hbm>> -> memref<1x1x1x8x128xf32, #tpu.memory_space<hbm>>
      %dma_start3A_738 = tpu.memref_squeeze %dma_start3A_737 : memref<1x1x1x8x128xf32, #tpu.memory_space<hbm>> -> memref<8x128xf32, #tpu.memory_space<hbm>>
      %dma_start3A_739 = arith.constant 0 : i32
      %dma_start3A_740 = arith.constant 0 : i32
      %dma_start3A_741 = tpu.memref_slice %arg4[%select_n3A_658, %dma_start3A_730, %select_n3A_674, %dma_start3A_739, %dma_start3A_740] : memref<50x8x128x8x128xf32, #tpu.memory_space<hbm>> -> memref<1x1x1x8x128xf32, #tpu.memory_space<hbm>>
      %dma_start3A_742 = tpu.memref_squeeze %dma_start3A_741 : memref<1x1x1x8x128xf32, #tpu.memory_space<hbm>> -> memref<8x128xf32, #tpu.memory_space<hbm>>
      %dma_start3A_743 = arith.constant 24 : i32
      %dma_start3A_744 = arith.constant 0 : i32
      %dma_start3A_745 = tpu.memref_slice %arg7[%dma_start3A_729, %dma_start3A_743, %dma_start3A_744] : memref<2x64x129xf32, #tpu.memory_space<vmem>> -> memref<1x8x128xf32, #tpu.memory_space<vmem>>
      %dma_start3A_746 = tpu.memref_squeeze %dma_start3A_745 : memref<1x8x128xf32, #tpu.memory_space<vmem>> -> memref<8x128xf32, #tpu.memory_space<vmem>>
      tpu.enqueue_dma source(%dma_start3A_746 : memref<8x128xf32, #tpu.memory_space<vmem>>) target(%dma_start3A_742 : memref<8x128xf32, #tpu.memory_space<hbm>>) target_semaphore(%arg11 : memref<!tpu.dma_semaphore, #tpu.memory_space<semaphore_mem>>)
      %dma_start3A_747 = arith.constant 1 : i32
      %dma_start3A_748 = arith.constant 4 : i32
      %dma_start3A_749 = arith.constant 32 : i32
      %dma_start3A_750 = arith.constant 0 : i32
      %dma_start3A_751 = tpu.memref_slice %arg7[%dma_start3A_747, %dma_start3A_749, %dma_start3A_750] : memref<2x64x129xf32, #tpu.memory_space<vmem>> -> memref<1x8x128xf32, #tpu.memory_space<vmem>>
      %dma_start3A_752 = tpu.memref_squeeze %dma_start3A_751 : memref<1x8x128xf32, #tpu.memory_space<vmem>> -> memref<8x128xf32, #tpu.memory_space<vmem>>
      %dma_start3A_753 = arith.constant 0 : i32
      %dma_start3A_754 = arith.constant 0 : i32
      %dma_start3A_755 = tpu.memref_slice %arg4[%select_n3A_658, %dma_start3A_748, %select_n3A_674, %dma_start3A_753, %dma_start3A_754] : memref<50x8x128x8x128xf32, #tpu.memory_space<hbm>> -> memref<1x1x1x8x128xf32, #tpu.memory_space<hbm>>
      %dma_start3A_756 = tpu.memref_squeeze %dma_start3A_755 : memref<1x1x1x8x128xf32, #tpu.memory_space<hbm>> -> memref<8x128xf32, #tpu.memory_space<hbm>>
      %dma_start3A_757 = arith.constant 0 : i32
      %dma_start3A_758 = arith.constant 0 : i32
      %dma_start3A_759 = tpu.memref_slice %arg4[%select_n3A_658, %dma_start3A_748, %select_n3A_674, %dma_start3A_757, %dma_start3A_758] : memref<50x8x128x8x128xf32, #tpu.memory_space<hbm>> -> memref<1x1x1x8x128xf32, #tpu.memory_space<hbm>>
      %dma_start3A_760 = tpu.memref_squeeze %dma_start3A_759 : memref<1x1x1x8x128xf32, #tpu.memory_space<hbm>> -> memref<8x128xf32, #tpu.memory_space<hbm>>
      %dma_start3A_761 = arith.constant 32 : i32
      %dma_start3A_762 = arith.constant 0 : i32
      %dma_start3A_763 = tpu.memref_slice %arg7[%dma_start3A_747, %dma_start3A_761, %dma_start3A_762] : memref<2x64x129xf32, #tpu.memory_space<vmem>> -> memref<1x8x128xf32, #tpu.memory_space<vmem>>
      %dma_start3A_764 = tpu.memref_squeeze %dma_start3A_763 : memref<1x8x128xf32, #tpu.memory_space<vmem>> -> memref<8x128xf32, #tpu.memory_space<vmem>>
      tpu.enqueue_dma source(%dma_start3A_764 : memref<8x128xf32, #tpu.memory_space<vmem>>) target(%dma_start3A_760 : memref<8x128xf32, #tpu.memory_space<hbm>>) target_semaphore(%arg11 : memref<!tpu.dma_semaphore, #tpu.memory_space<semaphore_mem>>)
      %dma_start3A_765 = arith.constant 1 : i32
      %dma_start3A_766 = arith.constant 5 : i32
      %dma_start3A_767 = arith.constant 40 : i32
      %dma_start3A_768 = arith.constant 0 : i32
      %dma_start3A_769 = tpu.memref_slice %arg7[%dma_start3A_765, %dma_start3A_767, %dma_start3A_768] : memref<2x64x129xf32, #tpu.memory_space<vmem>> -> memref<1x8x128xf32, #tpu.memory_space<vmem>>
      %dma_start3A_770 = tpu.memref_squeeze %dma_start3A_769 : memref<1x8x128xf32, #tpu.memory_space<vmem>> -> memref<8x128xf32, #tpu.memory_space<vmem>>
      %dma_start3A_771 = arith.constant 0 : i32
      %dma_start3A_772 = arith.constant 0 : i32
      %dma_start3A_773 = tpu.memref_slice %arg4[%select_n3A_658, %dma_start3A_766, %select_n3A_674, %dma_start3A_771, %dma_start3A_772] : memref<50x8x128x8x128xf32, #tpu.memory_space<hbm>> -> memref<1x1x1x8x128xf32, #tpu.memory_space<hbm>>
      %dma_start3A_774 = tpu.memref_squeeze %dma_start3A_773 : memref<1x1x1x8x128xf32, #tpu.memory_space<hbm>> -> memref<8x128xf32, #tpu.memory_space<hbm>>
      %dma_start3A_775 = arith.constant 0 : i32
      %dma_start3A_776 = arith.constant 0 : i32
      %dma_start3A_777 = tpu.memref_slice %arg4[%select_n3A_658, %dma_start3A_766, %select_n3A_674, %dma_start3A_775, %dma_start3A_776] : memref<50x8x128x8x128xf32, #tpu.memory_space<hbm>> -> memref<1x1x1x8x128xf32, #tpu.memory_space<hbm>>
      %dma_start3A_778 = tpu.memref_squeeze %dma_start3A_777 : memref<1x1x1x8x128xf32, #tpu.memory_space<hbm>> -> memref<8x128xf32, #tpu.memory_space<hbm>>
      %dma_start3A_779 = arith.constant 40 : i32
      %dma_start3A_780 = arith.constant 0 : i32
      %dma_start3A_781 = tpu.memref_slice %arg7[%dma_start3A_765, %dma_start3A_779, %dma_start3A_780] : memref<2x64x129xf32, #tpu.memory_space<vmem>> -> memref<1x8x128xf32, #tpu.memory_space<vmem>>
      %dma_start3A_782 = tpu.memref_squeeze %dma_start3A_781 : memref<1x8x128xf32, #tpu.memory_space<vmem>> -> memref<8x128xf32, #tpu.memory_space<vmem>>
      tpu.enqueue_dma source(%dma_start3A_782 : memref<8x128xf32, #tpu.memory_space<vmem>>) target(%dma_start3A_778 : memref<8x128xf32, #tpu.memory_space<hbm>>) target_semaphore(%arg11 : memref<!tpu.dma_semaphore, #tpu.memory_space<semaphore_mem>>)
      %dma_start3A_783 = arith.constant 1 : i32
      %dma_start3A_784 = arith.constant 6 : i32
      %dma_start3A_785 = arith.constant 48 : i32
      %dma_start3A_786 = arith.constant 0 : i32
      %dma_start3A_787 = tpu.memref_slice %arg7[%dma_start3A_783, %dma_start3A_785, %dma_start3A_786] : memref<2x64x129xf32, #tpu.memory_space<vmem>> -> memref<1x8x128xf32, #tpu.memory_space<vmem>>
      %dma_start3A_788 = tpu.memref_squeeze %dma_start3A_787 : memref<1x8x128xf32, #tpu.memory_space<vmem>> -> memref<8x128xf32, #tpu.memory_space<vmem>>
      %dma_start3A_789 = arith.constant 0 : i32
      %dma_start3A_790 = arith.constant 0 : i32
      %dma_start3A_791 = tpu.memref_slice %arg4[%select_n3A_658, %dma_start3A_784, %select_n3A_674, %dma_start3A_789, %dma_start3A_790] : memref<50x8x128x8x128xf32, #tpu.memory_space<hbm>> -> memref<1x1x1x8x128xf32, #tpu.memory_space<hbm>>
      %dma_start3A_792 = tpu.memref_squeeze %dma_start3A_791 : memref<1x1x1x8x128xf32, #tpu.memory_space<hbm>> -> memref<8x128xf32, #tpu.memory_space<hbm>>
      %dma_start3A_793 = arith.constant 0 : i32
      %dma_start3A_794 = arith.constant 0 : i32
      %dma_start3A_795 = tpu.memref_slice %arg4[%select_n3A_658, %dma_start3A_784, %select_n3A_674, %dma_start3A_793, %dma_start3A_794] : memref<50x8x128x8x128xf32, #tpu.memory_space<hbm>> -> memref<1x1x1x8x128xf32, #tpu.memory_space<hbm>>
      %dma_start3A_796 = tpu.memref_squeeze %dma_start3A_795 : memref<1x1x1x8x128xf32, #tpu.memory_space<hbm>> -> memref<8x128xf32, #tpu.memory_space<hbm>>
      %dma_start3A_797 = arith.constant 48 : i32
      %dma_start3A_798 = arith.constant 0 : i32
      %dma_start3A_799 = tpu.memref_slice %arg7[%dma_start3A_783, %dma_start3A_797, %dma_start3A_798] : memref<2x64x129xf32, #tpu.memory_space<vmem>> -> memref<1x8x128xf32, #tpu.memory_space<vmem>>
      %dma_start3A_800 = tpu.memref_squeeze %dma_start3A_799 : memref<1x8x128xf32, #tpu.memory_space<vmem>> -> memref<8x128xf32, #tpu.memory_space<vmem>>
      tpu.enqueue_dma source(%dma_start3A_800 : memref<8x128xf32, #tpu.memory_space<vmem>>) target(%dma_start3A_796 : memref<8x128xf32, #tpu.memory_space<hbm>>) target_semaphore(%arg11 : memref<!tpu.dma_semaphore, #tpu.memory_space<semaphore_mem>>)
      %dma_start3A_801 = arith.constant 1 : i32
      %dma_start3A_802 = arith.constant 7 : i32
      %dma_start3A_803 = arith.constant 56 : i32
      %dma_start3A_804 = arith.constant 0 : i32
      %dma_start3A_805 = tpu.memref_slice %arg7[%dma_start3A_801, %dma_start3A_803, %dma_start3A_804] : memref<2x64x129xf32, #tpu.memory_space<vmem>> -> memref<1x8x128xf32, #tpu.memory_space<vmem>>
      %dma_start3A_806 = tpu.memref_squeeze %dma_start3A_805 : memref<1x8x128xf32, #tpu.memory_space<vmem>> -> memref<8x128xf32, #tpu.memory_space<vmem>>
      %dma_start3A_807 = arith.constant 0 : i32
      %dma_start3A_808 = arith.constant 0 : i32
      %dma_start3A_809 = tpu.memref_slice %arg4[%select_n3A_658, %dma_start3A_802, %select_n3A_674, %dma_start3A_807, %dma_start3A_808] : memref<50x8x128x8x128xf32, #tpu.memory_space<hbm>> -> memref<1x1x1x8x128xf32, #tpu.memory_space<hbm>>
      %dma_start3A_810 = tpu.memref_squeeze %dma_start3A_809 : memref<1x1x1x8x128xf32, #tpu.memory_space<hbm>> -> memref<8x128xf32, #tpu.memory_space<hbm>>
      %dma_start3A_811 = arith.constant 0 : i32
      %dma_start3A_812 = arith.constant 0 : i32
      %dma_start3A_813 = tpu.memref_slice %arg4[%select_n3A_658, %dma_start3A_802, %select_n3A_674, %dma_start3A_811, %dma_start3A_812] : memref<50x8x128x8x128xf32, #tpu.memory_space<hbm>> -> memref<1x1x1x8x128xf32, #tpu.memory_space<hbm>>
      %dma_start3A_814 = tpu.memref_squeeze %dma_start3A_813 : memref<1x1x1x8x128xf32, #tpu.memory_space<hbm>> -> memref<8x128xf32, #tpu.memory_space<hbm>>
      %dma_start3A_815 = arith.constant 56 : i32
      %dma_start3A_816 = arith.constant 0 : i32
      %dma_start3A_817 = tpu.memref_slice %arg7[%dma_start3A_801, %dma_start3A_815, %dma_start3A_816] : memref<2x64x129xf32, #tpu.memory_space<vmem>> -> memref<1x8x128xf32, #tpu.memory_space<vmem>>
      %dma_start3A_818 = tpu.memref_squeeze %dma_start3A_817 : memref<1x8x128xf32, #tpu.memory_space<vmem>> -> memref<8x128xf32, #tpu.memory_space<vmem>>
      tpu.enqueue_dma source(%dma_start3A_818 : memref<8x128xf32, #tpu.memory_space<vmem>>) target(%dma_start3A_814 : memref<8x128xf32, #tpu.memory_space<hbm>>) target_semaphore(%arg11 : memref<!tpu.dma_semaphore, #tpu.memory_space<semaphore_mem>>)
      %add3A_819 = arith.constant 2 : i32
      %add3A_820 = arith.addi %add3A_608, %add3A_819 : i32
      %add3A_821 = arith.constant 200 : i32
      %add3A_822 = arith.addi %mul3A_2, %add3A_821 : i32
      %lt3A_823 = arith.cmpi slt, %add3A_820, %add3A_822 : i32
      %convert_element_type3A_824 = arith.extui %lt3A_823 : i1 to i32
      %cond3A_825 = arith.constant 0 : i32
      %cond3A_826 = arith.cmpi ne, %convert_element_type3A_824, %cond3A_825 : i32
      scf.if %cond3A_826 {
        %jit3A_827 = arith.constant 128 : i32
        %div3A_828 = arith.divsi %add3A_820, %jit3A_827 : i32
        %sign3A_829 = arith.constant 0 : i32
        %sign3A_830 = arith.cmpi sgt, %add3A_820, %sign3A_829 : i32
        %sign3A_831 = arith.extui %sign3A_830 : i1 to i32
        %sign3A_832 = arith.constant 0 : i32
        %sign3A_833 = arith.cmpi slt, %add3A_820, %sign3A_832 : i32
        %sign3A_834 = arith.extui %sign3A_833 : i1 to i32
        %sign3A_835 = arith.subi %sign3A_831, %sign3A_834 : i32
        %sign3A_836 = arith.constant 0 : i32
        %sign3A_837 = arith.cmpi sgt, %jit3A_827, %sign3A_836 : i32
        %sign3A_838 = arith.extui %sign3A_837 : i1 to i32
        %sign3A_839 = arith.constant 0 : i32
        %sign3A_840 = arith.cmpi slt, %jit3A_827, %sign3A_839 : i32
        %sign3A_841 = arith.extui %sign3A_840 : i1 to i32
        %sign3A_842 = arith.subi %sign3A_838, %sign3A_841 : i32
        %ne3A_843 = arith.cmpi ne, %sign3A_835, %sign3A_842 : i32
        %rem3A_844 = arith.remsi %add3A_820, %jit3A_827 : i32
        %ne3A_845 = arith.constant 0 : i32
        %ne3A_846 = arith.cmpi ne, %rem3A_844, %ne3A_845 : i32
        %and3A_847 = arith.andi %ne3A_843, %ne3A_846 : i1
        %sub3A_848 = arith.constant 1 : i32
        %sub3A_849 = arith.subi %div3A_828, %sub3A_848 : i32
        %select_n3A_850 = arith.select %and3A_847, %sub3A_849, %div3A_828 : i32
        %jit3A_851 = arith.constant 128 : i32
        %eq3A_852 = arith.constant 0 : i32
        %eq3A_853 = arith.cmpi eq, %jit3A_851, %eq3A_852 : i32
        %jit3A_854 = arith.constant 1 : i32
        %select_n3A_855 = arith.select %eq3A_853, %jit3A_854, %jit3A_851 : i32
        %rem3A_856 = arith.remsi %add3A_820, %select_n3A_855 : i32
        %ne3A_857 = arith.constant 0 : i32
        %ne3A_858 = arith.cmpi ne, %rem3A_856, %ne3A_857 : i32
        %lt3A_859 = arith.constant 0 : i32
        %lt3A_860 = arith.cmpi slt, %rem3A_856, %lt3A_859 : i32
        %lt3A_861 = arith.constant 0 : i32
        %lt3A_862 = arith.cmpi slt, %select_n3A_855, %lt3A_861 : i32
        %ne3A_863 = arith.xori %lt3A_860, %lt3A_862 : i1
        %and3A_864 = arith.andi %ne3A_863, %ne3A_858 : i1
        %add3A_865 = arith.addi %rem3A_856, %select_n3A_855 : i32
        %select_n3A_866 = arith.select %and3A_864, %add3A_865, %rem3A_856 : i32
        %sub3A_867 = arith.subi %select_n3A_850, %min3A_19 : i32
        %mul3A_868 = arith.constant 128 : i32
        %mul3A_869 = arith.muli %select_n3A_866, %mul3A_868 : i32
        %dma_start3A_870 = arith.constant 1 : i32
        %dma_start3A_871 = arith.constant 0 : i32
        %dma_start3A_872 = arith.constant 0 : i32
        %dma_start3A_873 = tpu.memref_slice %arg6[%dma_start3A_870, %dma_start3A_871, %dma_start3A_872] : memref<2x128x128xf32, #tpu.memory_space<vmem>> -> memref<1x128x128xf32, #tpu.memory_space<vmem>>
        %dma_start3A_874 = tpu.memref_squeeze %dma_start3A_873 : memref<1x128x128xf32, #tpu.memory_space<vmem>> -> memref<128x128xf32, #tpu.memory_space<vmem>>
        %dma_start3A_875 = tpu.memref_slice %arg5[%sub3A_867, %mul3A_869] : memref<3x16384xi32, #tpu.memory_space<vmem>> -> memref<1x128xi32, #tpu.memory_space<vmem>>
        %dma_start3A_876 = tpu.memref_squeeze %dma_start3A_875 : memref<1x128xi32, #tpu.memory_space<vmem>> -> memref<128xi32, #tpu.memory_space<vmem>>
        %dma_start3A_877 = arith.constant 0 : i32
        %dma_start3A_878 = arith.constant 0 : i32
        %dma_start3A_879 = tpu.memref_slice %arg2[%dma_start3A_877, %dma_start3A_878] : memref<1000000x128xf32, #tpu.memory_space<hbm>> -> memref<1000000x128xf32, #tpu.memory_space<hbm>>
        tpu.enqueue_indirect_dma source(%dma_start3A_879 : memref<1000000x128xf32, #tpu.memory_space<hbm>>) target(%dma_start3A_874 : memref<128x128xf32, #tpu.memory_space<vmem>>) offsets(%dma_start3A_876 : memref<128xi32, #tpu.memory_space<vmem>>) semaphore(%arg9 : memref<!tpu.dma_semaphore, #tpu.memory_space<semaphore_mem>>)
      } else {
      }
    }
    %scan3A_143 = arith.constant 100 : i32
    %dma_wait3A = arith.constant 0 : i32
    %dma_wait3A_144 = arith.constant 0 : i32
    %dma_wait3A_145 = arith.constant 0 : i32
    %dma_wait3A_146 = tpu.memref_slice %arg7[%dma_wait3A, %dma_wait3A_144, %dma_wait3A_145] : memref<2x64x129xf32, #tpu.memory_space<vmem>> -> memref<1x8x128xf32, #tpu.memory_space<vmem>>
    %dma_wait3A_147 = tpu.memref_squeeze %dma_wait3A_146 : memref<1x8x128xf32, #tpu.memory_space<vmem>> -> memref<8x128xf32, #tpu.memory_space<vmem>>
    %dma_wait3A_148 = arith.constant 0 : i32
    %dma_wait3A_149 = arith.constant 0 : i32
    %dma_wait3A_150 = tpu.memref_slice %arg2[%dma_wait3A_148, %dma_wait3A_149] : memref<1000000x128xf32, #tpu.memory_space<hbm>> -> memref<8x128xf32, #tpu.memory_space<hbm>>
    %dma_wait3A_151 = arith.constant 0 : i32
    %dma_wait3A_152 = arith.constant 0 : i32
    %dma_wait3A_153 = tpu.memref_slice %arg7[%dma_wait3A, %dma_wait3A_151, %dma_wait3A_152] : memref<2x64x129xf32, #tpu.memory_space<vmem>> -> memref<1x8x128xf32, #tpu.memory_space<vmem>>
    %dma_wait3A_154 = tpu.memref_squeeze %dma_wait3A_153 : memref<1x8x128xf32, #tpu.memory_space<vmem>> -> memref<8x128xf32, #tpu.memory_space<vmem>>
    %dma_wait3A_155 = arith.constant 0 : i32
    %dma_wait3A_156 = arith.constant 0 : i32
    %dma_wait3A_157 = tpu.memref_slice %arg2[%dma_wait3A_155, %dma_wait3A_156] : memref<1000000x128xf32, #tpu.memory_space<hbm>> -> memref<8x128xf32, #tpu.memory_space<hbm>>
    tpu.wait_dma2 semaphore(%arg10 : memref<!tpu.dma_semaphore, #tpu.memory_space<semaphore_mem>>) src(%dma_wait3A_157 : memref<8x128xf32, #tpu.memory_space<hbm>>) dst(%dma_wait3A_154 : memref<8x128xf32, #tpu.memory_space<vmem>>)
    %dma_wait3A_158 = arith.constant 0 : i32
    %dma_wait3A_159 = arith.constant 8 : i32
    %dma_wait3A_160 = arith.constant 0 : i32
    %dma_wait3A_161 = tpu.memref_slice %arg7[%dma_wait3A_158, %dma_wait3A_159, %dma_wait3A_160] : memref<2x64x129xf32, #tpu.memory_space<vmem>> -> memref<1x8x128xf32, #tpu.memory_space<vmem>>
    %dma_wait3A_162 = tpu.memref_squeeze %dma_wait3A_161 : memref<1x8x128xf32, #tpu.memory_space<vmem>> -> memref<8x128xf32, #tpu.memory_space<vmem>>
    %dma_wait3A_163 = arith.constant 0 : i32
    %dma_wait3A_164 = arith.constant 0 : i32
    %dma_wait3A_165 = tpu.memref_slice %arg2[%dma_wait3A_163, %dma_wait3A_164] : memref<1000000x128xf32, #tpu.memory_space<hbm>> -> memref<8x128xf32, #tpu.memory_space<hbm>>
    %dma_wait3A_166 = arith.constant 8 : i32
    %dma_wait3A_167 = arith.constant 0 : i32
    %dma_wait3A_168 = tpu.memref_slice %arg7[%dma_wait3A_158, %dma_wait3A_166, %dma_wait3A_167] : memref<2x64x129xf32, #tpu.memory_space<vmem>> -> memref<1x8x128xf32, #tpu.memory_space<vmem>>
    %dma_wait3A_169 = tpu.memref_squeeze %dma_wait3A_168 : memref<1x8x128xf32, #tpu.memory_space<vmem>> -> memref<8x128xf32, #tpu.memory_space<vmem>>
    %dma_wait3A_170 = arith.constant 0 : i32
    %dma_wait3A_171 = arith.constant 0 : i32
    %dma_wait3A_172 = tpu.memref_slice %arg2[%dma_wait3A_170, %dma_wait3A_171] : memref<1000000x128xf32, #tpu.memory_space<hbm>> -> memref<8x128xf32, #tpu.memory_space<hbm>>
    tpu.wait_dma2 semaphore(%arg10 : memref<!tpu.dma_semaphore, #tpu.memory_space<semaphore_mem>>) src(%dma_wait3A_172 : memref<8x128xf32, #tpu.memory_space<hbm>>) dst(%dma_wait3A_169 : memref<8x128xf32, #tpu.memory_space<vmem>>)
    %dma_wait3A_173 = arith.constant 0 : i32
    %dma_wait3A_174 = arith.constant 16 : i32
    %dma_wait3A_175 = arith.constant 0 : i32
    %dma_wait3A_176 = tpu.memref_slice %arg7[%dma_wait3A_173, %dma_wait3A_174, %dma_wait3A_175] : memref<2x64x129xf32, #tpu.memory_space<vmem>> -> memref<1x8x128xf32, #tpu.memory_space<vmem>>
    %dma_wait3A_177 = tpu.memref_squeeze %dma_wait3A_176 : memref<1x8x128xf32, #tpu.memory_space<vmem>> -> memref<8x128xf32, #tpu.memory_space<vmem>>
    %dma_wait3A_178 = arith.constant 0 : i32
    %dma_wait3A_179 = arith.constant 0 : i32
    %dma_wait3A_180 = tpu.memref_slice %arg2[%dma_wait3A_178, %dma_wait3A_179] : memref<1000000x128xf32, #tpu.memory_space<hbm>> -> memref<8x128xf32, #tpu.memory_space<hbm>>
    %dma_wait3A_181 = arith.constant 16 : i32
    %dma_wait3A_182 = arith.constant 0 : i32
    %dma_wait3A_183 = tpu.memref_slice %arg7[%dma_wait3A_173, %dma_wait3A_181, %dma_wait3A_182] : memref<2x64x129xf32, #tpu.memory_space<vmem>> -> memref<1x8x128xf32, #tpu.memory_space<vmem>>
    %dma_wait3A_184 = tpu.memref_squeeze %dma_wait3A_183 : memref<1x8x128xf32, #tpu.memory_space<vmem>> -> memref<8x128xf32, #tpu.memory_space<vmem>>
    %dma_wait3A_185 = arith.constant 0 : i32
    %dma_wait3A_186 = arith.constant 0 : i32
    %dma_wait3A_187 = tpu.memref_slice %arg2[%dma_wait3A_185, %dma_wait3A_186] : memref<1000000x128xf32, #tpu.memory_space<hbm>> -> memref<8x128xf32, #tpu.memory_space<hbm>>
    tpu.wait_dma2 semaphore(%arg10 : memref<!tpu.dma_semaphore, #tpu.memory_space<semaphore_mem>>) src(%dma_wait3A_187 : memref<8x128xf32, #tpu.memory_space<hbm>>) dst(%dma_wait3A_184 : memref<8x128xf32, #tpu.memory_space<vmem>>)
    %dma_wait3A_188 = arith.constant 0 : i32
    %dma_wait3A_189 = arith.constant 24 : i32
    %dma_wait3A_190 = arith.constant 0 : i32
    %dma_wait3A_191 = tpu.memref_slice %arg7[%dma_wait3A_188, %dma_wait3A_189, %dma_wait3A_190] : memref<2x64x129xf32, #tpu.memory_space<vmem>> -> memref<1x8x128xf32, #tpu.memory_space<vmem>>
    %dma_wait3A_192 = tpu.memref_squeeze %dma_wait3A_191 : memref<1x8x128xf32, #tpu.memory_space<vmem>> -> memref<8x128xf32, #tpu.memory_space<vmem>>
    %dma_wait3A_193 = arith.constant 0 : i32
    %dma_wait3A_194 = arith.constant 0 : i32
    %dma_wait3A_195 = tpu.memref_slice %arg2[%dma_wait3A_193, %dma_wait3A_194] : memref<1000000x128xf32, #tpu.memory_space<hbm>> -> memref<8x128xf32, #tpu.memory_space<hbm>>
    %dma_wait3A_196 = arith.constant 24 : i32
    %dma_wait3A_197 = arith.constant 0 : i32
    %dma_wait3A_198 = tpu.memref_slice %arg7[%dma_wait3A_188, %dma_wait3A_196, %dma_wait3A_197] : memref<2x64x129xf32, #tpu.memory_space<vmem>> -> memref<1x8x128xf32, #tpu.memory_space<vmem>>
    %dma_wait3A_199 = tpu.memref_squeeze %dma_wait3A_198 : memref<1x8x128xf32, #tpu.memory_space<vmem>> -> memref<8x128xf32, #tpu.memory_space<vmem>>
    %dma_wait3A_200 = arith.constant 0 : i32
    %dma_wait3A_201 = arith.constant 0 : i32
    %dma_wait3A_202 = tpu.memref_slice %arg2[%dma_wait3A_200, %dma_wait3A_201] : memref<1000000x128xf32, #tpu.memory_space<hbm>> -> memref<8x128xf32, #tpu.memory_space<hbm>>
    tpu.wait_dma2 semaphore(%arg10 : memref<!tpu.dma_semaphore, #tpu.memory_space<semaphore_mem>>) src(%dma_wait3A_202 : memref<8x128xf32, #tpu.memory_space<hbm>>) dst(%dma_wait3A_199 : memref<8x128xf32, #tpu.memory_space<vmem>>)
    %dma_wait3A_203 = arith.constant 0 : i32
    %dma_wait3A_204 = arith.constant 32 : i32
    %dma_wait3A_205 = arith.constant 0 : i32
    %dma_wait3A_206 = tpu.memref_slice %arg7[%dma_wait3A_203, %dma_wait3A_204, %dma_wait3A_205] : memref<2x64x129xf32, #tpu.memory_space<vmem>> -> memref<1x8x128xf32, #tpu.memory_space<vmem>>
    %dma_wait3A_207 = tpu.memref_squeeze %dma_wait3A_206 : memref<1x8x128xf32, #tpu.memory_space<vmem>> -> memref<8x128xf32, #tpu.memory_space<vmem>>
    %dma_wait3A_208 = arith.constant 0 : i32
    %dma_wait3A_209 = arith.constant 0 : i32
    %dma_wait3A_210 = tpu.memref_slice %arg2[%dma_wait3A_208, %dma_wait3A_209] : memref<1000000x128xf32, #tpu.memory_space<hbm>> -> memref<8x128xf32, #tpu.memory_space<hbm>>
    %dma_wait3A_211 = arith.constant 32 : i32
    %dma_wait3A_212 = arith.constant 0 : i32
    %dma_wait3A_213 = tpu.memref_slice %arg7[%dma_wait3A_203, %dma_wait3A_211, %dma_wait3A_212] : memref<2x64x129xf32, #tpu.memory_space<vmem>> -> memref<1x8x128xf32, #tpu.memory_space<vmem>>
    %dma_wait3A_214 = tpu.memref_squeeze %dma_wait3A_213 : memref<1x8x128xf32, #tpu.memory_space<vmem>> -> memref<8x128xf32, #tpu.memory_space<vmem>>
    %dma_wait3A_215 = arith.constant 0 : i32
    %dma_wait3A_216 = arith.constant 0 : i32
    %dma_wait3A_217 = tpu.memref_slice %arg2[%dma_wait3A_215, %dma_wait3A_216] : memref<1000000x128xf32, #tpu.memory_space<hbm>> -> memref<8x128xf32, #tpu.memory_space<hbm>>
    tpu.wait_dma2 semaphore(%arg10 : memref<!tpu.dma_semaphore, #tpu.memory_space<semaphore_mem>>) src(%dma_wait3A_217 : memref<8x128xf32, #tpu.memory_space<hbm>>) dst(%dma_wait3A_214 : memref<8x128xf32, #tpu.memory_space<vmem>>)
    %dma_wait3A_218 = arith.constant 0 : i32
    %dma_wait3A_219 = arith.constant 40 : i32
    %dma_wait3A_220 = arith.constant 0 : i32
    %dma_wait3A_221 = tpu.memref_slice %arg7[%dma_wait3A_218, %dma_wait3A_219, %dma_wait3A_220] : memref<2x64x129xf32, #tpu.memory_space<vmem>> -> memref<1x8x128xf32, #tpu.memory_space<vmem>>
    %dma_wait3A_222 = tpu.memref_squeeze %dma_wait3A_221 : memref<1x8x128xf32, #tpu.memory_space<vmem>> -> memref<8x128xf32, #tpu.memory_space<vmem>>
    %dma_wait3A_223 = arith.constant 0 : i32
    %dma_wait3A_224 = arith.constant 0 : i32
    %dma_wait3A_225 = tpu.memref_slice %arg2[%dma_wait3A_223, %dma_wait3A_224] : memref<1000000x128xf32, #tpu.memory_space<hbm>> -> memref<8x128xf32, #tpu.memory_space<hbm>>
    %dma_wait3A_226 = arith.constant 40 : i32
    %dma_wait3A_227 = arith.constant 0 : i32
    %dma_wait3A_228 = tpu.memref_slice %arg7[%dma_wait3A_218, %dma_wait3A_226, %dma_wait3A_227] : memref<2x64x129xf32, #tpu.memory_space<vmem>> -> memref<1x8x128xf32, #tpu.memory_space<vmem>>
    %dma_wait3A_229 = tpu.memref_squeeze %dma_wait3A_228 : memref<1x8x128xf32, #tpu.memory_space<vmem>> -> memref<8x128xf32, #tpu.memory_space<vmem>>
    %dma_wait3A_230 = arith.constant 0 : i32
    %dma_wait3A_231 = arith.constant 0 : i32
    %dma_wait3A_232 = tpu.memref_slice %arg2[%dma_wait3A_230, %dma_wait3A_231] : memref<1000000x128xf32, #tpu.memory_space<hbm>> -> memref<8x128xf32, #tpu.memory_space<hbm>>
    tpu.wait_dma2 semaphore(%arg10 : memref<!tpu.dma_semaphore, #tpu.memory_space<semaphore_mem>>) src(%dma_wait3A_232 : memref<8x128xf32, #tpu.memory_space<hbm>>) dst(%dma_wait3A_229 : memref<8x128xf32, #tpu.memory_space<vmem>>)
    %dma_wait3A_233 = arith.constant 0 : i32
    %dma_wait3A_234 = arith.constant 48 : i32
    %dma_wait3A_235 = arith.constant 0 : i32
    %dma_wait3A_236 = tpu.memref_slice %arg7[%dma_wait3A_233, %dma_wait3A_234, %dma_wait3A_235] : memref<2x64x129xf32, #tpu.memory_space<vmem>> -> memref<1x8x128xf32, #tpu.memory_space<vmem>>
    %dma_wait3A_237 = tpu.memref_squeeze %dma_wait3A_236 : memref<1x8x128xf32, #tpu.memory_space<vmem>> -> memref<8x128xf32, #tpu.memory_space<vmem>>
    %dma_wait3A_238 = arith.constant 0 : i32
    %dma_wait3A_239 = arith.constant 0 : i32
    %dma_wait3A_240 = tpu.memref_slice %arg2[%dma_wait3A_238, %dma_wait3A_239] : memref<1000000x128xf32, #tpu.memory_space<hbm>> -> memref<8x128xf32, #tpu.memory_space<hbm>>
    %dma_wait3A_241 = arith.constant 48 : i32
    %dma_wait3A_242 = arith.constant 0 : i32
    %dma_wait3A_243 = tpu.memref_slice %arg7[%dma_wait3A_233, %dma_wait3A_241, %dma_wait3A_242] : memref<2x64x129xf32, #tpu.memory_space<vmem>> -> memref<1x8x128xf32, #tpu.memory_space<vmem>>
    %dma_wait3A_244 = tpu.memref_squeeze %dma_wait3A_243 : memref<1x8x128xf32, #tpu.memory_space<vmem>> -> memref<8x128xf32, #tpu.memory_space<vmem>>
    %dma_wait3A_245 = arith.constant 0 : i32
    %dma_wait3A_246 = arith.constant 0 : i32
    %dma_wait3A_247 = tpu.memref_slice %arg2[%dma_wait3A_245, %dma_wait3A_246] : memref<1000000x128xf32, #tpu.memory_space<hbm>> -> memref<8x128xf32, #tpu.memory_space<hbm>>
    tpu.wait_dma2 semaphore(%arg10 : memref<!tpu.dma_semaphore, #tpu.memory_space<semaphore_mem>>) src(%dma_wait3A_247 : memref<8x128xf32, #tpu.memory_space<hbm>>) dst(%dma_wait3A_244 : memref<8x128xf32, #tpu.memory_space<vmem>>)
    %dma_wait3A_248 = arith.constant 0 : i32
    %dma_wait3A_249 = arith.constant 56 : i32
    %dma_wait3A_250 = arith.constant 0 : i32
    %dma_wait3A_251 = tpu.memref_slice %arg7[%dma_wait3A_248, %dma_wait3A_249, %dma_wait3A_250] : memref<2x64x129xf32, #tpu.memory_space<vmem>> -> memref<1x8x128xf32, #tpu.memory_space<vmem>>
    %dma_wait3A_252 = tpu.memref_squeeze %dma_wait3A_251 : memref<1x8x128xf32, #tpu.memory_space<vmem>> -> memref<8x128xf32, #tpu.memory_space<vmem>>
    %dma_wait3A_253 = arith.constant 0 : i32
    %dma_wait3A_254 = arith.constant 0 : i32
    %dma_wait3A_255 = tpu.memref_slice %arg2[%dma_wait3A_253, %dma_wait3A_254] : memref<1000000x128xf32, #tpu.memory_space<hbm>> -> memref<8x128xf32, #tpu.memory_space<hbm>>
    %dma_wait3A_256 = arith.constant 56 : i32
    %dma_wait3A_257 = arith.constant 0 : i32
    %dma_wait3A_258 = tpu.memref_slice %arg7[%dma_wait3A_248, %dma_wait3A_256, %dma_wait3A_257] : memref<2x64x129xf32, #tpu.memory_space<vmem>> -> memref<1x8x128xf32, #tpu.memory_space<vmem>>
    %dma_wait3A_259 = tpu.memref_squeeze %dma_wait3A_258 : memref<1x8x128xf32, #tpu.memory_space<vmem>> -> memref<8x128xf32, #tpu.memory_space<vmem>>
    %dma_wait3A_260 = arith.constant 0 : i32
    %dma_wait3A_261 = arith.constant 0 : i32
    %dma_wait3A_262 = tpu.memref_slice %arg2[%dma_wait3A_260, %dma_wait3A_261] : memref<1000000x128xf32, #tpu.memory_space<hbm>> -> memref<8x128xf32, #tpu.memory_space<hbm>>
    tpu.wait_dma2 semaphore(%arg10 : memref<!tpu.dma_semaphore, #tpu.memory_space<semaphore_mem>>) src(%dma_wait3A_262 : memref<8x128xf32, #tpu.memory_space<hbm>>) dst(%dma_wait3A_259 : memref<8x128xf32, #tpu.memory_space<vmem>>)
    %dma_wait3A_263 = arith.constant 1 : i32
    %dma_wait3A_264 = arith.constant 0 : i32
    %dma_wait3A_265 = arith.constant 0 : i32
    %dma_wait3A_266 = tpu.memref_slice %arg7[%dma_wait3A_263, %dma_wait3A_264, %dma_wait3A_265] : memref<2x64x129xf32, #tpu.memory_space<vmem>> -> memref<1x8x128xf32, #tpu.memory_space<vmem>>
    %dma_wait3A_267 = tpu.memref_squeeze %dma_wait3A_266 : memref<1x8x128xf32, #tpu.memory_space<vmem>> -> memref<8x128xf32, #tpu.memory_space<vmem>>
    %dma_wait3A_268 = arith.constant 0 : i32
    %dma_wait3A_269 = arith.constant 0 : i32
    %dma_wait3A_270 = tpu.memref_slice %arg2[%dma_wait3A_268, %dma_wait3A_269] : memref<1000000x128xf32, #tpu.memory_space<hbm>> -> memref<8x128xf32, #tpu.memory_space<hbm>>
    %dma_wait3A_271 = arith.constant 0 : i32
    %dma_wait3A_272 = arith.constant 0 : i32
    %dma_wait3A_273 = tpu.memref_slice %arg7[%dma_wait3A_263, %dma_wait3A_271, %dma_wait3A_272] : memref<2x64x129xf32, #tpu.memory_space<vmem>> -> memref<1x8x128xf32, #tpu.memory_space<vmem>>
    %dma_wait3A_274 = tpu.memref_squeeze %dma_wait3A_273 : memref<1x8x128xf32, #tpu.memory_space<vmem>> -> memref<8x128xf32, #tpu.memory_space<vmem>>
    %dma_wait3A_275 = arith.constant 0 : i32
    %dma_wait3A_276 = arith.constant 0 : i32
    %dma_wait3A_277 = tpu.memref_slice %arg2[%dma_wait3A_275, %dma_wait3A_276] : memref<1000000x128xf32, #tpu.memory_space<hbm>> -> memref<8x128xf32, #tpu.memory_space<hbm>>
    tpu.wait_dma2 semaphore(%arg11 : memref<!tpu.dma_semaphore, #tpu.memory_space<semaphore_mem>>) src(%dma_wait3A_277 : memref<8x128xf32, #tpu.memory_space<hbm>>) dst(%dma_wait3A_274 : memref<8x128xf32, #tpu.memory_space<vmem>>)
    %dma_wait3A_278 = arith.constant 1 : i32
    %dma_wait3A_279 = arith.constant 8 : i32
    %dma_wait3A_280 = arith.constant 0 : i32
    %dma_wait3A_281 = tpu.memref_slice %arg7[%dma_wait3A_278, %dma_wait3A_279, %dma_wait3A_280] : memref<2x64x129xf32, #tpu.memory_space<vmem>> -> memref<1x8x128xf32, #tpu.memory_space<vmem>>
    %dma_wait3A_282 = tpu.memref_squeeze %dma_wait3A_281 : memref<1x8x128xf32, #tpu.memory_space<vmem>> -> memref<8x128xf32, #tpu.memory_space<vmem>>
    %dma_wait3A_283 = arith.constant 0 : i32
    %dma_wait3A_284 = arith.constant 0 : i32
    %dma_wait3A_285 = tpu.memref_slice %arg2[%dma_wait3A_283, %dma_wait3A_284] : memref<1000000x128xf32, #tpu.memory_space<hbm>> -> memref<8x128xf32, #tpu.memory_space<hbm>>
    %dma_wait3A_286 = arith.constant 8 : i32
    %dma_wait3A_287 = arith.constant 0 : i32
    %dma_wait3A_288 = tpu.memref_slice %arg7[%dma_wait3A_278, %dma_wait3A_286, %dma_wait3A_287] : memref<2x64x129xf32, #tpu.memory_space<vmem>> -> memref<1x8x128xf32, #tpu.memory_space<vmem>>
    %dma_wait3A_289 = tpu.memref_squeeze %dma_wait3A_288 : memref<1x8x128xf32, #tpu.memory_space<vmem>> -> memref<8x128xf32, #tpu.memory_space<vmem>>
    %dma_wait3A_290 = arith.constant 0 : i32
    %dma_wait3A_291 = arith.constant 0 : i32
    %dma_wait3A_292 = tpu.memref_slice %arg2[%dma_wait3A_290, %dma_wait3A_291] : memref<1000000x128xf32, #tpu.memory_space<hbm>> -> memref<8x128xf32, #tpu.memory_space<hbm>>
    tpu.wait_dma2 semaphore(%arg11 : memref<!tpu.dma_semaphore, #tpu.memory_space<semaphore_mem>>) src(%dma_wait3A_292 : memref<8x128xf32, #tpu.memory_space<hbm>>) dst(%dma_wait3A_289 : memref<8x128xf32, #tpu.memory_space<vmem>>)
    %dma_wait3A_293 = arith.constant 1 : i32
    %dma_wait3A_294 = arith.constant 16 : i32
    %dma_wait3A_295 = arith.constant 0 : i32
    %dma_wait3A_296 = tpu.memref_slice %arg7[%dma_wait3A_293, %dma_wait3A_294, %dma_wait3A_295] : memref<2x64x129xf32, #tpu.memory_space<vmem>> -> memref<1x8x128xf32, #tpu.memory_space<vmem>>
    %dma_wait3A_297 = tpu.memref_squeeze %dma_wait3A_296 : memref<1x8x128xf32, #tpu.memory_space<vmem>> -> memref<8x128xf32, #tpu.memory_space<vmem>>
    %dma_wait3A_298 = arith.constant 0 : i32
    %dma_wait3A_299 = arith.constant 0 : i32
    %dma_wait3A_300 = tpu.memref_slice %arg2[%dma_wait3A_298, %dma_wait3A_299] : memref<1000000x128xf32, #tpu.memory_space<hbm>> -> memref<8x128xf32, #tpu.memory_space<hbm>>
    %dma_wait3A_301 = arith.constant 16 : i32
    %dma_wait3A_302 = arith.constant 0 : i32
    %dma_wait3A_303 = tpu.memref_slice %arg7[%dma_wait3A_293, %dma_wait3A_301, %dma_wait3A_302] : memref<2x64x129xf32, #tpu.memory_space<vmem>> -> memref<1x8x128xf32, #tpu.memory_space<vmem>>
    %dma_wait3A_304 = tpu.memref_squeeze %dma_wait3A_303 : memref<1x8x128xf32, #tpu.memory_space<vmem>> -> memref<8x128xf32, #tpu.memory_space<vmem>>
    %dma_wait3A_305 = arith.constant 0 : i32
    %dma_wait3A_306 = arith.constant 0 : i32
    %dma_wait3A_307 = tpu.memref_slice %arg2[%dma_wait3A_305, %dma_wait3A_306] : memref<1000000x128xf32, #tpu.memory_space<hbm>> -> memref<8x128xf32, #tpu.memory_space<hbm>>
    tpu.wait_dma2 semaphore(%arg11 : memref<!tpu.dma_semaphore, #tpu.memory_space<semaphore_mem>>) src(%dma_wait3A_307 : memref<8x128xf32, #tpu.memory_space<hbm>>) dst(%dma_wait3A_304 : memref<8x128xf32, #tpu.memory_space<vmem>>)
    %dma_wait3A_308 = arith.constant 1 : i32
    %dma_wait3A_309 = arith.constant 24 : i32
    %dma_wait3A_310 = arith.constant 0 : i32
    %dma_wait3A_311 = tpu.memref_slice %arg7[%dma_wait3A_308, %dma_wait3A_309, %dma_wait3A_310] : memref<2x64x129xf32, #tpu.memory_space<vmem>> -> memref<1x8x128xf32, #tpu.memory_space<vmem>>
    %dma_wait3A_312 = tpu.memref_squeeze %dma_wait3A_311 : memref<1x8x128xf32, #tpu.memory_space<vmem>> -> memref<8x128xf32, #tpu.memory_space<vmem>>
    %dma_wait3A_313 = arith.constant 0 : i32
    %dma_wait3A_314 = arith.constant 0 : i32
    %dma_wait3A_315 = tpu.memref_slice %arg2[%dma_wait3A_313, %dma_wait3A_314] : memref<1000000x128xf32, #tpu.memory_space<hbm>> -> memref<8x128xf32, #tpu.memory_space<hbm>>
    %dma_wait3A_316 = arith.constant 24 : i32
    %dma_wait3A_317 = arith.constant 0 : i32
    %dma_wait3A_318 = tpu.memref_slice %arg7[%dma_wait3A_308, %dma_wait3A_316, %dma_wait3A_317] : memref<2x64x129xf32, #tpu.memory_space<vmem>> -> memref<1x8x128xf32, #tpu.memory_space<vmem>>
    %dma_wait3A_319 = tpu.memref_squeeze %dma_wait3A_318 : memref<1x8x128xf32, #tpu.memory_space<vmem>> -> memref<8x128xf32, #tpu.memory_space<vmem>>
    %dma_wait3A_320 = arith.constant 0 : i32
    %dma_wait3A_321 = arith.constant 0 : i32
    %dma_wait3A_322 = tpu.memref_slice %arg2[%dma_wait3A_320, %dma_wait3A_321] : memref<1000000x128xf32, #tpu.memory_space<hbm>> -> memref<8x128xf32, #tpu.memory_space<hbm>>
    tpu.wait_dma2 semaphore(%arg11 : memref<!tpu.dma_semaphore, #tpu.memory_space<semaphore_mem>>) src(%dma_wait3A_322 : memref<8x128xf32, #tpu.memory_space<hbm>>) dst(%dma_wait3A_319 : memref<8x128xf32, #tpu.memory_space<vmem>>)
    %dma_wait3A_323 = arith.constant 1 : i32
    %dma_wait3A_324 = arith.constant 32 : i32
    %dma_wait3A_325 = arith.constant 0 : i32
    %dma_wait3A_326 = tpu.memref_slice %arg7[%dma_wait3A_323, %dma_wait3A_324, %dma_wait3A_325] : memref<2x64x129xf32, #tpu.memory_space<vmem>> -> memref<1x8x128xf32, #tpu.memory_space<vmem>>
    %dma_wait3A_327 = tpu.memref_squeeze %dma_wait3A_326 : memref<1x8x128xf32, #tpu.memory_space<vmem>> -> memref<8x128xf32, #tpu.memory_space<vmem>>
    %dma_wait3A_328 = arith.constant 0 : i32
    %dma_wait3A_329 = arith.constant 0 : i32
    %dma_wait3A_330 = tpu.memref_slice %arg2[%dma_wait3A_328, %dma_wait3A_329] : memref<1000000x128xf32, #tpu.memory_space<hbm>> -> memref<8x128xf32, #tpu.memory_space<hbm>>
    %dma_wait3A_331 = arith.constant 32 : i32
    %dma_wait3A_332 = arith.constant 0 : i32
    %dma_wait3A_333 = tpu.memref_slice %arg7[%dma_wait3A_323, %dma_wait3A_331, %dma_wait3A_332] : memref<2x64x129xf32, #tpu.memory_space<vmem>> -> memref<1x8x128xf32, #tpu.memory_space<vmem>>
    %dma_wait3A_334 = tpu.memref_squeeze %dma_wait3A_333 : memref<1x8x128xf32, #tpu.memory_space<vmem>> -> memref<8x128xf32, #tpu.memory_space<vmem>>
    %dma_wait3A_335 = arith.constant 0 : i32
    %dma_wait3A_336 = arith.constant 0 : i32
    %dma_wait3A_337 = tpu.memref_slice %arg2[%dma_wait3A_335, %dma_wait3A_336] : memref<1000000x128xf32, #tpu.memory_space<hbm>> -> memref<8x128xf32, #tpu.memory_space<hbm>>
    tpu.wait_dma2 semaphore(%arg11 : memref<!tpu.dma_semaphore, #tpu.memory_space<semaphore_mem>>) src(%dma_wait3A_337 : memref<8x128xf32, #tpu.memory_space<hbm>>) dst(%dma_wait3A_334 : memref<8x128xf32, #tpu.memory_space<vmem>>)
    %dma_wait3A_338 = arith.constant 1 : i32
    %dma_wait3A_339 = arith.constant 40 : i32
    %dma_wait3A_340 = arith.constant 0 : i32
    %dma_wait3A_341 = tpu.memref_slice %arg7[%dma_wait3A_338, %dma_wait3A_339, %dma_wait3A_340] : memref<2x64x129xf32, #tpu.memory_space<vmem>> -> memref<1x8x128xf32, #tpu.memory_space<vmem>>
    %dma_wait3A_342 = tpu.memref_squeeze %dma_wait3A_341 : memref<1x8x128xf32, #tpu.memory_space<vmem>> -> memref<8x128xf32, #tpu.memory_space<vmem>>
    %dma_wait3A_343 = arith.constant 0 : i32
    %dma_wait3A_344 = arith.constant 0 : i32
    %dma_wait3A_345 = tpu.memref_slice %arg2[%dma_wait3A_343, %dma_wait3A_344] : memref<1000000x128xf32, #tpu.memory_space<hbm>> -> memref<8x128xf32, #tpu.memory_space<hbm>>
    %dma_wait3A_346 = arith.constant 40 : i32
    %dma_wait3A_347 = arith.constant 0 : i32
    %dma_wait3A_348 = tpu.memref_slice %arg7[%dma_wait3A_338, %dma_wait3A_346, %dma_wait3A_347] : memref<2x64x129xf32, #tpu.memory_space<vmem>> -> memref<1x8x128xf32, #tpu.memory_space<vmem>>
    %dma_wait3A_349 = tpu.memref_squeeze %dma_wait3A_348 : memref<1x8x128xf32, #tpu.memory_space<vmem>> -> memref<8x128xf32, #tpu.memory_space<vmem>>
    %dma_wait3A_350 = arith.constant 0 : i32
    %dma_wait3A_351 = arith.constant 0 : i32
    %dma_wait3A_352 = tpu.memref_slice %arg2[%dma_wait3A_350, %dma_wait3A_351] : memref<1000000x128xf32, #tpu.memory_space<hbm>> -> memref<8x128xf32, #tpu.memory_space<hbm>>
    tpu.wait_dma2 semaphore(%arg11 : memref<!tpu.dma_semaphore, #tpu.memory_space<semaphore_mem>>) src(%dma_wait3A_352 : memref<8x128xf32, #tpu.memory_space<hbm>>) dst(%dma_wait3A_349 : memref<8x128xf32, #tpu.memory_space<vmem>>)
    %dma_wait3A_353 = arith.constant 1 : i32
    %dma_wait3A_354 = arith.constant 48 : i32
    %dma_wait3A_355 = arith.constant 0 : i32
    %dma_wait3A_356 = tpu.memref_slice %arg7[%dma_wait3A_353, %dma_wait3A_354, %dma_wait3A_355] : memref<2x64x129xf32, #tpu.memory_space<vmem>> -> memref<1x8x128xf32, #tpu.memory_space<vmem>>
    %dma_wait3A_357 = tpu.memref_squeeze %dma_wait3A_356 : memref<1x8x128xf32, #tpu.memory_space<vmem>> -> memref<8x128xf32, #tpu.memory_space<vmem>>
    %dma_wait3A_358 = arith.constant 0 : i32
    %dma_wait3A_359 = arith.constant 0 : i32
    %dma_wait3A_360 = tpu.memref_slice %arg2[%dma_wait3A_358, %dma_wait3A_359] : memref<1000000x128xf32, #tpu.memory_space<hbm>> -> memref<8x128xf32, #tpu.memory_space<hbm>>
    %dma_wait3A_361 = arith.constant 48 : i32
    %dma_wait3A_362 = arith.constant 0 : i32
    %dma_wait3A_363 = tpu.memref_slice %arg7[%dma_wait3A_353, %dma_wait3A_361, %dma_wait3A_362] : memref<2x64x129xf32, #tpu.memory_space<vmem>> -> memref<1x8x128xf32, #tpu.memory_space<vmem>>
    %dma_wait3A_364 = tpu.memref_squeeze %dma_wait3A_363 : memref<1x8x128xf32, #tpu.memory_space<vmem>> -> memref<8x128xf32, #tpu.memory_space<vmem>>
    %dma_wait3A_365 = arith.constant 0 : i32
    %dma_wait3A_366 = arith.constant 0 : i32
    %dma_wait3A_367 = tpu.memref_slice %arg2[%dma_wait3A_365, %dma_wait3A_366] : memref<1000000x128xf32, #tpu.memory_space<hbm>> -> memref<8x128xf32, #tpu.memory_space<hbm>>
    tpu.wait_dma2 semaphore(%arg11 : memref<!tpu.dma_semaphore, #tpu.memory_space<semaphore_mem>>) src(%dma_wait3A_367 : memref<8x128xf32, #tpu.memory_space<hbm>>) dst(%dma_wait3A_364 : memref<8x128xf32, #tpu.memory_space<vmem>>)
    %dma_wait3A_368 = arith.constant 1 : i32
    %dma_wait3A_369 = arith.constant 56 : i32
    %dma_wait3A_370 = arith.constant 0 : i32
    %dma_wait3A_371 = tpu.memref_slice %arg7[%dma_wait3A_368, %dma_wait3A_369, %dma_wait3A_370] : memref<2x64x129xf32, #tpu.memory_space<vmem>> -> memref<1x8x128xf32, #tpu.memory_space<vmem>>
    %dma_wait3A_372 = tpu.memref_squeeze %dma_wait3A_371 : memref<1x8x128xf32, #tpu.memory_space<vmem>> -> memref<8x128xf32, #tpu.memory_space<vmem>>
    %dma_wait3A_373 = arith.constant 0 : i32
    %dma_wait3A_374 = arith.constant 0 : i32
    %dma_wait3A_375 = tpu.memref_slice %arg2[%dma_wait3A_373, %dma_wait3A_374] : memref<1000000x128xf32, #tpu.memory_space<hbm>> -> memref<8x128xf32, #tpu.memory_space<hbm>>
    %dma_wait3A_376 = arith.constant 56 : i32
    %dma_wait3A_377 = arith.constant 0 : i32
    %dma_wait3A_378 = tpu.memref_slice %arg7[%dma_wait3A_368, %dma_wait3A_376, %dma_wait3A_377] : memref<2x64x129xf32, #tpu.memory_space<vmem>> -> memref<1x8x128xf32, #tpu.memory_space<vmem>>
    %dma_wait3A_379 = tpu.memref_squeeze %dma_wait3A_378 : memref<1x8x128xf32, #tpu.memory_space<vmem>> -> memref<8x128xf32, #tpu.memory_space<vmem>>
    %dma_wait3A_380 = arith.constant 0 : i32
    %dma_wait3A_381 = arith.constant 0 : i32
    %dma_wait3A_382 = tpu.memref_slice %arg2[%dma_wait3A_380, %dma_wait3A_381] : memref<1000000x128xf32, #tpu.memory_space<hbm>> -> memref<8x128xf32, #tpu.memory_space<hbm>>
    tpu.wait_dma2 semaphore(%arg11 : memref<!tpu.dma_semaphore, #tpu.memory_space<semaphore_mem>>) src(%dma_wait3A_382 : memref<8x128xf32, #tpu.memory_space<hbm>>) dst(%dma_wait3A_379 : memref<8x128xf32, #tpu.memory_space<vmem>>)
    return
  }
}

</mosaic_0001>

<sc_bundles>
// kernel: kernel.3.cloned.1.call-start
scs
__scs_entry_jumppad:
0x0: {  	(pc) =	sbr.rel $0x88, $3  }
0x1: {  	(tag) =	ssettag $0x0;
	lr =	simm.s32 $0x1  }
0x2: {  	[smem:$0x3F9F] =	sst lr;
	_ =	strace $0xD0000000  }
0x3: {  	_ = 	snop  }
0x4: {  	_ = 	snop  }
0x5: {  	_ = 	snop  }
0x6: {  	_ = 	snop  }
0x7: {  	_ = 	snop  }
__scs_overlays_trampoline_lowered:
0x8: {  	[smem:$0x3FAE] =	sst s0  }
0x9: {  	[smem:$0x3FAF] =	sst s1  }
0xa: {  	[smem:$0x3FB0] =	sst s2  }
0xb: {  	[smem:$0x3FB1] =	sst s3  }
0xc: {  	[smem:$0x3FB2] =	sst s4  }
0xd: {  	[smem:$0x3FB3] =	sst s5  }
0xe: {  	[smem:$0x3FB4] =	sst s6  }
0xf: {  	[smem:$0x3FB5] =	sst s7  }
0x10: {  	[smem:$0x3FB6] =	sst s8  }
0x11: {  	[smem:$0x3FB7] =	sst s9;
	s0 =	simm.s32 @!p0 $0x0  }
0x12: {  	s1 =	sld [smem:$0x3F9D];
	s0 =	simm.s32 @p0 $0x1  }
0x13: {  	[smem:$0x3FB8] =	sst s0;
	s0 =	simm.s32 @!p1 $0x0  }
0x14: {  	s2 =	sld [smem:$0x3F9C];
	s0 =	simm.s32 @p1 $0x1  }
0x15: {  	[smem:$0x3FB9] =	sst s0;
	s0 =	simm.s32 @!p2 $0x0  }
0x16: {  	s3 =	sld [smem:$0x3FDB];
	s0 =	simm.s32 @p2 $0x1  }
0x17: {  	s4 =	simm.s32 $0x1BF5;
	[smem:$0x3FBB] =	sst s0  }
0x18: {  	s0 =	sld [smem:$0x3F9E];
	_ =	swait.ge [sflag:s4], $0x0  }
0x19: {  	s7 =	sld [smem:$0x3F9F]  }
0x1a: {  	s8 =	sadd.s32 $0xFFFFE003, lr  }
0x1b: {  	s9 =	sadd.s32 $0xFFFFFEF7, lr;
	s5 =	simm.s32 $0xFFFFFFFF;
	p2 =	slt.u32 s8, $0xFFFFF086  }
0x1c: {  	p1 =	slt.u32 s9, $0xF7A;
	s5 =	simm.s32 @!p2 $0x0  }
0x1d: {  	s5 =	simm.s32 @p1 $0x1;
	p0 =	seq.s32 s7, s2  }
0x1e: {  	s7 =	smul.u32 @!p0 $0xF7A, s2;
	p2 =	seq.s32 @!p0 s5, $0x0  }
0x1f: {  	s9 =	smul.u32 $0xF7A, s1;
	s8 =	simm.s32 @!p0 $0x1BF5;
	p2 =	por !p2, p0  }
0x20: {  	[sflag:s8] =	ssyncset.s32 @!p0 $0xFFFFF086;
	s6 =	sadd.s32 @!p0 s3, s7;
	s7 =	simm.s32 @!p0 $0x108  }
0x21: {  	s3 =	sadd.s32 s3, s9;
	s6 =	sadd.s32 @!p0 $0x88, s6;
	s7 =	simm.s32 @p2 $0x1082  }
0x22: {  	[simem:s7], [sflag:s8] =	dma.local @!p0 [hbm:s6], $0xF7A  }
0x23: {  	s9 =	sor.u32 $0xD0000000, s2;
	s6 =	simm.s32 $0x108;
	_ =	swait.ge @!p0 [sflag:s8], $0x0  }
0x24: {  	s3 =	sadd.s32 $0x88, s3;
	s6 =	simm.s32 @!p1 $0x1082;
	[sflag:s4] =	ssyncset.s32 $0xFFFFF086  }
0x25: {  	[simem:s6], [sflag:s4] =	dma.local [hbm:s3], $0xF7A  }
0x26: {  	[smem:$0x3F9F] =	sst s1;
	(tag) =	ssettag s2;
	_ =	strace s9  }
0x27: {  	s1 =	sld [smem:$0x3FAF]  }
0x28: {  	s2 =	sld [smem:$0x3FB0]  }
0x29: {  	s4 =	sld [smem:$0x3FB2]  }
0x2a: {  	p0 =	seq.s32 s5, $0x0;
	s5 =	sld [smem:$0x3FB3]  }
0x2b: {  	s6 =	sld [smem:$0x3FB4]  }
0x2c: {  	s7 =	sld [smem:$0x3FB5]  }
0x2d: {  	s3 =	simm.s32 $0x108;
	s8 =	sld [smem:$0x3FB6]  }
0x2e: {  	s3 =	simm.s32 @!p0 $0x1082;
	s9 =	sld [smem:$0x3FB7]  }
0x2f: {  	lr =	sadd.s32 s0, s3;
	s0 =	sld [smem:$0x3FAE]  }
0x30: {  	s3 =	sld [smem:$0x3FB1]  }
0x31: {  	[smem:$0x3FBA] =	sst s10  }
0x32: {  	s10 =	sld [smem:$0x3FB8];
	_ =	sdelay $0x3  }
0x33: {  	p0 =	seq.s32 s10, $0x1;
	s10 =	sld [smem:$0x3FBA];
	_ =	sdelay $0x3  }
0x34: {  	[smem:$0x3FBA] =	sst s10  }
0x35: {  	s10 =	sld [smem:$0x3FB9];
	_ =	sdelay $0x3  }
0x36: {  	p1 =	seq.s32 s10, $0x1;
	s10 =	sld [smem:$0x3FBA];
	_ =	sdelay $0x3  }
0x37: {  	[smem:$0x3FBA] =	sst s10  }
0x38: {  	s10 =	sld [smem:$0x3FBB]  }
0x39: {  	_ = 	snop;
	(pc) =	sbr.ind lr, $3  }
0x3a: {  	_ = 	snop  }
0x3b: {  	_ = 	snop  }
0x3c: {  	p2 =	seq.s32 s10, $0x1;
	s10 =	sld [smem:$0x3FBA]  }
0x3d: {  	_ =	shalt  }
0x3e: {  	_ =	shalt  }
0x3f: {  	_ =	shalt  }
0x40: {  	_ =	shalt  }
0x41: {  	_ =	shalt  }
0x42: {  	_ =	shalt  }
0x43: {  	_ =	shalt  }
0x44: {  	_ =	shalt  }
0x45: {  	_ =	shalt  }
0x46: {  	_ =	shalt  }
0x47: {  	_ =	shalt  }
0x48: {  	_ =	shalt  }
0x49: {  	_ =	shalt  }
0x4a: {  	_ =	shalt  }
0x4b: {  	_ =	shalt  }
0x4c: {  	_ =	shalt  }
0x4d: {  	_ =	shalt  }
0x4e: {  	_ =	shalt  }
0x4f: {  	_ =	shalt  }
0x50: {  	_ =	shalt  }
0x51: {  	_ =	shalt  }
0x52: {  	_ =	shalt  }
0x53: {  	_ =	shalt  }
0x54: {  	_ =	shalt  }
0x55: {  	_ =	shalt  }
0x56: {  	_ =	shalt  }
0x57: {  	_ =	shalt  }
0x58: {  	_ =	shalt  }
0x59: {  	_ =	shalt  }
0x5a: {  	_ =	shalt  }
0x5b: {  	_ =	shalt  }
0x5c: {  	_ =	shalt  }
0x5d: {  	_ =	shalt  }
0x5e: {  	_ =	shalt  }
0x5f: {  	_ =	shalt  }
0x60: {  	_ =	shalt  }
0x61: {  	_ =	shalt  }
0x62: {  	_ =	shalt  }
0x63: {  	_ =	shalt  }
0x64: {  	_ =	shalt  }
0x65: {  	_ =	shalt  }
0x66: {  	_ =	shalt  }
0x67: {  	_ =	shalt  }
0x68: {  	_ =	shalt  }
0x69: {  	_ =	shalt  }
0x6a: {  	_ =	shalt  }
0x6b: {  	_ =	shalt  }
0x6c: {  	_ =	shalt  }
0x6d: {  	_ =	shalt  }
0x6e: {  	_ =	shalt  }
0x6f: {  	_ =	shalt  }
0x70: {  	_ =	shalt  }
0x71: {  	_ =	shalt  }
0x72: {  	_ =	shalt  }
0x73: {  	_ =	shalt  }
0x74: {  	_ =	shalt  }
0x75: {  	_ =	shalt  }
0x76: {  	_ =	shalt  }
0x77: {  	_ =	shalt  }
0x78: {  	_ =	shalt  }
0x79: {  	_ =	shalt  }
0x7a: {  	_ =	shalt  }
0x7b: {  	_ =	shalt  }
0x7c: {  	_ =	shalt  }
0x7d: {  	_ =	shalt  }
0x7e: {  	_ =	shalt  }
0x7f: {  	_ =	shalt  }
0x80: {  	_ =	shalt  }
0x81: {  	_ =	shalt  }
0x82: {  	_ =	shalt  }
0x83: {  	_ =	shalt  }
0x84: {  	_ =	shalt  }
0x85: {  	_ =	shalt  }
0x86: {  	_ =	shalt  }
0x87: {  	_ =	shalt  }
.Lfunc_end0:
.L_simem_size_0:
called_computation_lowered:
.L_overlay_start_0:
0x88: {  	s2 =	sld [smem:$0x3FD9]  }
0x89: {  	s3 =	sld [smem:$0x3FFE];
	_ =	sdelay $0x1  }
0x8a: {  	s1 =	srdreg.scid  }
0x8b: {  	s0 =	sand.u32 $0x1, s1  }
0x8c: {  	s17 =	sshll.u32 s0, $0xA;
	s2 =	sadd.s32 s3, s2  }
0x8d: {  	s2 =	sadd.s32 s2, s17  }
0x8e: {  	[smem:$0x3FC6] =	sst s2  }
0x8f: {  	_ = 	snop  }
0x90: {  	s2 =	sld [smem:$0x3FD0];
	(tm) =	ssettm $0x1  }
0x91: {  	s18 =	sld [smem:$0x3FFB];
	_ =	sdelay $0x3  }
0x92: {  	_ =	strace s18  }
0x93: {  	s3 =	sld [smem:$0x3FFC];
	_ =	sdelay $0x3  }
0x94: {  	_ =	strace s3  }
0x95: {  	s3 =	sld [smem:$0x3FFD];
	_ =	sdelay $0x3  }
0x96: {  	_ =	strace s3  }
0x97: {  	_ =	strace $0x8FFFFFFF  }
0x98: {  	s19 =	sld [smem:$0x3FDB];
	_ =	sdelay $0x1  }
0x99: {  	s4 =	simm.s32 $_scs_section_size  }
0x9a: {  	s5 =	simm.s32 $_size__tile_overlayer_lowered;
	s6 =	simm.s32 $_tile_overlayer_lowered  }
0x9b: {  	s22 =	simm.s32 $0x1BFF;
	s21 =	sshll.u32 s6, $0x1;
	s3 =	sadd.s32 s4, s19  }
0x9c: {  	s7 =	simm.s32 $0x0;
	s20 =	sshll.u32 s5, $0x1;
	s5 =	sadd.s32 s21, s3  }
0x9d: {  	[timem:s7], [sflag:s22] =	dma.local [hbm:s5], s20  }
0x9e: {  	_ =	swait.ge [sflag:s22], s20  }
0x9f: {  	s4 =	ssub.s32 $0x0, s20;
	[sflag:s22] =	ssyncset.done $0x0  }
0xa0: {  	[sflag:s22] =	ssyncadd.s32 s4;
	_ =	sdelay $0x1  }
0xa1: {  	s23 =	simm.s32 $0x1B8B  }
0xa2: {  	_ =	swait.ge [sflag:s23], $0x1  }
0xa3: {  	[sflag:s23] =	ssyncset.done $0x0  }
0xa4: {  	s25 =	simm.s32 $0x1B8E;
	s24 =	sld [smem:$0x3FFE];
	[sflag:s23] =	ssyncadd.s32 $0xFFFFFFFF  }
0xa5: {  	s26 =	simm.s32 $execute0_lowered;
	[smem:$0x3FD2] =	sst s25  }
0xa6: {  	s5 =	sshll.u32 s26, $0x1;
	_ =	strace $0x80000046;
	[dreg:$0x1] =	wrdreg $0xFFFFFFFF  }
0xa7: {  	s28 =	simm.s32 $_size_execute0_lowered;
	s3 =	sadd.s32 s3, s5;
	[dreg:$0x0] =	wrdreg $0x0  }
0xa8: {  	s5 =	sshll.u32 s28, $0x1;
	[dreg:$0x2] =	wrdreg s3  }
0xa9: {  	[dreg:$0x3] =	wrdreg s5  }
0xaa: {  	[dreg:$0x4] =	wrdreg $0xC0  }
0xab: {  	_ =	task [dreg:s7], $0x5FFFF  }
0xac: {  	[dreg:$0x1] =	wrdreg $0xFFFFFFFF  }
0xad: {  	[dreg:$0x0] =	wrdreg $0x60  }
0xae: {  	[dreg:$0x2] =	wrdreg s24  }
0xaf: {  	[dreg:$0x3] =	wrdreg s2  }
0xb0: {  	[dreg:$0x4] =	wrdreg $0x9  }
0xb1: {  	_ =	task.clear_ibuf [dreg:s7], $0x5FFFF;
	_ =	strace $0x90000046  }
0xb2: {  	s29 =	simm.s32 $0x9;
	_ =	strace $0x80000048  }
0xb3: {  	_ =	swait.ge [sflag:s29], $0x1  }
0xb4: {  	[sflag:s29] =	ssyncadd.s32 $0xFFFFFFFF  }
0xb5: {  	_ =	strace $0x90000048  }
0xb6: {  	_ =	sfence  }
0xb7: {  	s30 =	sld [smem:$0x0];
	_ =	sdelay $0x2  }
0xb8: {  	s31 =	sshll.u32 s1, $0xD;
	s1 =	sshrl.u32 s1, $0x2  }
0xb9: {  	s3 =	sand.u32 $0x4000, s31;
	s1 =	sadd.s32 s1, s30  }
0xba: {  	s0 =	sor.u32 s3, s0;
	s1 =	sshll.u32 s1, $0x11  }
0xbb: {  	s0 =	sor.u32 s1, s0  }
0xbc: {  	s0 =	sadd.s32 $0x8F2B, s0  }
0xbd: {  	[sflag:s0] =	ssyncadd.remote.s32 $0x1  }
0xbe: {  	_ =	sfence.sel $0xFFFF  }
0xbf: {  	[dreg:$0x0] =	wrdreg $0xFFFFFFFF;
	(pc) =	sbr.abs _section_cstart, $3  }
0xc0: {  	[dreg:$0x1] =	wrdreg $0xFFFFFFFF  }
0xc1: {  	_ =	task.clear_ibuf [dreg:s7], $0x2FFFF;
	_ =	strace $0x9FFFFFFF  }
0xc2: {  	(tm) =	ssettm $0x7FFFFFFF  }
0xc3: {  	_ =	shalt  }
tec
execute0_lowered:
.L_overlay_start_1:
0x0: {  	(tag) =	ssettag $0x1  }
0x1: {  	s0 =	srdreg.scid  }
0x2: {  	s2 =	stileid.u32;
	s1 =	rddreg [dreg:$0x0]  }
0x3: {  	s23 =	simm.s32 $0x1;
	s24 =	simm.s32 $0x14000;
	s19 =	simm.s32 $0x2  }
0x4: {  	s28 =	simm.s32 $0x180D0;
	s29 =	simm.s32 $0x18158;
	s30 =	simm.s32 $0x181E0  }
0x5: {  	s31 =	simm.s32 $0x18268;
	s0 =	sand.u32 $0x1, s0;
	s3 =	sshll.u32 s2, $0x1  }
0x6: {  	s2 =	rddreg [dreg:$0x1];
	s5 =	sadd.s32 $0xF5BA00, s1;
	s7 =	sor.u32 s0, s3  }
0x7: {  	s3 =	simm.s32 $0x0;
	s0 =	ssub.s32 $0x2, s0;
	s10 =	sadd.s32 $0x4000, s2  }
0x8: {  	s11 =	sadd.s32 $0x8000, s2;
	s12 =	sadd.s32 $0xC000, s2;
	s13 =	sadd.s32 $0x10000, s2  }
0x9: {  	s14 =	sadd.s32 $0x14000, s2;
	s15 =	sadd.s32 $0x18000, s2;
	s4 =	smul.u32 $0xC8, s7  }
0xa: {  	s16 =	sadd.s32 $0x1C000, s2;
	[smem:$0x7FF] =	sst s3;
	s7 =	smul.u32 $0x2400, s7  }
0xb: {  	s25 =	sshrl.u32 s0, $0x1;
	_ =	strace $0x80000047;
	s8 =	sshrl.u32 s4, $0x7  }
0xc: {  	s0 =	ssub.s32 s0, s25;
	s25 =	simm.s32 $0x16200;
	s6 =	smin.u32 s8, $0x2F  }
0xd: {  	s7 =	sand.u32 $0x3C00, s7;
	s9 =	sshll.u32 s6, $0xB;
	s8 =	ssub.s32 s8, s6  }
0xe: {  	s0 =	smax.u32 s0, $0x1;
	s1 =	sadd.s32 s9, s1;
	s8 =	sshll.u32 s8, $0x10  }
0xf: {  	v0 =	vlaneseq.u32;
	[dreg:$0x6] =	wrdreg s0;
	s8 =	sshra.s32 s8, $0x2;
	s1 =	sadd.s32 $0xF42A00, s1  }
0x10: {  	v0 =	vmul.u32 $0x88, v0;
	s17 =	sadd.s32 $0xC8, s4;
	[dreg:$0x3] =	wrdreg s1;
	s26 =	sor.u32 s7, s8  }
0x11: {  	s0 =	simm.s32 $0x18378;
	[dreg:$0x4] =	wrdreg s26;
	s1 =	sor.u32 $0x80, s26  }
0x12: {  	v1 =	vadd.s32 $0x880, v0;
	v2 =	vadd.s32 $0x1100, v0;
	v3 =	vadd.s32 $0x1980, v0;
	s9 =	simm.s32 $0x0;
	[dreg:$0x5] =	wrdreg s1;
	s1 =	simm.s32 $0x182F0  }
.LBB2_1:
0x13: {  	[dreg:$0x7] =	wrdreg s9  }
0x14: {  	s7 =	rddreg [dreg:$0x3];
	s18 =	simm.s32 $0x5  }
0x15: {  	[tilespmem:s3], [sflag:$0x5] =	stream.linear.gather [hbm4b:s7+s3], $0xC000, $0x38;
	[tilespmem:$0x18400] =	vst v63  }
0x16: {  	_ =	swait.ge [sflag:s18], $0xC000  }
0x17: {  	s8 =	simm.s32 $0x80;
	[sflag:s18] =	ssyncset.done $0x0  }
0x18: {  	s21 =	simm.s32 $0xC000;
	s20 =	rddreg [dreg:$0x4];
	[sflag:s18] =	ssyncadd.s32 $0xFFFF4000  }
0x19: {  	[tilespmem:s21], [sflag:$0x1] =	stream.indirect.gather [hbm4b:s5+s8], $0x80, s20, s8, $0xb8;
	[tilespmem:$0x18400] =	vst v63  }
0x1a: {  	s26 =	simm.s32 $0x10000;
	s22 =	rddreg [dreg:$0x5];
	s21 =	simm.s32 $0x0  }
0x1b: {  	[tilespmem:s26], [sflag:$0x2] =	stream.indirect.gather [hbm4b:s5+s8], $0x80, s22, s8, $0xb8;
	[tilespmem:$0x18400] =	vst v63  }
.LBB2_2:
0x1c: {  	_ =	swait.ge [sflag:s23], $0x4000  }
0x1d: {  	p0 =	seq.s32 s21, $0x0;
	[sflag:s23] =	ssyncset.done $0x0  }
0x1e: {  	s7 =	simm.s32 @!p0 $0x3;
	[sflag:s23] =	ssyncadd.s32 $0xFFFFC000  }
0x1f: {  	_ =	swait.ge @!p0 [sflag:s7], $0x400  }
0x20: {  	[sflag:s7] =	ssyncset.done @!p0 $0x0  }
0x21: {  	[sflag:s7] =	ssyncadd.s32 @!p0 $0xFFFFFC00  }
0x22: {  	_ =	swait.ge @!p0 [sflag:s7], $0x400  }
0x23: {  	[sflag:s7] =	ssyncset.done @!p0 $0x0  }
0x24: {  	[sflag:s7] =	ssyncadd.s32 @!p0 $0xFFFFFC00  }
0x25: {  	_ =	swait.ge @!p0 [sflag:s7], $0x400  }
0x26: {  	[sflag:s7] =	ssyncset.done @!p0 $0x0  }
0x27: {  	[sflag:s7] =	ssyncadd.s32 @!p0 $0xFFFFFC00  }
0x28: {  	_ =	swait.ge @!p0 [sflag:s7], $0x400  }
0x29: {  	[sflag:s7] =	ssyncset.done @!p0 $0x0  }
0x2a: {  	[sflag:s7] =	ssyncadd.s32 @!p0 $0xFFFFFC00  }
0x2b: {  	_ =	swait.ge @!p0 [sflag:s7], $0x400  }
0x2c: {  	[sflag:s7] =	ssyncset.done @!p0 $0x0  }
0x2d: {  	[sflag:s7] =	ssyncadd.s32 @!p0 $0xFFFFFC00  }
0x2e: {  	_ =	swait.ge @!p0 [sflag:s7], $0x400  }
0x2f: {  	[sflag:s7] =	ssyncset.done @!p0 $0x0  }
0x30: {  	[sflag:s7] =	ssyncadd.s32 @!p0 $0xFFFFFC00  }
0x31: {  	_ =	swait.ge @!p0 [sflag:s7], $0x400  }
0x32: {  	[sflag:s7] =	ssyncset.done @!p0 $0x0  }
0x33: {  	[sflag:s7] =	ssyncadd.s32 @!p0 $0xFFFFFC00  }
0x34: {  	s8 =	simm.s32 $0x0;
	_ =	swait.ge @!p0 [sflag:s7], $0x400  }
0x35: {  	v4 =	vmov s8;
	[sflag:s7] =	ssyncset.done @!p0 $0x0  }
0x36: {  	s20 =	simm.s32 $0xC100;
	v4 =	vand.u32 $0x7C, v4;
	[sflag:s7] =	ssyncadd.s32 @!p0 $0xFFFFFC00  }
0x37: {  	v6 =	vadd.s32 v0, v4;
	v5 =	vld [tilespmem:s20+$0xFFFFFF00];
	_ =	sdelay $0x4  }
0x38: {  	[tilespmem:v6+s24+$0x0] =	vst.idx.msk $0xffff, v5  }
0x39: {  	v6 =	vadd.s32 v1, v4;
	v5 =	vld [tilespmem:s20+$0xFFFFFF10];
	_ =	sdelay $0x4  }
0x3a: {  	[tilespmem:v6+s24+$0x0] =	vst.idx.msk $0xffff, v5  }
0x3b: {  	v6 =	vadd.s32 v2, v4;
	v5 =	vld [tilespmem:s20+$0xFFFFFF20];
	_ =	sdelay $0x4  }
0x3c: {  	[tilespmem:v6+s24+$0x0] =	vst.idx.msk $0xffff, v5  }
0x3d: {  	v4 =	vadd.s32 v3, v4;
	v5 =	vld [tilespmem:s20+$0xFFFFFF30];
	_ =	sdelay $0x2  }
0x3e: {  	s9 =	simm.s32 $0x1  }
0x3f: {  	v6 =	vmov s9  }
0x40: {  	[tilespmem:v4+s24+$0x0] =	vst.idx.msk $0xffff, v5;
	v4 =	vand.u32 $0x7D, v6  }
0x41: {  	v5 =	vld [tilespmem:s20+$0xFFFFFF80];
	v6 =	vadd.s32 v0, v4;
	_ =	sdelay $0x4  }
0x42: {  	[tilespmem:v6+s24+$0x0] =	vst.idx.msk $0xffff, v5  }
0x43: {  	v6 =	vadd.s32 v1, v4;
	v5 =	vld [tilespmem:s20+$0xFFFFFF90];
	_ =	sdelay $0x4  }
0x44: {  	[tilespmem:v6+s24+$0x0] =	vst.idx.msk $0xffff, v5  }
0x45: {  	v6 =	vadd.s32 v2, v4;
	v5 =	vld [tilespmem:s20+$0xFFFFFFA0];
	_ =	sdelay $0x4  }
0x46: {  	[tilespmem:v6+s24+$0x0] =	vst.idx.msk $0xffff, v5  }
0x47: {  	v4 =	vadd.s32 v3, v4;
	v5 =	vld [tilespmem:s20+$0xFFFFFFB0];
	_ =	sdelay $0x2  }
0x48: {  	s18 =	simm.s32 $0x2  }
0x49: {  	v6 =	vmov s18  }
0x4a: {  	[tilespmem:v4+s24+$0x0] =	vst.idx.msk $0xffff, v5;
	v4 =	vand.u32 $0x7E, v6  }
0x4b: {  	v5 =	vld [tilespmem:s20+$0x0];
	v6 =	vadd.s32 v0, v4;
	_ =	sdelay $0x4  }
0x4c: {  	[tilespmem:v6+s24+$0x0] =	vst.idx.msk $0xffff, v5  }
0x4d: {  	v6 =	vadd.s32 v1, v4;
	v5 =	vld [tilespmem:s20+$0x10];
	_ =	sdelay $0x4  }
0x4e: {  	[tilespmem:v6+s24+$0x0] =	vst.idx.msk $0xffff, v5  }
0x4f: {  	v6 =	vadd.s32 v2, v4;
	v5 =	vld [tilespmem:s20+$0x20];
	_ =	sdelay $0x4  }
0x50: {  	[tilespmem:v6+s24+$0x0] =	vst.idx.msk $0xffff, v5  }
0x51: {  	v4 =	vadd.s32 v3, v4;
	v5 =	vld [tilespmem:s20+$0x30];
	_ =	sdelay $0x2  }
0x52: {  	s22 =	simm.s32 $0x3  }
0x53: {  	v6 =	vmov s22  }
0x54: {  	[tilespmem:v4+s24+$0x0] =	vst.idx.msk $0xffff, v5;
	v5 =	vand.u32 $0x7F, v6  }
0x55: {  	v4 =	vld [tilespmem:s20+$0x80];
	v6 =	vadd.s32 v0, v5;
	_ =	sdelay $0x4  }
0x56: {  	[tilespmem:v6+s24+$0x0] =	vst.idx.msk $0xffff, v4  }
0x57: {  	v6 =	vadd.s32 v1, v5;
	v4 =	vld [tilespmem:s20+$0x90];
	_ =	sdelay $0x4  }
0x58: {  	[tilespmem:v6+s24+$0x0] =	vst.idx.msk $0xffff, v4  }
0x59: {  	v6 =	vadd.s32 v2, v5;
	v4 =	vld [tilespmem:s20+$0xA0];
	_ =	sdelay $0x4  }
0x5a: {  	[tilespmem:v6+s24+$0x0] =	vst.idx.msk $0xffff, v4  }
0x5b: {  	v5 =	vadd.s32 v3, v5;
	v4 =	vld [tilespmem:s20+$0xB0];
	_ =	sdelay $0x2  }
0x5c: {  	s26 =	sshll.u32 s21, $0x1;
	s7 =	simm.s32 $0x4  }
0x5d: {  	s9 =	simm.s32 $0x8;
	s22 =	sadd.s32 s4, s26;
	v6 =	vmov s7  }
.LBB2_3:
0x5e: {  	p1 =	sne.s32 s9, $0x7C;
	v6 =	vand.u32 $0x7C, v6;
	[tilespmem:v5+s24+$0x0] =	vst.idx.msk $0xffff, v4;
	s20 =	sadd.s32 $0x200, s20  }
0x5f: {  	v4 =	vld [tilespmem:s20+$0xFFFFFF00];
	v5 =	vadd.s32 v0, v6;
	_ =	sdelay $0x4  }
0x60: {  	[tilespmem:v5+s24+$0x0] =	vst.idx.msk $0xffff, v4  }
0x61: {  	v5 =	vadd.s32 v1, v6;
	v4 =	vld [tilespmem:s20+$0xFFFFFF10];
	_ =	sdelay $0x4  }
0x62: {  	[tilespmem:v5+s24+$0x0] =	vst.idx.msk $0xffff, v4  }
0x63: {  	v5 =	vadd.s32 v2, v6;
	v4 =	vld [tilespmem:s20+$0xFFFFFF20];
	_ =	sdelay $0x4  }
0x64: {  	[tilespmem:v5+s24+$0x0] =	vst.idx.msk $0xffff, v4  }
0x65: {  	v5 =	vadd.s32 v3, v6;
	v4 =	vld [tilespmem:s20+$0xFFFFFF30];
	_ =	sdelay $0x2  }
0x66: {  	s8 =	sadd.s32 $0x1, s7  }
0x67: {  	v6 =	vmov s8  }
0x68: {  	[tilespmem:v5+s24+$0x0] =	vst.idx.msk $0xffff, v4;
	v4 =	vand.u32 $0x7D, v6  }
0x69: {  	v5 =	vld [tilespmem:s20+$0xFFFFFF80];
	v6 =	vadd.s32 v0, v4;
	_ =	sdelay $0x4  }
0x6a: {  	[tilespmem:v6+s24+$0x0] =	vst.idx.msk $0xffff, v5  }
0x6b: {  	v6 =	vadd.s32 v1, v4;
	v5 =	vld [tilespmem:s20+$0xFFFFFF90];
	_ =	sdelay $0x4  }
0x6c: {  	[tilespmem:v6+s24+$0x0] =	vst.idx.msk $0xffff, v5  }
0x6d: {  	v6 =	vadd.s32 v2, v4;
	v5 =	vld [tilespmem:s20+$0xFFFFFFA0];
	_ =	sdelay $0x4  }
0x6e: {  	[tilespmem:v6+s24+$0x0] =	vst.idx.msk $0xffff, v5  }
0x6f: {  	v4 =	vadd.s32 v3, v4;
	v5 =	vld [tilespmem:s20+$0xFFFFFFB0];
	_ =	sdelay $0x2  }
0x70: {  	s8 =	sadd.s32 $0x2, s7  }
0x71: {  	v6 =	vmov s8  }
0x72: {  	[tilespmem:v4+s24+$0x0] =	vst.idx.msk $0xffff, v5;
	v4 =	vand.u32 $0x7E, v6  }
0x73: {  	v5 =	vld [tilespmem:s20+$0x0];
	v6 =	vadd.s32 v0, v4;
	_ =	sdelay $0x4  }
0x74: {  	[tilespmem:v6+s24+$0x0] =	vst.idx.msk $0xffff, v5  }
0x75: {  	v6 =	vadd.s32 v1, v4;
	v5 =	vld [tilespmem:s20+$0x10];
	_ =	sdelay $0x4  }
0x76: {  	[tilespmem:v6+s24+$0x0] =	vst.idx.msk $0xffff, v5  }
0x77: {  	v6 =	vadd.s32 v2, v4;
	v5 =	vld [tilespmem:s20+$0x20];
	_ =	sdelay $0x4  }
0x78: {  	[tilespmem:v6+s24+$0x0] =	vst.idx.msk $0xffff, v5  }
0x79: {  	v4 =	vadd.s32 v3, v4;
	v5 =	vld [tilespmem:s20+$0x30];
	_ =	sdelay $0x2  }
0x7a: {  	s8 =	sadd.s32 $0x3, s7;
	s7 =	smov.u32 s9  }
0x7b: {  	v6 =	vmov s8  }
0x7c: {  	[tilespmem:v4+s24+$0x0] =	vst.idx.msk $0xffff, v5;
	v5 =	vand.u32 $0x7F, v6  }
0x7d: {  	v4 =	vld [tilespmem:s20+$0x80];
	v6 =	vadd.s32 v0, v5;
	_ =	sdelay $0x4  }
0x7e: {  	[tilespmem:v6+s24+$0x0] =	vst.idx.msk $0xffff, v4  }
0x7f: {  	v6 =	vadd.s32 v1, v5;
	v4 =	vld [tilespmem:s20+$0x90];
	_ =	sdelay $0x4  }
0x80: {  	[tilespmem:v6+s24+$0x0] =	vst.idx.msk $0xffff, v4  }
0x81: {  	v6 =	vadd.s32 v2, v5;
	v4 =	vld [tilespmem:s20+$0xA0];
	_ =	sdelay $0x4  }
0x82: {  	[tilespmem:v6+s24+$0x0] =	vst.idx.msk $0xffff, v4  }
.Ltmp0:
0x83: {  	v5 =	vadd.s32 v3, v5;
	v4 =	vld [tilespmem:s20+$0xB0];
	(pc) =	sbr.rel @p1 .LBB2_3-.Ltmp0, $2  }
0x84: {  	_ =	sdelay $0x2  }
0x85: {  	s9 =	sadd.s32 $0x4, s9;
	v6 =	vmov s7  }
0x86: {  	_ =	sdelay $0x3  }
0x87: {  	v6 =	vand.u32 $0x7C, v6;
	[tilespmem:v5+s24+$0x0] =	vst.idx.msk $0xffff, v4;
	s8 =	sadd.s32 $0x200, s20  }
0x88: {  	v4 =	vld [tilespmem:s8+$0xFFFFFF00];
	v5 =	vadd.s32 v0, v6;
	_ =	sdelay $0x4  }
0x89: {  	[tilespmem:v5+s24+$0x0] =	vst.idx.msk $0xffff, v4  }
0x8a: {  	v5 =	vadd.s32 v1, v6;
	v4 =	vld [tilespmem:s8+$0xFFFFFF10];
	_ =	sdelay $0x4  }
0x8b: {  	[tilespmem:v5+s24+$0x0] =	vst.idx.msk $0xffff, v4  }
0x8c: {  	v5 =	vadd.s32 v2, v6;
	v4 =	vld [tilespmem:s8+$0xFFFFFF20];
	_ =	sdelay $0x4  }
0x8d: {  	[tilespmem:v5+s24+$0x0] =	vst.idx.msk $0xffff, v4  }
0x8e: {  	v5 =	vadd.s32 v3, v6;
	v4 =	vld [tilespmem:s8+$0xFFFFFF30];
	_ =	sdelay $0x2  }
0x8f: {  	s9 =	sadd.s32 $0x1, s7  }
0x90: {  	v6 =	vmov s9  }
0x91: {  	[tilespmem:v5+s24+$0x0] =	vst.idx.msk $0xffff, v4;
	v4 =	vand.u32 $0x7D, v6  }
0x92: {  	v5 =	vld [tilespmem:s8+$0xFFFFFF80];
	v6 =	vadd.s32 v0, v4;
	_ =	sdelay $0x4  }
0x93: {  	[tilespmem:v6+s24+$0x0] =	vst.idx.msk $0xffff, v5  }
0x94: {  	v6 =	vadd.s32 v1, v4;
	v5 =	vld [tilespmem:s8+$0xFFFFFF90];
	_ =	sdelay $0x4  }
0x95: {  	[tilespmem:v6+s24+$0x0] =	vst.idx.msk $0xffff, v5  }
0x96: {  	v6 =	vadd.s32 v2, v4;
	v5 =	vld [tilespmem:s8+$0xFFFFFFA0];
	_ =	sdelay $0x4  }
0x97: {  	[tilespmem:v6+s24+$0x0] =	vst.idx.msk $0xffff, v5  }
0x98: {  	v4 =	vadd.s32 v3, v4;
	v5 =	vld [tilespmem:s8+$0xFFFFFFB0];
	_ =	sdelay $0x2  }
0x99: {  	s20 =	sadd.s32 $0x2, s7  }
0x9a: {  	v6 =	vmov s20  }
0x9b: {  	[tilespmem:v4+s24+$0x0] =	vst.idx.msk $0xffff, v5;
	v4 =	vand.u32 $0x7E, v6  }
0x9c: {  	v5 =	vld [tilespmem:s8+$0x0];
	v6 =	vadd.s32 v0, v4;
	_ =	sdelay $0x4  }
0x9d: {  	[tilespmem:v6+s24+$0x0] =	vst.idx.msk $0xffff, v5  }
0x9e: {  	v6 =	vadd.s32 v1, v4;
	v5 =	vld [tilespmem:s8+$0x10];
	_ =	sdelay $0x4  }
0x9f: {  	[tilespmem:v6+s24+$0x0] =	vst.idx.msk $0xffff, v5  }
0xa0: {  	v6 =	vadd.s32 v2, v4;
	v5 =	vld [tilespmem:s8+$0x20];
	_ =	sdelay $0x4  }
0xa1: {  	[tilespmem:v6+s24+$0x0] =	vst.idx.msk $0xffff, v5  }
0xa2: {  	v4 =	vadd.s32 v3, v4;
	v5 =	vld [tilespmem:s8+$0x30];
	_ =	sdelay $0x2  }
0xa3: {  	s26 =	sadd.s32 $0x3, s7  }
0xa4: {  	v6 =	vmov s26  }
0xa5: {  	[tilespmem:v4+s24+$0x0] =	vst.idx.msk $0xffff, v5;
	v4 =	vand.u32 $0x7F, v6  }
0xa6: {  	v5 =	vld [tilespmem:s8+$0x80];
	v6 =	vadd.s32 v0, v4;
	_ =	sdelay $0x4  }
0xa7: {  	[tilespmem:v6+s24+$0x0] =	vst.idx.msk $0xffff, v5  }
0xa8: {  	v6 =	vadd.s32 v1, v4;
	v5 =	vld [tilespmem:s8+$0x90];
	_ =	sdelay $0x4  }
0xa9: {  	[tilespmem:v6+s24+$0x0] =	vst.idx.msk $0xffff, v5  }
0xaa: {  	v6 =	vadd.s32 v2, v4;
	v5 =	vld [tilespmem:s8+$0xA0];
	_ =	sdelay $0x4  }
0xab: {  	[tilespmem:v6+s24+$0x0] =	vst.idx.msk $0xffff, v5  }
0xac: {  	v4 =	vadd.s32 v3, v4;
	v5 =	vld [tilespmem:s8+$0xB0]  }
0xad: {  	s9 =	sshll.u32 s22, $0xA;
	s8 =	sshll.u32 s22, $0xD  }
0xae: {  	s7 =	sand.u32 $0x7FF00000, s8;
	s8 =	sand.u32 $0x1F800, s9  }
0xaf: {  	s7 =	sor.u32 s8, s7  }
0xb0: {  	s20 =	sshrl.u32 s7, $0x3  }
0xb1: {  	s7 =	sadd.s32 s2, s20;
	[tilespmem:v4+s24+$0x0] =	vst.idx.msk $0xffff, v5  }
0xb2: {  	[hbm4b:s7+s3] =	stream.linear.scatter [tilespmem:s24], [sflag:$0x3], $0x80, $0x38;
	[tilespmem:$0x18400] =	vst v63  }
0xb3: {  	s26 =	simm.s32 $0x14088;
	s18 =	sadd.s32 $0x10, s7  }
0xb4: {  	[hbm4b:s18+s3] =	stream.linear.scatter [tilespmem:s26], [sflag:$0x3], $0x80, $0x38;
	[tilespmem:$0x18400] =	vst v63  }
0xb5: {  	s18 =	sadd.s32 $0x20, s7;
	s26 =	simm.s32 $0x14110  }
0xb6: {  	[hbm4b:s18+s3] =	stream.linear.scatter [tilespmem:s26], [sflag:$0x3], $0x80, $0x38;
	[tilespmem:$0x18400] =	vst v63  }
0xb7: {  	s18 =	sadd.s32 $0x30, s7;
	s26 =	simm.s32 $0x14198  }
0xb8: {  	[hbm4b:s18+s3] =	stream.linear.scatter [tilespmem:s26], [sflag:$0x3], $0x80, $0x38;
	[tilespmem:$0x18400] =	vst v63  }
0xb9: {  	s18 =	sadd.s32 $0x40, s7;
	s26 =	simm.s32 $0x14220  }
0xba: {  	[hbm4b:s18+s3] =	stream.linear.scatter [tilespmem:s26], [sflag:$0x3], $0x80, $0x38;
	[tilespmem:$0x18400] =	vst v63  }
0xbb: {  	s18 =	sadd.s32 $0x50, s7;
	s26 =	simm.s32 $0x142A8  }
0xbc: {  	[hbm4b:s18+s3] =	stream.linear.scatter [tilespmem:s26], [sflag:$0x3], $0x80, $0x38;
	[tilespmem:$0x18400] =	vst v63  }
0xbd: {  	s9 =	sadd.s32 $0x60, s7;
	s18 =	simm.s32 $0x14330  }
0xbe: {  	[hbm4b:s9+s3] =	stream.linear.scatter [tilespmem:s18], [sflag:$0x3], $0x80, $0x38;
	[tilespmem:$0x18400] =	vst v63  }
0xbf: {  	s7 =	sadd.s32 $0x70, s7;
	s26 =	simm.s32 $0x143B8  }
0xc0: {  	[hbm4b:s7+s3] =	stream.linear.scatter [tilespmem:s26], [sflag:$0x3], $0x80, $0x38;
	[tilespmem:$0x18400] =	vst v63  }
0xc1: {  	s9 =	simm.s32 $0x14440;
	s7 =	sadd.s32 s20, s10  }
0xc2: {  	[hbm4b:s7+s3] =	stream.linear.scatter [tilespmem:s9], [sflag:$0x3], $0x80, $0x38;
	[tilespmem:$0x18400] =	vst v63  }
0xc3: {  	s26 =	simm.s32 $0x144C8;
	s18 =	sadd.s32 $0x10, s7  }
0xc4: {  	[hbm4b:s18+s3] =	stream.linear.scatter [tilespmem:s26], [sflag:$0x3], $0x80, $0x38;
	[tilespmem:$0x18400] =	vst v63  }
0xc5: {  	s18 =	sadd.s32 $0x20, s7;
	s26 =	simm.s32 $0x14550  }
0xc6: {  	[hbm4b:s18+s3] =	stream.linear.scatter [tilespmem:s26], [sflag:$0x3], $0x80, $0x38;
	[tilespmem:$0x18400] =	vst v63  }
0xc7: {  	s18 =	sadd.s32 $0x30, s7;
	s26 =	simm.s32 $0x145D8  }
0xc8: {  	[hbm4b:s18+s3] =	stream.linear.scatter [tilespmem:s26], [sflag:$0x3], $0x80, $0x38;
	[tilespmem:$0x18400] =	vst v63  }
0xc9: {  	s18 =	sadd.s32 $0x40, s7;
	s26 =	simm.s32 $0x14660  }
0xca: {  	[hbm4b:s18+s3] =	stream.linear.scatter [tilespmem:s26], [sflag:$0x3], $0x80, $0x38;
	[tilespmem:$0x18400] =	vst v63  }
0xcb: {  	s18 =	sadd.s32 $0x50, s7;
	s26 =	simm.s32 $0x146E8  }
0xcc: {  	[hbm4b:s18+s3] =	stream.linear.scatter [tilespmem:s26], [sflag:$0x3], $0x80, $0x38;
	[tilespmem:$0x18400] =	vst v63  }
0xcd: {  	s9 =	sadd.s32 $0x60, s7;
	s18 =	simm.s32 $0x14770  }
0xce: {  	[hbm4b:s9+s3] =	stream.linear.scatter [tilespmem:s18], [sflag:$0x3], $0x80, $0x38;
	[tilespmem:$0x18400] =	vst v63  }
0xcf: {  	s7 =	sadd.s32 $0x70, s7;
	s26 =	simm.s32 $0x147F8  }
0xd0: {  	[hbm4b:s7+s3] =	stream.linear.scatter [tilespmem:s26], [sflag:$0x3], $0x80, $0x38;
	[tilespmem:$0x18400] =	vst v63  }
0xd1: {  	s9 =	simm.s32 $0x14880;
	s7 =	sadd.s32 s20, s11  }
0xd2: {  	[hbm4b:s7+s3] =	stream.linear.scatter [tilespmem:s9], [sflag:$0x3], $0x80, $0x38;
	[tilespmem:$0x18400] =	vst v63  }
0xd3: {  	s26 =	simm.s32 $0x14908;
	s18 =	sadd.s32 $0x10, s7  }
0xd4: {  	[hbm4b:s18+s3] =	stream.linear.scatter [tilespmem:s26], [sflag:$0x3], $0x80, $0x38;
	[tilespmem:$0x18400] =	vst v63  }
0xd5: {  	s18 =	sadd.s32 $0x20, s7;
	s26 =	simm.s32 $0x14990  }
0xd6: {  	[hbm4b:s18+s3] =	stream.linear.scatter [tilespmem:s26], [sflag:$0x3], $0x80, $0x38;
	[tilespmem:$0x18400] =	vst v63  }
0xd7: {  	s18 =	sadd.s32 $0x30, s7;
	s26 =	simm.s32 $0x14A18  }
0xd8: {  	[hbm4b:s18+s3] =	stream.linear.scatter [tilespmem:s26], [sflag:$0x3], $0x80, $0x38;
	[tilespmem:$0x18400] =	vst v63  }
0xd9: {  	s18 =	sadd.s32 $0x40, s7;
	s26 =	simm.s32 $0x14AA0  }
0xda: {  	[hbm4b:s18+s3] =	stream.linear.scatter [tilespmem:s26], [sflag:$0x3], $0x80, $0x38;
	[tilespmem:$0x18400] =	vst v63  }
0xdb: {  	s18 =	sadd.s32 $0x50, s7;
	s26 =	simm.s32 $0x14B28  }
0xdc: {  	[hbm4b:s18+s3] =	stream.linear.scatter [tilespmem:s26], [sflag:$0x3], $0x80, $0x38;
	[tilespmem:$0x18400] =	vst v63  }
0xdd: {  	s9 =	sadd.s32 $0x60, s7;
	s18 =	simm.s32 $0x14BB0  }
0xde: {  	[hbm4b:s9+s3] =	stream.linear.scatter [tilespmem:s18], [sflag:$0x3], $0x80, $0x38;
	[tilespmem:$0x18400] =	vst v63  }
0xdf: {  	s7 =	sadd.s32 $0x70, s7;
	s26 =	simm.s32 $0x14C38  }
0xe0: {  	[hbm4b:s7+s3] =	stream.linear.scatter [tilespmem:s26], [sflag:$0x3], $0x80, $0x38;
	[tilespmem:$0x18400] =	vst v63  }
0xe1: {  	s9 =	simm.s32 $0x14CC0;
	s7 =	sadd.s32 s20, s12  }
0xe2: {  	[hbm4b:s7+s3] =	stream.linear.scatter [tilespmem:s9], [sflag:$0x3], $0x80, $0x38;
	[tilespmem:$0x18400] =	vst v63  }
0xe3: {  	s26 =	simm.s32 $0x14D48;
	s18 =	sadd.s32 $0x10, s7  }
0xe4: {  	[hbm4b:s18+s3] =	stream.linear.scatter [tilespmem:s26], [sflag:$0x3], $0x80, $0x38;
	[tilespmem:$0x18400] =	vst v63  }
0xe5: {  	s18 =	sadd.s32 $0x20, s7;
	s26 =	simm.s32 $0x14DD0  }
0xe6: {  	[hbm4b:s18+s3] =	stream.linear.scatter [tilespmem:s26], [sflag:$0x3], $0x80, $0x38;
	[tilespmem:$0x18400] =	vst v63  }
0xe7: {  	s18 =	sadd.s32 $0x30, s7;
	s26 =	simm.s32 $0x14E58  }
0xe8: {  	[hbm4b:s18+s3] =	stream.linear.scatter [tilespmem:s26], [sflag:$0x3], $0x80, $0x38;
	[tilespmem:$0x18400] =	vst v63  }
0xe9: {  	s18 =	sadd.s32 $0x40, s7;
	s26 =	simm.s32 $0x14EE0  }
0xea: {  	[hbm4b:s18+s3] =	stream.linear.scatter [tilespmem:s26], [sflag:$0x3], $0x80, $0x38;
	[tilespmem:$0x18400] =	vst v63  }
0xeb: {  	s18 =	sadd.s32 $0x50, s7;
	s26 =	simm.s32 $0x14F68  }
0xec: {  	[hbm4b:s18+s3] =	stream.linear.scatter [tilespmem:s26], [sflag:$0x3], $0x80, $0x38;
	[tilespmem:$0x18400] =	vst v63  }
0xed: {  	s9 =	sadd.s32 $0x60, s7;
	s18 =	simm.s32 $0x14FF0  }
0xee: {  	[hbm4b:s9+s3] =	stream.linear.scatter [tilespmem:s18], [sflag:$0x3], $0x80, $0x38;
	[tilespmem:$0x18400] =	vst v63  }
0xef: {  	s7 =	sadd.s32 $0x70, s7;
	s26 =	simm.s32 $0x15078  }
0xf0: {  	[hbm4b:s7+s3] =	stream.linear.scatter [tilespmem:s26], [sflag:$0x3], $0x80, $0x38;
	[tilespmem:$0x18400] =	vst v63  }
0xf1: {  	s9 =	simm.s32 $0x15100;
	s7 =	sadd.s32 s20, s13  }
0xf2: {  	[hbm4b:s7+s3] =	stream.linear.scatter [tilespmem:s9], [sflag:$0x3], $0x80, $0x38;
	[tilespmem:$0x18400] =	vst v63  }
0xf3: {  	s26 =	simm.s32 $0x15188;
	s18 =	sadd.s32 $0x10, s7  }
0xf4: {  	[hbm4b:s18+s3] =	stream.linear.scatter [tilespmem:s26], [sflag:$0x3], $0x80, $0x38;
	[tilespmem:$0x18400] =	vst v63  }
0xf5: {  	s18 =	sadd.s32 $0x20, s7;
	s26 =	simm.s32 $0x15210  }
0xf6: {  	[hbm4b:s18+s3] =	stream.linear.scatter [tilespmem:s26], [sflag:$0x3], $0x80, $0x38;
	[tilespmem:$0x18400] =	vst v63  }
0xf7: {  	s18 =	sadd.s32 $0x30, s7;
	s26 =	simm.s32 $0x15298  }
0xf8: {  	[hbm4b:s18+s3] =	stream.linear.scatter [tilespmem:s26], [sflag:$0x3], $0x80, $0x38;
	[tilespmem:$0x18400] =	vst v63  }
0xf9: {  	s18 =	sadd.s32 $0x40, s7;
	s26 =	simm.s32 $0x15320  }
0xfa: {  	[hbm4b:s18+s3] =	stream.linear.scatter [tilespmem:s26], [sflag:$0x3], $0x80, $0x38;
	[tilespmem:$0x18400] =	vst v63  }
0xfb: {  	s18 =	sadd.s32 $0x50, s7;
	s26 =	simm.s32 $0x153A8  }
0xfc: {  	[hbm4b:s18+s3] =	stream.linear.scatter [tilespmem:s26], [sflag:$0x3], $0x80, $0x38;
	[tilespmem:$0x18400] =	vst v63  }
0xfd: {  	s9 =	sadd.s32 $0x60, s7;
	s18 =	simm.s32 $0x15430  }
0xfe: {  	[hbm4b:s9+s3] =	stream.linear.scatter [tilespmem:s18], [sflag:$0x3], $0x80, $0x38;
	[tilespmem:$0x18400] =	vst v63  }
0xff: {  	s7 =	sadd.s32 $0x70, s7;
	s26 =	simm.s32 $0x154B8  }
0x100: {  	[hbm4b:s7+s3] =	stream.linear.scatter [tilespmem:s26], [sflag:$0x3], $0x80, $0x38;
	[tilespmem:$0x18400] =	vst v63  }
0x101: {  	s9 =	simm.s32 $0x15540;
	s7 =	sadd.s32 s20, s14  }
0x102: {  	[hbm4b:s7+s3] =	stream.linear.scatter [tilespmem:s9], [sflag:$0x3], $0x80, $0x38;
	[tilespmem:$0x18400] =	vst v63  }
0x103: {  	s26 =	simm.s32 $0x155C8;
	s18 =	sadd.s32 $0x10, s7  }
0x104: {  	[hbm4b:s18+s3] =	stream.linear.scatter [tilespmem:s26], [sflag:$0x3], $0x80, $0x38;
	[tilespmem:$0x18400] =	vst v63  }
0x105: {  	s18 =	sadd.s32 $0x20, s7;
	s26 =	simm.s32 $0x15650  }
0x106: {  	[hbm4b:s18+s3] =	stream.linear.scatter [tilespmem:s26], [sflag:$0x3], $0x80, $0x38;
	[tilespmem:$0x18400] =	vst v63  }
0x107: {  	s18 =	sadd.s32 $0x30, s7;
	s26 =	simm.s32 $0x156D8  }
0x108: {  	[hbm4b:s18+s3] =	stream.linear.scatter [tilespmem:s26], [sflag:$0x3], $0x80, $0x38;
	[tilespmem:$0x18400] =	vst v63  }
0x109: {  	s18 =	sadd.s32 $0x40, s7;
	s26 =	simm.s32 $0x15760  }
0x10a: {  	[hbm4b:s18+s3] =	stream.linear.scatter [tilespmem:s26], [sflag:$0x3], $0x80, $0x38;
	[tilespmem:$0x18400] =	vst v63  }
0x10b: {  	s18 =	sadd.s32 $0x50, s7;
	s26 =	simm.s32 $0x157E8  }
0x10c: {  	[hbm4b:s18+s3] =	stream.linear.scatter [tilespmem:s26], [sflag:$0x3], $0x80, $0x38;
	[tilespmem:$0x18400] =	vst v63  }
0x10d: {  	s9 =	sadd.s32 $0x60, s7;
	s18 =	simm.s32 $0x15870  }
0x10e: {  	[hbm4b:s9+s3] =	stream.linear.scatter [tilespmem:s18], [sflag:$0x3], $0x80, $0x38;
	[tilespmem:$0x18400] =	vst v63  }
0x10f: {  	s7 =	sadd.s32 $0x70, s7;
	s26 =	simm.s32 $0x158F8  }
0x110: {  	[hbm4b:s7+s3] =	stream.linear.scatter [tilespmem:s26], [sflag:$0x3], $0x80, $0x38;
	[tilespmem:$0x18400] =	vst v63  }
0x111: {  	s9 =	simm.s32 $0x15980;
	s7 =	sadd.s32 s20, s15  }
0x112: {  	[hbm4b:s7+s3] =	stream.linear.scatter [tilespmem:s9], [sflag:$0x3], $0x80, $0x38;
	[tilespmem:$0x18400] =	vst v63  }
0x113: {  	s26 =	simm.s32 $0x15A08;
	s18 =	sadd.s32 $0x10, s7  }
0x114: {  	[hbm4b:s18+s3] =	stream.linear.scatter [tilespmem:s26], [sflag:$0x3], $0x80, $0x38;
	[tilespmem:$0x18400] =	vst v63  }
0x115: {  	s18 =	sadd.s32 $0x20, s7;
	s26 =	simm.s32 $0x15A90  }
0x116: {  	[hbm4b:s18+s3] =	stream.linear.scatter [tilespmem:s26], [sflag:$0x3], $0x80, $0x38;
	[tilespmem:$0x18400] =	vst v63  }
0x117: {  	s18 =	sadd.s32 $0x30, s7;
	s26 =	simm.s32 $0x15B18  }
0x118: {  	[hbm4b:s18+s3] =	stream.linear.scatter [tilespmem:s26], [sflag:$0x3], $0x80, $0x38;
	[tilespmem:$0x18400] =	vst v63  }
0x119: {  	s18 =	sadd.s32 $0x40, s7;
	s26 =	simm.s32 $0x15BA0  }
0x11a: {  	[hbm4b:s18+s3] =	stream.linear.scatter [tilespmem:s26], [sflag:$0x3], $0x80, $0x38;
	[tilespmem:$0x18400] =	vst v63  }
0x11b: {  	s18 =	sadd.s32 $0x50, s7;
	s26 =	simm.s32 $0x15C28  }
0x11c: {  	[hbm4b:s18+s3] =	stream.linear.scatter [tilespmem:s26], [sflag:$0x3], $0x80, $0x38;
	[tilespmem:$0x18400] =	vst v63  }
0x11d: {  	s9 =	sadd.s32 $0x60, s7;
	s18 =	simm.s32 $0x15CB0  }
0x11e: {  	[hbm4b:s9+s3] =	stream.linear.scatter [tilespmem:s18], [sflag:$0x3], $0x80, $0x38;
	[tilespmem:$0x18400] =	vst v63  }
0x11f: {  	s7 =	sadd.s32 $0x70, s7;
	s26 =	simm.s32 $0x15D38  }
0x120: {  	[hbm4b:s7+s3] =	stream.linear.scatter [tilespmem:s26], [sflag:$0x3], $0x80, $0x38;
	[tilespmem:$0x18400] =	vst v63  }
0x121: {  	s9 =	simm.s32 $0x15DC0;
	s7 =	sadd.s32 s20, s16  }
0x122: {  	[hbm4b:s7+s3] =	stream.linear.scatter [tilespmem:s9], [sflag:$0x3], $0x80, $0x38;
	[tilespmem:$0x18400] =	vst v63  }
0x123: {  	s26 =	simm.s32 $0x15E48;
	s18 =	sadd.s32 $0x10, s7  }
0x124: {  	[hbm4b:s18+s3] =	stream.linear.scatter [tilespmem:s26], [sflag:$0x3], $0x80, $0x38;
	[tilespmem:$0x18400] =	vst v63  }
0x125: {  	s18 =	sadd.s32 $0x20, s7;
	s26 =	simm.s32 $0x15ED0  }
0x126: {  	[hbm4b:s18+s3] =	stream.linear.scatter [tilespmem:s26], [sflag:$0x3], $0x80, $0x38;
	[tilespmem:$0x18400] =	vst v63  }
0x127: {  	s18 =	sadd.s32 $0x30, s7;
	s26 =	simm.s32 $0x15F58  }
0x128: {  	[hbm4b:s18+s3] =	stream.linear.scatter [tilespmem:s26], [sflag:$0x3], $0x80, $0x38;
	[tilespmem:$0x18400] =	vst v63  }
0x129: {  	s18 =	sadd.s32 $0x40, s7;
	s26 =	simm.s32 $0x15FE0  }
0x12a: {  	[hbm4b:s18+s3] =	stream.linear.scatter [tilespmem:s26], [sflag:$0x3], $0x80, $0x38;
	[tilespmem:$0x18400] =	vst v63  }
0x12b: {  	s18 =	sadd.s32 $0x50, s7;
	s26 =	simm.s32 $0x16068  }
0x12c: {  	[hbm4b:s18+s3] =	stream.linear.scatter [tilespmem:s26], [sflag:$0x3], $0x80, $0x38;
	[tilespmem:$0x18400] =	vst v63  }
0x12d: {  	s18 =	sadd.s32 $0x60, s7;
	s26 =	simm.s32 $0x160F0  }
0x12e: {  	[hbm4b:s18+s3] =	stream.linear.scatter [tilespmem:s26], [sflag:$0x3], $0x80, $0x38;
	[tilespmem:$0x18400] =	vst v63  }
0x12f: {  	s7 =	sadd.s32 $0x70, s7;
	s18 =	simm.s32 $0x16178  }
0x130: {  	[hbm4b:s7+s3] =	stream.linear.scatter [tilespmem:s18], [sflag:$0x3], $0x80, $0x38;
	[tilespmem:$0x18400] =	vst v63  }
0x131: {  	s7 =	sadd.s32 $0x2, s22  }
0x132: {  	p1 =	sge.u32 s7, s17  }
0x133: {  	s8 =	sshrl.u32 @!p1 s7, $0x7  }
0x134: {  	s8 =	ssub.s32 @!p1 s8, s6  }
0x135: {  	s7 =	sshll.u32 @!p1 s7, $0x7;
	s8 =	sshll.u32 @!p1 s8, $0x10  }
0x136: {  	s7 =	sand.u32 @!p1 $0x3F00, s7;
	s8 =	sshra.s32 @!p1 s8, $0x2  }
0x137: {  	s9 =	simm.s32 @!p1 $0xC000;
	s7 =	sor.u32 @!p1 s7, s8;
	s8 =	simm.s32 @!p1 $0x80  }
0x138: {  	[tilespmem:s9], [sflag:$0x1] =	stream.indirect.gather @!p1 [hbm4b:s5+s8], $0x80, s7, s8, $0xb8;
	[tilespmem:$0x18400] =	vst v63  }
0x139: {  	_ =	swait.ge [sflag:s19], $0x4000  }
0x13a: {  	[sflag:s19] =	ssyncset.done $0x0  }
0x13b: {  	s7 =	simm.s32 @!p0 $0x4;
	[sflag:s19] =	ssyncadd.s32 $0xFFFFC000  }
0x13c: {  	_ =	swait.ge @!p0 [sflag:s7], $0x400  }
0x13d: {  	[sflag:s7] =	ssyncset.done @!p0 $0x0  }
0x13e: {  	[sflag:s7] =	ssyncadd.s32 @!p0 $0xFFFFFC00  }
0x13f: {  	_ =	swait.ge @!p0 [sflag:s7], $0x400  }
0x140: {  	[sflag:s7] =	ssyncset.done @!p0 $0x0  }
0x141: {  	[sflag:s7] =	ssyncadd.s32 @!p0 $0xFFFFFC00  }
0x142: {  	_ =	swait.ge @!p0 [sflag:s7], $0x400  }
0x143: {  	[sflag:s7] =	ssyncset.done @!p0 $0x0  }
0x144: {  	[sflag:s7] =	ssyncadd.s32 @!p0 $0xFFFFFC00  }
0x145: {  	_ =	swait.ge @!p0 [sflag:s7], $0x400  }
0x146: {  	[sflag:s7] =	ssyncset.done @!p0 $0x0  }
0x147: {  	[sflag:s7] =	ssyncadd.s32 @!p0 $0xFFFFFC00  }
0x148: {  	_ =	swait.ge @!p0 [sflag:s7], $0x400  }
0x149: {  	[sflag:s7] =	ssyncset.done @!p0 $0x0  }
0x14a: {  	[sflag:s7] =	ssyncadd.s32 @!p0 $0xFFFFFC00  }
0x14b: {  	_ =	swait.ge @!p0 [sflag:s7], $0x400  }
0x14c: {  	[sflag:s7] =	ssyncset.done @!p0 $0x0  }
0x14d: {  	[sflag:s7] =	ssyncadd.s32 @!p0 $0xFFFFFC00  }
0x14e: {  	_ =	swait.ge @!p0 [sflag:s7], $0x400  }
0x14f: {  	[sflag:s7] =	ssyncset.done @!p0 $0x0  }
0x150: {  	[sflag:s7] =	ssyncadd.s32 @!p0 $0xFFFFFC00  }
0x151: {  	s26 =	simm.s32 $0x0;
	_ =	swait.ge @!p0 [sflag:s7], $0x400  }
0x152: {  	v4 =	vmov s26;
	[sflag:s7] =	ssyncset.done @!p0 $0x0  }
0x153: {  	v4 =	vand.u32 $0x7C, v4;
	[sflag:s7] =	ssyncadd.s32 @!p0 $0xFFFFFC00;
	s7 =	simm.s32 $0x0  }
0x154: {  	v6 =	vadd.s32 v0, v4;
	v5 =	vld [tilespmem:s7+$0x10000];
	_ =	sdelay $0x4  }
0x155: {  	[tilespmem:v6+s25+$0x0] =	vst.idx.msk $0xffff, v5  }
0x156: {  	v6 =	vadd.s32 v1, v4;
	v5 =	vld [tilespmem:s7+$0x10010];
	_ =	sdelay $0x4  }
0x157: {  	[tilespmem:v6+s25+$0x0] =	vst.idx.msk $0xffff, v5  }
0x158: {  	v6 =	vadd.s32 v2, v4;
	v5 =	vld [tilespmem:s7+$0x10020];
	_ =	sdelay $0x4  }
0x159: {  	[tilespmem:v6+s25+$0x0] =	vst.idx.msk $0xffff, v5  }
0x15a: {  	v4 =	vadd.s32 v3, v4;
	v5 =	vld [tilespmem:s7+$0x10030];
	_ =	sdelay $0x2  }
0x15b: {  	s9 =	simm.s32 $0x1  }
0x15c: {  	v6 =	vmov s9  }
0x15d: {  	[tilespmem:v4+s25+$0x0] =	vst.idx.msk $0xffff, v5;
	v4 =	vand.u32 $0x7D, v6  }
0x15e: {  	v5 =	vld [tilespmem:s7+$0x10080];
	v6 =	vadd.s32 v0, v4;
	_ =	sdelay $0x4  }
0x15f: {  	[tilespmem:v6+s25+$0x0] =	vst.idx.msk $0xffff, v5  }
0x160: {  	v6 =	vadd.s32 v1, v4;
	v5 =	vld [tilespmem:s7+$0x10090];
	_ =	sdelay $0x4  }
0x161: {  	[tilespmem:v6+s25+$0x0] =	vst.idx.msk $0xffff, v5  }
0x162: {  	v6 =	vadd.s32 v2, v4;
	v5 =	vld [tilespmem:s7+$0x100A0];
	_ =	sdelay $0x4  }
0x163: {  	[tilespmem:v6+s25+$0x0] =	vst.idx.msk $0xffff, v5  }
0x164: {  	v4 =	vadd.s32 v3, v4;
	v5 =	vld [tilespmem:s7+$0x100B0];
	_ =	sdelay $0x2  }
0x165: {  	s18 =	simm.s32 $0x2  }
0x166: {  	v6 =	vmov s18  }
0x167: {  	[tilespmem:v4+s25+$0x0] =	vst.idx.msk $0xffff, v5;
	v4 =	vand.u32 $0x7E, v6  }
0x168: {  	v5 =	vld [tilespmem:s7+$0x10100];
	v6 =	vadd.s32 v0, v4;
	_ =	sdelay $0x4  }
0x169: {  	[tilespmem:v6+s25+$0x0] =	vst.idx.msk $0xffff, v5  }
0x16a: {  	v6 =	vadd.s32 v1, v4;
	v5 =	vld [tilespmem:s7+$0x10110];
	_ =	sdelay $0x4  }
0x16b: {  	[tilespmem:v6+s25+$0x0] =	vst.idx.msk $0xffff, v5  }
0x16c: {  	v6 =	vadd.s32 v2, v4;
	v5 =	vld [tilespmem:s7+$0x10120];
	_ =	sdelay $0x4  }
0x16d: {  	[tilespmem:v6+s25+$0x0] =	vst.idx.msk $0xffff, v5  }
0x16e: {  	v4 =	vadd.s32 v3, v4;
	v5 =	vld [tilespmem:s7+$0x10130];
	_ =	sdelay $0x2  }
0x16f: {  	s26 =	simm.s32 $0x3  }
0x170: {  	v6 =	vmov s26  }
0x171: {  	[tilespmem:v4+s25+$0x0] =	vst.idx.msk $0xffff, v5;
	v5 =	vand.u32 $0x7F, v6  }
0x172: {  	v4 =	vld [tilespmem:s7+$0x10180];
	v6 =	vadd.s32 v0, v5;
	_ =	sdelay $0x4  }
0x173: {  	[tilespmem:v6+s25+$0x0] =	vst.idx.msk $0xffff, v4  }
0x174: {  	v6 =	vadd.s32 v1, v5;
	v4 =	vld [tilespmem:s7+$0x10190];
	_ =	sdelay $0x4  }
0x175: {  	[tilespmem:v6+s25+$0x0] =	vst.idx.msk $0xffff, v4  }
0x176: {  	v6 =	vadd.s32 v2, v5;
	v4 =	vld [tilespmem:s7+$0x101A0];
	_ =	sdelay $0x4  }
0x177: {  	[tilespmem:v6+s25+$0x0] =	vst.idx.msk $0xffff, v4  }
0x178: {  	v5 =	vadd.s32 v3, v5;
	v4 =	vld [tilespmem:s7+$0x101B0];
	_ =	sdelay $0x1  }
0x179: {  	s8 =	simm.s32 $0x4  }
0x17a: {  	s9 =	simm.s32 $0x800;
	s18 =	simm.s32 $0x1000;
	s7 =	simm.s32 $0x7  }
.LBB2_5:
0x17b: {  	p0 =	sne.s32 s18, $0xF800;
	v6 =	vmov s8  }
0x17c: {  	s8 =	sshra.s32 s9, $0x2;
	s9 =	smov.u32 s18;
	v6 =	vand.u32 $0x7C, v6;
	[tilespmem:v5+s25+$0x0] =	vst.idx.msk $0xffff, v4  }
0x17d: {  	v4 =	vld [tilespmem:s8+$0x10000];
	v5 =	vadd.s32 v0, v6;
	_ =	sdelay $0x4  }
0x17e: {  	[tilespmem:v5+s25+$0x0] =	vst.idx.msk $0xffff, v4  }
0x17f: {  	v5 =	vadd.s32 v1, v6;
	v4 =	vld [tilespmem:s8+$0x10010];
	_ =	sdelay $0x4  }
0x180: {  	[tilespmem:v5+s25+$0x0] =	vst.idx.msk $0xffff, v4  }
0x181: {  	v5 =	vadd.s32 v2, v6;
	v4 =	vld [tilespmem:s8+$0x10020];
	_ =	sdelay $0x4  }
0x182: {  	[tilespmem:v5+s25+$0x0] =	vst.idx.msk $0xffff, v4  }
0x183: {  	v5 =	vadd.s32 v3, v6;
	v4 =	vld [tilespmem:s8+$0x10030];
	_ =	sdelay $0x2  }
0x184: {  	s26 =	sadd.s32 $0xFFFFFFFE, s7  }
0x185: {  	v6 =	vmov s26  }
0x186: {  	[tilespmem:v5+s25+$0x0] =	vst.idx.msk $0xffff, v4;
	v4 =	vand.u32 $0x7D, v6  }
0x187: {  	v5 =	vld [tilespmem:s8+$0x10080];
	v6 =	vadd.s32 v0, v4;
	_ =	sdelay $0x4  }
0x188: {  	[tilespmem:v6+s25+$0x0] =	vst.idx.msk $0xffff, v5  }
0x189: {  	v6 =	vadd.s32 v1, v4;
	v5 =	vld [tilespmem:s8+$0x10090];
	_ =	sdelay $0x4  }
0x18a: {  	[tilespmem:v6+s25+$0x0] =	vst.idx.msk $0xffff, v5  }
0x18b: {  	v6 =	vadd.s32 v2, v4;
	v5 =	vld [tilespmem:s8+$0x100A0];
	_ =	sdelay $0x4  }
0x18c: {  	[tilespmem:v6+s25+$0x0] =	vst.idx.msk $0xffff, v5  }
0x18d: {  	v4 =	vadd.s32 v3, v4;
	v5 =	vld [tilespmem:s8+$0x100B0];
	_ =	sdelay $0x2  }
0x18e: {  	s26 =	sadd.s32 $0xFFFFFFFF, s7  }
0x18f: {  	v6 =	vmov s26  }
0x190: {  	[tilespmem:v4+s25+$0x0] =	vst.idx.msk $0xffff, v5;
	v4 =	vand.u32 $0x7E, v6  }
0x191: {  	v5 =	vld [tilespmem:s8+$0x10100];
	v6 =	vadd.s32 v0, v4;
	_ =	sdelay $0x4  }
0x192: {  	[tilespmem:v6+s25+$0x0] =	vst.idx.msk $0xffff, v5  }
0x193: {  	v6 =	vadd.s32 v1, v4;
	v5 =	vld [tilespmem:s8+$0x10110];
	_ =	sdelay $0x4  }
0x194: {  	[tilespmem:v6+s25+$0x0] =	vst.idx.msk $0xffff, v5  }
0x195: {  	v6 =	vadd.s32 v2, v4;
	v5 =	vld [tilespmem:s8+$0x10120];
	_ =	sdelay $0x4  }
0x196: {  	[tilespmem:v6+s25+$0x0] =	vst.idx.msk $0xffff, v5  }
0x197: {  	v4 =	vadd.s32 v3, v4;
	v5 =	vld [tilespmem:s8+$0x10130];
	_ =	sdelay $0x3  }
0x198: {  	v6 =	vmov s7  }
0x199: {  	[tilespmem:v4+s25+$0x0] =	vst.idx.msk $0xffff, v5;
	v5 =	vand.u32 $0x7F, v6  }
0x19a: {  	v4 =	vld [tilespmem:s8+$0x10180];
	v6 =	vadd.s32 v0, v5;
	_ =	sdelay $0x4  }
0x19b: {  	[tilespmem:v6+s25+$0x0] =	vst.idx.msk $0xffff, v4  }
0x19c: {  	v6 =	vadd.s32 v1, v5;
	v4 =	vld [tilespmem:s8+$0x10190];
	_ =	sdelay $0x4  }
0x19d: {  	[tilespmem:v6+s25+$0x0] =	vst.idx.msk $0xffff, v4  }
0x19e: {  	v6 =	vadd.s32 v2, v5;
	v4 =	vld [tilespmem:s8+$0x101A0];
	_ =	sdelay $0x4  }
.Ltmp1:
0x19f: {  	[tilespmem:v6+s25+$0x0] =	vst.idx.msk $0xffff, v4;
	(pc) =	sbr.rel @p0 .LBB2_5-.Ltmp1, $3  }
0x1a0: {  	v5 =	vadd.s32 v3, v5;
	v4 =	vld [tilespmem:s8+$0x101B0];
	_ =	sdelay $0x1  }
0x1a1: {  	s7 =	sadd.s32 $0x4, s7  }
0x1a2: {  	s18 =	sadd.s32 $0x800, s18;
	s8 =	sadd.s32 $0xFFFFFFFD, s7  }
0x1a3: {  	_ =	sdelay $0x2  }
0x1a4: {  	v6 =	vmov s8  }
0x1a5: {  	s8 =	sshra.s32 s9, $0x2;
	v6 =	vand.u32 $0x7C, v6;
	[tilespmem:v5+s25+$0x0] =	vst.idx.msk $0xffff, v4  }
0x1a6: {  	v4 =	vld [tilespmem:s8+$0x10000];
	v5 =	vadd.s32 v0, v6;
	_ =	sdelay $0x4  }
0x1a7: {  	[tilespmem:v5+s25+$0x0] =	vst.idx.msk $0xffff, v4  }
0x1a8: {  	v5 =	vadd.s32 v1, v6;
	v4 =	vld [tilespmem:s8+$0x10010];
	_ =	sdelay $0x4  }
0x1a9: {  	[tilespmem:v5+s25+$0x0] =	vst.idx.msk $0xffff, v4  }
0x1aa: {  	v5 =	vadd.s32 v2, v6;
	v4 =	vld [tilespmem:s8+$0x10020];
	_ =	sdelay $0x4  }
0x1ab: {  	[tilespmem:v5+s25+$0x0] =	vst.idx.msk $0xffff, v4  }
0x1ac: {  	v5 =	vadd.s32 v3, v6;
	v4 =	vld [tilespmem:s8+$0x10030];
	_ =	sdelay $0x2  }
0x1ad: {  	s26 =	sadd.s32 $0xFFFFFFFE, s7  }
0x1ae: {  	v55 =	vmov s26  }
0x1af: {  	[tilespmem:v5+s25+$0x0] =	vst.idx.msk $0xffff, v4;
	v4 =	vand.u32 $0x7D, v55  }
0x1b0: {  	v5 =	vld [tilespmem:s8+$0x10080];
	v6 =	vadd.s32 v0, v4;
	_ =	sdelay $0x4  }
0x1b1: {  	[tilespmem:v6+s25+$0x0] =	vst.idx.msk $0xffff, v5  }
0x1b2: {  	v56 =	vadd.s32 v1, v4;
	v5 =	vld [tilespmem:s8+$0x10090];
	_ =	sdelay $0x4  }
0x1b3: {  	[tilespmem:v56+s25+$0x0] =	vst.idx.msk $0xffff, v5  }
0x1b4: {  	v57 =	vadd.s32 v2, v4;
	v5 =	vld [tilespmem:s8+$0x100A0];
	_ =	sdelay $0x4  }
0x1b5: {  	[tilespmem:v57+s25+$0x0] =	vst.idx.msk $0xffff, v5  }
0x1b6: {  	v4 =	vadd.s32 v3, v4;
	v5 =	vld [tilespmem:s8+$0x100B0];
	_ =	sdelay $0x2  }
0x1b7: {  	s18 =	sadd.s32 $0xFFFFFFFF, s7  }
0x1b8: {  	v58 =	vmov s18  }
0x1b9: {  	[tilespmem:v4+s25+$0x0] =	vst.idx.msk $0xffff, v5;
	v4 =	vand.u32 $0x7E, v58  }
0x1ba: {  	v5 =	vld [tilespmem:s8+$0x10100];
	v6 =	vadd.s32 v0, v4;
	_ =	sdelay $0x4  }
0x1bb: {  	[tilespmem:v6+s25+$0x0] =	vst.idx.msk $0xffff, v5  }
0x1bc: {  	v59 =	vadd.s32 v1, v4;
	v5 =	vld [tilespmem:s8+$0x10110];
	_ =	sdelay $0x4  }
0x1bd: {  	[tilespmem:v59+s25+$0x0] =	vst.idx.msk $0xffff, v5  }
0x1be: {  	v60 =	vadd.s32 v2, v4;
	v5 =	vld [tilespmem:s8+$0x10120];
	_ =	sdelay $0x4  }
0x1bf: {  	[tilespmem:v60+s25+$0x0] =	vst.idx.msk $0xffff, v5  }
0x1c0: {  	v4 =	vadd.s32 v3, v4;
	v5 =	vld [tilespmem:s8+$0x10130];
	_ =	sdelay $0x3  }
0x1c1: {  	v61 =	vmov s7  }
0x1c2: {  	[tilespmem:v4+s25+$0x0] =	vst.idx.msk $0xffff, v5;
	v4 =	vand.u32 $0x7F, v61  }
0x1c3: {  	v5 =	vld [tilespmem:s8+$0x10180];
	v6 =	vadd.s32 v0, v4;
	_ =	sdelay $0x4  }
0x1c4: {  	[tilespmem:v6+s25+$0x0] =	vst.idx.msk $0xffff, v5  }
0x1c5: {  	v62 =	vadd.s32 v1, v4;
	v5 =	vld [tilespmem:s8+$0x10190];
	_ =	sdelay $0x4  }
0x1c6: {  	[tilespmem:v62+s25+$0x0] =	vst.idx.msk $0xffff, v5  }
0x1c7: {  	v63 =	vadd.s32 v2, v4;
	v5 =	vld [tilespmem:s8+$0x101A0];
	_ =	sdelay $0x4  }
0x1c8: {  	[tilespmem:v63+s25+$0x0] =	vst.idx.msk $0xffff, v5  }
0x1c9: {  	v4 =	vadd.s32 v3, v4;
	v5 =	vld [tilespmem:s8+$0x101B0];
	_ =	sdelay $0x3  }
0x1ca: {  	s7 =	sor.u32 $0x80, s20  }
0x1cb: {  	s8 =	sadd.s32 s2, s7;
	[tilespmem:v4+s25+$0x0] =	vst.idx.msk $0xffff, v5  }
0x1cc: {  	[hbm4b:s8+s3] =	stream.linear.scatter [tilespmem:s25], [sflag:$0x4], $0x80, $0x38;
	[tilespmem:$0x18400] =	vst v63  }
0x1cd: {  	s18 =	simm.s32 $0x16288;
	s26 =	sadd.s32 $0x10, s8  }
0x1ce: {  	[hbm4b:s26+s3] =	stream.linear.scatter [tilespmem:s18], [sflag:$0x4], $0x80, $0x38;
	[tilespmem:$0x18400] =	vst v63  }
0x1cf: {  	s20 =	sadd.s32 $0x20, s8;
	s26 =	simm.s32 $0x16310  }
0x1d0: {  	[hbm4b:s20+s3] =	stream.linear.scatter [tilespmem:s26], [sflag:$0x4], $0x80, $0x38;
	[tilespmem:$0x18400] =	vst v63  }
0x1d1: {  	s20 =	sadd.s32 $0x30, s8;
	s26 =	simm.s32 $0x16398  }
0x1d2: {  	[hbm4b:s20+s3] =	stream.linear.scatter [tilespmem:s26], [sflag:$0x4], $0x80, $0x38;
	[tilespmem:$0x18400] =	vst v63  }
0x1d3: {  	s20 =	sadd.s32 $0x40, s8;
	s26 =	simm.s32 $0x16420  }
0x1d4: {  	[hbm4b:s20+s3] =	stream.linear.scatter [tilespmem:s26], [sflag:$0x4], $0x80, $0x38;
	[tilespmem:$0x18400] =	vst v63  }
0x1d5: {  	s20 =	sadd.s32 $0x50, s8;
	s26 =	simm.s32 $0x164A8  }
0x1d6: {  	[hbm4b:s20+s3] =	stream.linear.scatter [tilespmem:s26], [sflag:$0x4], $0x80, $0x38;
	[tilespmem:$0x18400] =	vst v63  }
0x1d7: {  	s18 =	sadd.s32 $0x60, s8;
	s20 =	simm.s32 $0x16530  }
0x1d8: {  	[hbm4b:s18+s3] =	stream.linear.scatter [tilespmem:s20], [sflag:$0x4], $0x80, $0x38;
	[tilespmem:$0x18400] =	vst v63  }
0x1d9: {  	s8 =	sadd.s32 $0x70, s8;
	s26 =	simm.s32 $0x165B8  }
0x1da: {  	[hbm4b:s8+s3] =	stream.linear.scatter [tilespmem:s26], [sflag:$0x4], $0x80, $0x38;
	[tilespmem:$0x18400] =	vst v63  }
0x1db: {  	s18 =	simm.s32 $0x16640;
	s8 =	sadd.s32 s7, s10  }
0x1dc: {  	[hbm4b:s8+s3] =	stream.linear.scatter [tilespmem:s18], [sflag:$0x4], $0x80, $0x38;
	[tilespmem:$0x18400] =	vst v63  }
0x1dd: {  	s26 =	simm.s32 $0x166C8;
	s20 =	sadd.s32 $0x10, s8  }
0x1de: {  	[hbm4b:s20+s3] =	stream.linear.scatter [tilespmem:s26], [sflag:$0x4], $0x80, $0x38;
	[tilespmem:$0x18400] =	vst v63  }
0x1df: {  	s20 =	sadd.s32 $0x20, s8;
	s26 =	simm.s32 $0x16750  }
0x1e0: {  	[hbm4b:s20+s3] =	stream.linear.scatter [tilespmem:s26], [sflag:$0x4], $0x80, $0x38;
	[tilespmem:$0x18400] =	vst v63  }
0x1e1: {  	s20 =	sadd.s32 $0x30, s8;
	s26 =	simm.s32 $0x167D8  }
0x1e2: {  	[hbm4b:s20+s3] =	stream.linear.scatter [tilespmem:s26], [sflag:$0x4], $0x80, $0x38;
	[tilespmem:$0x18400] =	vst v63  }
0x1e3: {  	s20 =	sadd.s32 $0x40, s8;
	s26 =	simm.s32 $0x16860  }
0x1e4: {  	[hbm4b:s20+s3] =	stream.linear.scatter [tilespmem:s26], [sflag:$0x4], $0x80, $0x38;
	[tilespmem:$0x18400] =	vst v63  }
0x1e5: {  	s20 =	sadd.s32 $0x50, s8;
	s26 =	simm.s32 $0x168E8  }
0x1e6: {  	[hbm4b:s20+s3] =	stream.linear.scatter [tilespmem:s26], [sflag:$0x4], $0x80, $0x38;
	[tilespmem:$0x18400] =	vst v63  }
0x1e7: {  	s18 =	sadd.s32 $0x60, s8;
	s20 =	simm.s32 $0x16970  }
0x1e8: {  	[hbm4b:s18+s3] =	stream.linear.scatter [tilespmem:s20], [sflag:$0x4], $0x80, $0x38;
	[tilespmem:$0x18400] =	vst v63  }
0x1e9: {  	s8 =	sadd.s32 $0x70, s8;
	s26 =	simm.s32 $0x169F8  }
0x1ea: {  	[hbm4b:s8+s3] =	stream.linear.scatter [tilespmem:s26], [sflag:$0x4], $0x80, $0x38;
	[tilespmem:$0x18400] =	vst v63  }
0x1eb: {  	s18 =	simm.s32 $0x16A80;
	s8 =	sadd.s32 s7, s11  }
0x1ec: {  	[hbm4b:s8+s3] =	stream.linear.scatter [tilespmem:s18], [sflag:$0x4], $0x80, $0x38;
	[tilespmem:$0x18400] =	vst v63  }
0x1ed: {  	s26 =	simm.s32 $0x16B08;
	s20 =	sadd.s32 $0x10, s8  }
0x1ee: {  	[hbm4b:s20+s3] =	stream.linear.scatter [tilespmem:s26], [sflag:$0x4], $0x80, $0x38;
	[tilespmem:$0x18400] =	vst v63  }
0x1ef: {  	s20 =	sadd.s32 $0x20, s8;
	s26 =	simm.s32 $0x16B90  }
0x1f0: {  	[hbm4b:s20+s3] =	stream.linear.scatter [tilespmem:s26], [sflag:$0x4], $0x80, $0x38;
	[tilespmem:$0x18400] =	vst v63  }
0x1f1: {  	s20 =	sadd.s32 $0x30, s8;
	s26 =	simm.s32 $0x16C18  }
0x1f2: {  	[hbm4b:s20+s3] =	stream.linear.scatter [tilespmem:s26], [sflag:$0x4], $0x80, $0x38;
	[tilespmem:$0x18400] =	vst v63  }
0x1f3: {  	s20 =	sadd.s32 $0x40, s8;
	s26 =	simm.s32 $0x16CA0  }
0x1f4: {  	[hbm4b:s20+s3] =	stream.linear.scatter [tilespmem:s26], [sflag:$0x4], $0x80, $0x38;
	[tilespmem:$0x18400] =	vst v63  }
0x1f5: {  	s20 =	sadd.s32 $0x50, s8;
	s26 =	simm.s32 $0x16D28  }
0x1f6: {  	[hbm4b:s20+s3] =	stream.linear.scatter [tilespmem:s26], [sflag:$0x4], $0x80, $0x38;
	[tilespmem:$0x18400] =	vst v63  }
0x1f7: {  	s18 =	sadd.s32 $0x60, s8;
	s20 =	simm.s32 $0x16DB0  }
0x1f8: {  	[hbm4b:s18+s3] =	stream.linear.scatter [tilespmem:s20], [sflag:$0x4], $0x80, $0x38;
	[tilespmem:$0x18400] =	vst v63  }
0x1f9: {  	s8 =	sadd.s32 $0x70, s8;
	s26 =	simm.s32 $0x16E38  }
0x1fa: {  	[hbm4b:s8+s3] =	stream.linear.scatter [tilespmem:s26], [sflag:$0x4], $0x80, $0x38;
	[tilespmem:$0x18400] =	vst v63  }
0x1fb: {  	s18 =	simm.s32 $0x16EC0;
	s8 =	sadd.s32 s7, s12  }
0x1fc: {  	[hbm4b:s8+s3] =	stream.linear.scatter [tilespmem:s18], [sflag:$0x4], $0x80, $0x38;
	[tilespmem:$0x18400] =	vst v63  }
0x1fd: {  	s26 =	simm.s32 $0x16F48;
	s20 =	sadd.s32 $0x10, s8  }
0x1fe: {  	[hbm4b:s20+s3] =	stream.linear.scatter [tilespmem:s26], [sflag:$0x4], $0x80, $0x38;
	[tilespmem:$0x18400] =	vst v63  }
0x1ff: {  	s20 =	sadd.s32 $0x20, s8;
	s26 =	simm.s32 $0x16FD0  }
0x200: {  	[hbm4b:s20+s3] =	stream.linear.scatter [tilespmem:s26], [sflag:$0x4], $0x80, $0x38;
	[tilespmem:$0x18400] =	vst v63  }
0x201: {  	s20 =	sadd.s32 $0x30, s8;
	s26 =	simm.s32 $0x17058  }
0x202: {  	[hbm4b:s20+s3] =	stream.linear.scatter [tilespmem:s26], [sflag:$0x4], $0x80, $0x38;
	[tilespmem:$0x18400] =	vst v63  }
0x203: {  	s20 =	sadd.s32 $0x40, s8;
	s26 =	simm.s32 $0x170E0  }
0x204: {  	[hbm4b:s20+s3] =	stream.linear.scatter [tilespmem:s26], [sflag:$0x4], $0x80, $0x38;
	[tilespmem:$0x18400] =	vst v63  }
0x205: {  	s20 =	sadd.s32 $0x50, s8;
	s26 =	simm.s32 $0x17168  }
0x206: {  	[hbm4b:s20+s3] =	stream.linear.scatter [tilespmem:s26], [sflag:$0x4], $0x80, $0x38;
	[tilespmem:$0x18400] =	vst v63  }
0x207: {  	s18 =	sadd.s32 $0x60, s8;
	s20 =	simm.s32 $0x171F0  }
0x208: {  	[hbm4b:s18+s3] =	stream.linear.scatter [tilespmem:s20], [sflag:$0x4], $0x80, $0x38;
	[tilespmem:$0x18400] =	vst v63  }
0x209: {  	s8 =	sadd.s32 $0x70, s8;
	s26 =	simm.s32 $0x17278  }
0x20a: {  	[hbm4b:s8+s3] =	stream.linear.scatter [tilespmem:s26], [sflag:$0x4], $0x80, $0x38;
	[tilespmem:$0x18400] =	vst v63  }
0x20b: {  	s18 =	simm.s32 $0x17300;
	s8 =	sadd.s32 s7, s13  }
0x20c: {  	[hbm4b:s8+s3] =	stream.linear.scatter [tilespmem:s18], [sflag:$0x4], $0x80, $0x38;
	[tilespmem:$0x18400] =	vst v63  }
0x20d: {  	s26 =	simm.s32 $0x17388;
	s20 =	sadd.s32 $0x10, s8  }
0x20e: {  	[hbm4b:s20+s3] =	stream.linear.scatter [tilespmem:s26], [sflag:$0x4], $0x80, $0x38;
	[tilespmem:$0x18400] =	vst v63  }
0x20f: {  	s20 =	sadd.s32 $0x20, s8;
	s26 =	simm.s32 $0x17410  }
0x210: {  	[hbm4b:s20+s3] =	stream.linear.scatter [tilespmem:s26], [sflag:$0x4], $0x80, $0x38;
	[tilespmem:$0x18400] =	vst v63  }
0x211: {  	s20 =	sadd.s32 $0x30, s8;
	s26 =	simm.s32 $0x17498  }
0x212: {  	[hbm4b:s20+s3] =	stream.linear.scatter [tilespmem:s26], [sflag:$0x4], $0x80, $0x38;
	[tilespmem:$0x18400] =	vst v63  }
0x213: {  	s20 =	sadd.s32 $0x40, s8;
	s26 =	simm.s32 $0x17520  }
0x214: {  	[hbm4b:s20+s3] =	stream.linear.scatter [tilespmem:s26], [sflag:$0x4], $0x80, $0x38;
	[tilespmem:$0x18400] =	vst v63  }
0x215: {  	s20 =	sadd.s32 $0x50, s8;
	s26 =	simm.s32 $0x175A8  }
0x216: {  	[hbm4b:s20+s3] =	stream.linear.scatter [tilespmem:s26], [sflag:$0x4], $0x80, $0x38;
	[tilespmem:$0x18400] =	vst v63  }
0x217: {  	s18 =	sadd.s32 $0x60, s8;
	s20 =	simm.s32 $0x17630  }
0x218: {  	[hbm4b:s18+s3] =	stream.linear.scatter [tilespmem:s20], [sflag:$0x4], $0x80, $0x38;
	[tilespmem:$0x18400] =	vst v63  }
0x219: {  	s8 =	sadd.s32 $0x70, s8;
	s26 =	simm.s32 $0x176B8  }
0x21a: {  	[hbm4b:s8+s3] =	stream.linear.scatter [tilespmem:s26], [sflag:$0x4], $0x80, $0x38;
	[tilespmem:$0x18400] =	vst v63  }
0x21b: {  	s18 =	simm.s32 $0x17740;
	s8 =	sadd.s32 s7, s14  }
0x21c: {  	[hbm4b:s8+s3] =	stream.linear.scatter [tilespmem:s18], [sflag:$0x4], $0x80, $0x38;
	[tilespmem:$0x18400] =	vst v63  }
0x21d: {  	s26 =	simm.s32 $0x177C8;
	s20 =	sadd.s32 $0x10, s8  }
0x21e: {  	[hbm4b:s20+s3] =	stream.linear.scatter [tilespmem:s26], [sflag:$0x4], $0x80, $0x38;
	[tilespmem:$0x18400] =	vst v63  }
0x21f: {  	s20 =	sadd.s32 $0x20, s8;
	s26 =	simm.s32 $0x17850  }
0x220: {  	[hbm4b:s20+s3] =	stream.linear.scatter [tilespmem:s26], [sflag:$0x4], $0x80, $0x38;
	[tilespmem:$0x18400] =	vst v63  }
0x221: {  	s20 =	sadd.s32 $0x30, s8;
	s26 =	simm.s32 $0x178D8  }
0x222: {  	[hbm4b:s20+s3] =	stream.linear.scatter [tilespmem:s26], [sflag:$0x4], $0x80, $0x38;
	[tilespmem:$0x18400] =	vst v63  }
0x223: {  	s20 =	sadd.s32 $0x40, s8;
	s26 =	simm.s32 $0x17960  }
0x224: {  	[hbm4b:s20+s3] =	stream.linear.scatter [tilespmem:s26], [sflag:$0x4], $0x80, $0x38;
	[tilespmem:$0x18400] =	vst v63  }
0x225: {  	s20 =	sadd.s32 $0x50, s8;
	s26 =	simm.s32 $0x179E8  }
0x226: {  	[hbm4b:s20+s3] =	stream.linear.scatter [tilespmem:s26], [sflag:$0x4], $0x80, $0x38;
	[tilespmem:$0x18400] =	vst v63  }
0x227: {  	s18 =	sadd.s32 $0x60, s8;
	s20 =	simm.s32 $0x17A70  }
0x228: {  	[hbm4b:s18+s3] =	stream.linear.scatter [tilespmem:s20], [sflag:$0x4], $0x80, $0x38;
	[tilespmem:$0x18400] =	vst v63  }
0x229: {  	s8 =	sadd.s32 $0x70, s8;
	s26 =	simm.s32 $0x17AF8  }
0x22a: {  	[hbm4b:s8+s3] =	stream.linear.scatter [tilespmem:s26], [sflag:$0x4], $0x80, $0x38;
	[tilespmem:$0x18400] =	vst v63  }
0x22b: {  	s18 =	simm.s32 $0x17B80;
	s8 =	sadd.s32 s7, s15  }
0x22c: {  	[hbm4b:s8+s3] =	stream.linear.scatter [tilespmem:s18], [sflag:$0x4], $0x80, $0x38;
	[tilespmem:$0x18400] =	vst v63  }
0x22d: {  	s26 =	simm.s32 $0x17C08;
	s20 =	sadd.s32 $0x10, s8  }
0x22e: {  	[hbm4b:s20+s3] =	stream.linear.scatter [tilespmem:s26], [sflag:$0x4], $0x80, $0x38;
	[tilespmem:$0x18400] =	vst v63  }
0x22f: {  	s20 =	sadd.s32 $0x20, s8;
	s26 =	simm.s32 $0x17C90  }
0x230: {  	[hbm4b:s20+s3] =	stream.linear.scatter [tilespmem:s26], [sflag:$0x4], $0x80, $0x38;
	[tilespmem:$0x18400] =	vst v63  }
0x231: {  	s20 =	sadd.s32 $0x30, s8;
	s26 =	simm.s32 $0x17D18  }
0x232: {  	[hbm4b:s20+s3] =	stream.linear.scatter [tilespmem:s26], [sflag:$0x4], $0x80, $0x38;
	[tilespmem:$0x18400] =	vst v63  }
0x233: {  	s20 =	sadd.s32 $0x40, s8;
	s26 =	simm.s32 $0x17DA0  }
0x234: {  	[hbm4b:s20+s3] =	stream.linear.scatter [tilespmem:s26], [sflag:$0x4], $0x80, $0x38;
	[tilespmem:$0x18400] =	vst v63  }
0x235: {  	s20 =	sadd.s32 $0x50, s8;
	s26 =	simm.s32 $0x17E28  }
0x236: {  	[hbm4b:s20+s3] =	stream.linear.scatter [tilespmem:s26], [sflag:$0x4], $0x80, $0x38;
	[tilespmem:$0x18400] =	vst v63  }
0x237: {  	s18 =	sadd.s32 $0x60, s8;
	s20 =	simm.s32 $0x17EB0  }
0x238: {  	[hbm4b:s18+s3] =	stream.linear.scatter [tilespmem:s20], [sflag:$0x4], $0x80, $0x38;
	[tilespmem:$0x18400] =	vst v63  }
0x239: {  	s8 =	sadd.s32 $0x70, s8;
	s26 =	simm.s32 $0x17F38  }
0x23a: {  	[hbm4b:s8+s3] =	stream.linear.scatter [tilespmem:s26], [sflag:$0x4], $0x80, $0x38;
	[tilespmem:$0x18400] =	vst v63  }
0x23b: {  	s9 =	simm.s32 $0x17FC0;
	s7 =	sadd.s32 s7, s16  }
0x23c: {  	[hbm4b:s7+s3] =	stream.linear.scatter [tilespmem:s9], [sflag:$0x4], $0x80, $0x38;
	[tilespmem:$0x18400] =	vst v63  }
0x23d: {  	s18 =	sadd.s32 $0x10, s7;
	s20 =	simm.s32 $0x18048  }
0x23e: {  	[hbm4b:s18+s3] =	stream.linear.scatter [tilespmem:s20], [sflag:$0x4], $0x80, $0x38;
	[tilespmem:$0x18400] =	vst v63  }
0x23f: {  	s26 =	sadd.s32 $0x20, s7  }
0x240: {  	[hbm4b:s26+s3] =	stream.linear.scatter [tilespmem:s28], [sflag:$0x4], $0x80, $0x38;
	[tilespmem:$0x18400] =	vst v63  }
0x241: {  	s9 =	sadd.s32 $0x30, s7  }
0x242: {  	[hbm4b:s9+s3] =	stream.linear.scatter [tilespmem:s29], [sflag:$0x4], $0x80, $0x38;
	[tilespmem:$0x18400] =	vst v63  }
0x243: {  	s18 =	sadd.s32 $0x40, s7  }
0x244: {  	[hbm4b:s18+s3] =	stream.linear.scatter [tilespmem:s30], [sflag:$0x4], $0x80, $0x38;
	[tilespmem:$0x18400] =	vst v63  }
0x245: {  	s20 =	sadd.s32 $0x50, s7  }
0x246: {  	[hbm4b:s20+s3] =	stream.linear.scatter [tilespmem:s31], [sflag:$0x4], $0x80, $0x38;
	[tilespmem:$0x18400] =	vst v63  }
0x247: {  	s26 =	sadd.s32 $0x60, s7  }
0x248: {  	[hbm4b:s26+s3] =	stream.linear.scatter [tilespmem:s1], [sflag:$0x4], $0x80, $0x38;
	[tilespmem:$0x18400] =	vst v63  }
0x249: {  	s7 =	sadd.s32 $0x70, s7  }
0x24a: {  	[hbm4b:s7+s3] =	stream.linear.scatter [tilespmem:s0], [sflag:$0x4], $0x80, $0x38;
	[tilespmem:$0x18400] =	vst v63  }
0x24b: {  	s7 =	sadd.s32 $0x3, s22  }
0x24c: {  	p0 =	sge.u32 s7, s17  }
0x24d: {  	s8 =	sshrl.u32 @!p0 s7, $0x7  }
0x24e: {  	s8 =	ssub.s32 @!p0 s8, s6  }
0x24f: {  	s7 =	sshll.u32 @!p0 s7, $0x7;
	s8 =	sshll.u32 @!p0 s8, $0x10  }
0x250: {  	s21 =	sadd.s32 $0x1, s21;
	s7 =	sand.u32 @!p0 $0x3F80, s7;
	s8 =	sshra.s32 @!p0 s8, $0x2  }
0x251: {  	s9 =	simm.s32 @!p0 $0x10000;
	s7 =	sor.u32 @!p0 s7, s8;
	s8 =	simm.s32 @!p0 $0x80  }
0x252: {  	[tilespmem:s9], [sflag:$0x2] =	stream.indirect.gather @!p0 [hbm4b:s5+s8], $0x80, s7, s8, $0xb8;
	[tilespmem:$0x18400] =	vst v63  }
0x253: {  	p0 =	sne.s32 s21, $0x64  }
.Ltmp2:
0x254: {  	_ = 	snop;
	(pc) =	sbr.rel @p0 .LBB2_2-.Ltmp2, $1  }
0x255: {  	_ =	sdelay $0x3  }
0x256: {  	s7 =	simm.s32 $0x3  }
0x257: {  	_ =	swait.ge [sflag:s7], $0x400  }
0x258: {  	[sflag:s7] =	ssyncset.done $0x0  }
0x259: {  	[sflag:s7] =	ssyncadd.s32 $0xFFFFFC00  }
0x25a: {  	_ =	swait.ge [sflag:s7], $0x400  }
0x25b: {  	[sflag:s7] =	ssyncset.done $0x0  }
0x25c: {  	[sflag:s7] =	ssyncadd.s32 $0xFFFFFC00  }
0x25d: {  	_ =	swait.ge [sflag:s7], $0x400  }
0x25e: {  	[sflag:s7] =	ssyncset.done $0x0  }
0x25f: {  	[sflag:s7] =	ssyncadd.s32 $0xFFFFFC00  }
0x260: {  	_ =	swait.ge [sflag:s7], $0x400  }
0x261: {  	[sflag:s7] =	ssyncset.done $0x0  }
0x262: {  	[sflag:s7] =	ssyncadd.s32 $0xFFFFFC00  }
0x263: {  	_ =	swait.ge [sflag:s7], $0x400  }
0x264: {  	[sflag:s7] =	ssyncset.done $0x0  }
0x265: {  	[sflag:s7] =	ssyncadd.s32 $0xFFFFFC00  }
0x266: {  	_ =	swait.ge [sflag:s7], $0x400  }
0x267: {  	[sflag:s7] =	ssyncset.done $0x0  }
0x268: {  	[sflag:s7] =	ssyncadd.s32 $0xFFFFFC00  }
0x269: {  	_ =	swait.ge [sflag:s7], $0x400  }
0x26a: {  	[sflag:s7] =	ssyncset.done $0x0  }
0x26b: {  	[sflag:s7] =	ssyncadd.s32 $0xFFFFFC00  }
0x26c: {  	_ =	swait.ge [sflag:s7], $0x400  }
0x26d: {  	[sflag:s7] =	ssyncset.done $0x0  }
0x26e: {  	s8 =	simm.s32 $0x4;
	[sflag:s7] =	ssyncadd.s32 $0xFFFFFC00  }
0x26f: {  	_ =	swait.ge [sflag:s8], $0x400  }
0x270: {  	[sflag:s8] =	ssyncset.done $0x0  }
0x271: {  	[sflag:s8] =	ssyncadd.s32 $0xFFFFFC00  }
0x272: {  	_ =	swait.ge [sflag:s8], $0x400  }
0x273: {  	[sflag:s8] =	ssyncset.done $0x0  }
0x274: {  	[sflag:s8] =	ssyncadd.s32 $0xFFFFFC00  }
0x275: {  	_ =	swait.ge [sflag:s8], $0x400  }
0x276: {  	[sflag:s8] =	ssyncset.done $0x0  }
0x277: {  	[sflag:s8] =	ssyncadd.s32 $0xFFFFFC00  }
0x278: {  	_ =	swait.ge [sflag:s8], $0x400  }
0x279: {  	[sflag:s8] =	ssyncset.done $0x0  }
0x27a: {  	[sflag:s8] =	ssyncadd.s32 $0xFFFFFC00  }
0x27b: {  	_ =	swait.ge [sflag:s8], $0x400  }
0x27c: {  	[sflag:s8] =	ssyncset.done $0x0  }
0x27d: {  	[sflag:s8] =	ssyncadd.s32 $0xFFFFFC00  }
0x27e: {  	_ =	swait.ge [sflag:s8], $0x400  }
0x27f: {  	[sflag:s8] =	ssyncset.done $0x0  }
0x280: {  	[sflag:s8] =	ssyncadd.s32 $0xFFFFFC00  }
0x281: {  	_ =	swait.ge [sflag:s8], $0x400  }
0x282: {  	[sflag:s8] =	ssyncset.done $0x0  }
0x283: {  	[sflag:s8] =	ssyncadd.s32 $0xFFFFFC00  }
0x284: {  	_ =	swait.ge [sflag:s8], $0x400  }
0x285: {  	s9 =	rddreg [dreg:$0x7]  }
0x286: {  	s26 =	rddreg [dreg:$0x6];
	s9 =	sadd.s32 $0x1, s9  }
0x287: {  	p0 =	sne.s32 s9, s26  }
.Ltmp3:
0x288: {  	_ = 	snop;
	(pc) =	sbr.rel @p0 .LBB2_1-.Ltmp3, $3  }
0x289: {  	_ =	sdelay $0x1  }
0x28a: {  	[sflag:s8] =	ssyncset.done $0x0  }
0x28b: {  	[sflag:s8] =	ssyncadd.s32 $0xFFFFFC00  }
0x28c: {  	_ =	sfence.sel $0x180000  }
0x28d: {  	[bflag:$0x0] =	sbarrier.arrive $0xFFFF  }
0x28e: {  	_ =	strace $0x90000047  }
0x28f: {  	s0 =	stileid.u32;
	[bflag:$0x2] =	sbarrier.arrive $0xFFFF  }
0x290: {  	p0 =	sne.s32 s0, $0x0;
	s0 =	rddreg [dreg:$0x2]  }
0x291: {  	s0 =	sadd.s32 @!p0 $0x100000, s0  }
0x292: {  	[sflag:s0] =	ssyncadd.tile.s32 @!p0 $0x1;
	_ =	shalt  }
.Lfunc_end2:
_tile_overlayer_lowered:
.L_overlay_start_2:
0x293: {  	(tag) =	ssettag $0x2  }
0x294: {  	s0 =	rddreg [dreg:$0x0];
	s2 =	stileid.u32  }
0x295: {  	s1 =	rddreg [dreg:$0x1];
	p0 =	sne.s32 s2, $0x0  }
0x296: {  	s3 =	rddreg [dreg:$0x2];
	[bflag:$0x3] =	sbarrier.arrive $0xFFFF;
	s2 =	simm.s32 @!p0 $0x1C05  }
0x297: {  	[timem:s3], [sflag:s2] =	dma.local @!p0 [hbm:s0], s1  }
0x298: {  	s0 =	simm.s32 @!p0 $0x5  }
0x299: {  	_ =	swait.ge @!p0 [sflag:s0], s1  }
0x29a: {  	s1 =	ssub.s32 @!p0 $0x0, s1;
	[sflag:s0] =	ssyncset.done @!p0 $0x0  }
0x29b: {  	[sflag:s0] =	ssyncadd.s32 @!p0 s1  }
0x29c: {  	[bflag:$0x3] =	sbarrier.arrive $0xFFFF  }
0x29d: {  	_ =	shalt  }

</sc_bundles>
